<compile_context>
chip_gen: v7x
topology: tpu7x:2x2x1
jax: 0.10.2.dev20260603
libtpu: 0.0.44.dev20260713+nightly
codegen_flags: <defaults>
</compile_context>

<pallas_src>
import functools
import math

import jax
import jax.numpy as jnp
from jax import lax
from jax.experimental import pallas as pl
from jax.experimental.pallas import tpu as pltpu
from jax.experimental.pallas import tpu_sc as plsc

N = 10000
E = 320000
D = 128
PW = 16
PT = 8
NC, NS = 2, 16
NW = NC * NS
EPW = E // NW
IW = 80
GK = 5
GCH = GK * IW
GNCH = EPW // GCH
SNCH = EPW // IW
STRIDE = 632
N2 = NS * STRIDE

_MESH_KW = dict(core_axis_name="c", subcore_axis_name="s",
                num_cores=NC, num_subcores=NS)



def _sc_gather_body(feat_hbm, snd_hbm, rcv_hbm,
                    fs_out, fr_out,
                    sidx, ridx, fsbuf, frbuf, sem):
    wid = lax.axis_index("s") * NC + lax.axis_index("c")
    base = wid * EPW

    def step(k, carry):
        start = base + k * GCH
        pltpu.sync_copy(snd_hbm.at[pl.ds(start, GCH)], sidx)
        pltpu.sync_copy(rcv_hbm.at[pl.ds(start, GCH)], ridx)
        ds = []
        for j in range(GK):
            sl = pl.ds(j * IW, IW)
            ds.append(pltpu.async_copy(feat_hbm.at[sidx.at[sl]], fsbuf.at[sl], sem))
            ds.append(pltpu.async_copy(feat_hbm.at[ridx.at[sl]], frbuf.at[sl], sem))
        for d in ds:
            d.wait()
        pltpu.sync_copy(fsbuf, fs_out.at[pl.ds(start, GCH)])
        pltpu.sync_copy(frbuf, fr_out.at[pl.ds(start, GCH)])
        return carry

    lax.fori_loop(0, GNCH, step, 0)


@functools.lru_cache(maxsize=None)
def _sc_gather_kernel():
    mesh = plsc.VectorSubcoreMesh(**_MESH_KW)
    return pl.kernel(
        _sc_gather_body,
        out_type=[
            jax.ShapeDtypeStruct((E, D), jnp.float32),
            jax.ShapeDtypeStruct((E, D), jnp.float32),
        ],
        mesh=mesh,
        scratch_types=[
            pltpu.VMEM((GCH,), jnp.int32),
            pltpu.VMEM((GCH,), jnp.int32),
            pltpu.VMEM((GCH, D), jnp.float32),
            pltpu.VMEM((GCH, D), jnp.float32),
            pltpu.SemaphoreType.DMA,
        ],
        compiler_params=pltpu.CompilerParams(needs_layout_passes=False),
    )




def _sc_geom_body(pos_hbm, snd_hbm, rcv_hbm, geo_out,
                  postab, sidx, ridx, geobuf):
    wid = lax.axis_index("s") * NC + lax.axis_index("c")
    base = wid * EPW
    pltpu.sync_copy(pos_hbm, postab)
    lane = lax.iota(jnp.int32, 16)
    zero = jnp.zeros((16,), jnp.float32)

    def chunk(k, carry):
        start = base + k * GCH
        pltpu.sync_copy(snd_hbm.at[pl.ds(start, GCH)], sidx)
        pltpu.sync_copy(rcv_hbm.at[pl.ds(start, GCH)], ridx)

        def group(g, carry2):
            ids_s = sidx[pl.ds(g * 16, 16)] * PT
            ids_r = ridx[pl.ds(g * 16, 16)] * PT
            rowb = g * (16 * PW) + lane * PW
            v = []
            for c in range(6):
                pcs = plsc.load_gather(postab, [ids_s + c])
                pcr = plsc.load_gather(postab, [ids_r + c])
                vc = pcr - pcs
                plsc.store_scatter(geobuf, [rowb + c], vc)
                v.append(vc)
            sq0 = v[0] * v[0] + v[1] * v[1] + v[2] * v[2]
            sq1 = v[3] * v[3] + v[4] * v[4] + v[5] * v[5]
            plsc.store_scatter(geobuf, [rowb + 6], sq0)
            plsc.store_scatter(geobuf, [rowb + 7], sq1)
            for c in range(8, PW):
                plsc.store_scatter(geobuf, [rowb + c], zero)
            return carry2

        lax.fori_loop(0, GCH // 16, group, 0)
        pltpu.sync_copy(geobuf, geo_out.at[pl.ds(start * PW, GCH * PW)])
        return carry

    lax.fori_loop(0, GNCH, chunk, 0)


@functools.lru_cache(maxsize=None)
def _sc_geom_kernel():
    mesh = plsc.VectorSubcoreMesh(**_MESH_KW)
    return pl.kernel(
        _sc_geom_body,
        out_type=jax.ShapeDtypeStruct((E * PW,), jnp.float32),
        mesh=mesh,
        scratch_types=[
            pltpu.VMEM((N * PT,), jnp.float32),
            pltpu.VMEM((GCH,), jnp.int32),
            pltpu.VMEM((GCH,), jnp.int32),
            pltpu.VMEM((GCH * PW,), jnp.float32),
        ],
        compiler_params=pltpu.CompilerParams(needs_layout_passes=False),
    )




SS = 320
SROWS = SS // IW
NSS = EPW // SS


def _sc_scatter_body(src_hbm, rcv_hbm, zero_hbm,
                     out, acc, idx2, buf, sem):
    c = lax.axis_index("c")
    s = lax.axis_index("s")
    wid = s * NC + c
    r0 = s * STRIDE
    pltpu.sync_copy(zero_hbm.at[pl.ds(r0, STRIDE)], acc.at[pl.ds(r0, STRIDE)])
    plsc.subcore_barrier()
    base = wid * EPW
    row_base = wid * (EPW // IW)

    def round_(k, nrows, start, row):
        a = jnp.minimum((row // 8) * 8, (E // IW) - 16)
        off = row - a
        pltpu.sync_copy(rcv_hbm.at[pl.ds(a, 16)], idx2)
        pltpu.sync_copy(src_hbm.at[pl.ds(start, nrows * IW)],
                        buf.at[pl.ds(0, nrows * IW)])
        ds = []
        for i in range(nrows):
            ds.append(pltpu.async_copy(
                buf.at[pl.ds(i * IW, IW)], acc.at[idx2.at[off + i]], sem,
                add=True))
        for d in ds:
            d.wait()

    def step(k, carry):
        round_(k, SROWS, base + k * SS, row_base + k * SROWS)
        return carry

    lax.fori_loop(0, NSS, step, 0)
    round_(NSS, 1, base + NSS * SS, row_base + NSS * SROWS)
    plsc.subcore_barrier()
    pltpu.sync_copy(acc.at[pl.ds(r0, STRIDE)], out.at[c].at[pl.ds(r0, STRIDE)])


@functools.lru_cache(maxsize=None)
def _sc_scatter_kernel(width=D):
    mesh = plsc.VectorSubcoreMesh(**_MESH_KW)
    return pl.kernel(
        _sc_scatter_body,
        out_type=jax.ShapeDtypeStruct((NC, N2, width), jnp.float32),
        mesh=mesh,
        scratch_types=[
            pltpu.VMEM_SHARED((N2, width), jnp.float32),
            pltpu.VMEM((16, IW), jnp.int32),
            pltpu.VMEM((SS, width), jnp.float32),
            pltpu.SemaphoreType.DMA,
        ],
        compiler_params=pltpu.CompilerParams(needs_layout_passes=False),
    )




def _dot(a, b):
    return lax.dot_general(a, b, (((1,), (0,)), ((), ())),
                           preferred_element_type=jnp.float32)


def _bdot(a, b):
    return lax.dot_general(a.astype(jnp.bfloat16), b.astype(jnp.bfloat16),
                           (((1,), (0,)), ((), ())),
                           preferred_element_type=jnp.float32)


def _edge_body(fs, fr, geo, w1s, w1r, w1g, b1, w2, b2,
               wt1, bt1, wt2, bt2, wx, bx, wi, bi, m16,
               omsg, oshf):
    g16 = geo[...]
    h = jax.nn.silu(_bdot(fs[...], w1s[...]) + _bdot(fr[...], w1r[...])
                    + _dot(g16, w1g[...]) + b1[...])
    m = jax.nn.silu(_bdot(h, w2[...]) + b2[...])
    t = jax.nn.silu(_bdot(m, wt1[...]) + bt1[...])
    t = jax.nn.silu(_bdot(t, wt2[...]) + bt2[...])
    px = _dot(t, wx[...]) + bx[...]
    sq16 = _dot(g16, m16[...])
    ln = jnp.sqrt(jnp.where(sq16 == 0.0, 1e-20, sq16))
    e = jax.nn.sigmoid(_dot(m, wi[...]) + bi[...])
    omsg[...] = m * e[:, 0:1]
    oshf[...] = px * g16 / (1.0 + ln)


def _node_body(am, ash, feat, pos, wh1m, wh1f, bh1, wh2, bh2, wh3, bh3,
               ofeat, opos):
    amv = am[...]
    asv = ash[...]
    m_i = (amv[0] + amv[1]) * (1.0 / math.sqrt(float(N - 1)))
    s_i = (asv[0] + asv[1]) * (1.0 / float(N - 1))
    f = feat[...]
    h = jax.nn.silu(_bdot(m_i, wh1m[...]) + _bdot(f, wh1f[...]) + bh1[...])
    h = jax.nn.silu(_bdot(h, wh2[...]) + bh2[...])
    ofeat[...] = _bdot(h, wh3[...]) + bh3[...] + f
    opos[...] = pos[...] + s_i


BE = 2560
BN = 1000


def _full(shape):
    return pl.BlockSpec(shape, lambda i: (0,) * len(shape))


def _edge_mlp(fs, fr, geo, ws):
    specs = [
        pl.BlockSpec((BE, D), lambda i: (i, 0)),
        pl.BlockSpec((BE, D), lambda i: (i, 0)),
        pl.BlockSpec((BE, PW), lambda i: (i, 0)),
    ] + [_full(w.shape) for w in ws]
    return pl.pallas_call(
        _edge_body,
        grid=(E // BE,),
        in_specs=specs,
        out_specs=[
            pl.BlockSpec((BE, D), lambda i: (i, 0)),
            pl.BlockSpec((BE, PW), lambda i: (i, 0)),
        ],
        out_shape=[
            jax.ShapeDtypeStruct((E, D), jnp.float32),
            jax.ShapeDtypeStruct((E, PW), jnp.float32),
        ],
    )(fs, fr, geo, *ws)


def _node_mlp(am, ash, feat, pos, ws):
    specs = [
        pl.BlockSpec((NC, BN, D), lambda i: (0, i, 0)),
        pl.BlockSpec((NC, BN, PW), lambda i: (0, i, 0)),
        pl.BlockSpec((BN, D), lambda i: (i, 0)),
        pl.BlockSpec((BN, PW), lambda i: (i, 0)),
    ] + [_full(w.shape) for w in ws]
    return pl.pallas_call(
        _node_body,
        grid=(N // BN,),
        in_specs=specs,
        out_specs=[
            pl.BlockSpec((BN, D), lambda i: (i, 0)),
            pl.BlockSpec((BN, PW), lambda i: (i, 0)),
        ],
        out_shape=[
            jax.ShapeDtypeStruct((N, D), jnp.float32),
            jax.ShapeDtypeStruct((N, PW), jnp.float32),
        ],
    )(am, ash, feat, pos, *ws)




def _prep_weights(params):
    f32 = jnp.float32
    (w1, b1), (w2, b2) = params["phi_e"]
    w1s, w1r, w1l = w1[:D], w1[D:2 * D], w1[2 * D:]
    g = jnp.zeros((PW, 2), f32)
    g = g.at[0:3, 0].set(1.0).at[3:6, 1].set(1.0)
    g2 = jnp.zeros((PW, 2), f32)
    g2 = g2.at[6, 0].set(1.0).at[7, 1].set(1.0)
    w1g = g2 @ w1l
    m16 = g2 @ g.T
    (wt1, bt1), (wt2, bt2) = params["phi_x_torso"]
    wx, bx = params["phi_x_out"]
    wx16 = wx @ g.T
    bx16 = (bx @ g.T)[None, :]
    wi, bi = params["phi_inf"]
    wi8 = jnp.pad(wi, ((0, 0), (0, 7)))
    bi8 = jnp.pad(bi, (0, 7))[None, :]
    (wh1, bh1), (wh2, bh2), (wh3, bh3) = params["phi_h"]
    edge_ws = [w1s, w1r, w1g, b1[None, :], w2, b2[None, :],
               wt1, bt1[None, :], wt2, bt2[None, :],
               wx16, bx16, wi8, bi8, m16]
    node_ws = [wh1[:D], wh1[D:], bh1[None, :], wh2, bh2[None, :],
               wh3, bh3[None, :]]
    return edge_ws, node_ws


def kernel(node_positions, node_features, senders, receivers, params):
    n, v, dim = node_positions.shape
    pos_flat = jnp.pad(node_positions.reshape(n, v * dim).astype(jnp.float32),
                       ((0, 0), (0, PT - v * dim))).reshape(n * PT)
    snd = senders.astype(jnp.int32)
    rcv = receivers.astype(jnp.int32)
    edge_ws, node_ws = _prep_weights(params)

    fs, fr = _sc_gather_kernel()(node_features, snd, rcv)
    geo = _sc_geom_kernel()(pos_flat, snd, rcv).reshape(E, PW)
    msg, shf = _edge_mlp(fs, fr, geo, edge_ws)
    zeros = jnp.zeros((N2, D), jnp.float32)
    rcv2 = rcv.reshape(E // IW, IW)
    am = _sc_scatter_kernel(D)(msg, rcv2, zeros)
    ash = _sc_scatter_kernel(PW)(shf, rcv2, jnp.zeros((N2, PW), jnp.float32))
    pos16 = jnp.pad(node_positions.reshape(n, v * dim).astype(jnp.float32),
                    ((0, 0), (0, PW - v * dim)))
    feats_out, pos_out = _node_mlp(am, ash, node_features, pos16, node_ws)
    vectors_out = pos_out[:, :v * dim].reshape(n, v, dim)
    return (vectors_out, feats_out)

# --- scband reference (transcript-rebuilt; emitter-appended) ---
"""Pipeline reference for scband-egcl-22703197127077 (READ-ONLY COPY).

The authoritative reference and input builder live on the scoring server;
editing this copy changes nothing except your own understanding.
"""

import jax, jax.numpy as jnp
import numpy as np

N_NODES = 10000
N_EDGES = 320000
D_FEAT = 128
N_VECTORS = 2
DIM = 3
MLP_UNITS = (128, 128)
NORM_CONST = 1.0


def _linear_params(key, d_in, d_out, scale=None):
    if scale is None:
        scale = 1.0 / np.sqrt(d_in)
    kw, kb = jax.random.split(key)
    W = jax.random.uniform(kw, (d_in, d_out), jnp.float32, -scale, scale)
    b = jnp.zeros((d_out,), jnp.float32)
    return (W, b)


def _mlp_params(key, d_in, dims):
    params = []
    d = d_in
    for u in dims:
        key, sk = jax.random.split(key)
        params.append(_linear_params(sk, d, u))
        d = u
    return params


def setup_inputs(seed: int = 0):
    key = jax.random.key(seed)
    ks = jax.random.split(key, 10)
    node_positions = jax.random.normal(ks[0], (N_NODES, N_VECTORS, DIM), jnp.float32)
    node_features = jax.random.normal(ks[1], (N_NODES, D_FEAT), jnp.float32)
    senders = jax.random.randint(ks[2], (N_EDGES,), 0, N_NODES)
    receivers = jax.random.randint(ks[3], (N_EDGES,), 0, N_NODES)
    edge_in = 2 * D_FEAT + N_VECTORS
    params = {
        "phi_e": _mlp_params(ks[4], edge_in, MLP_UNITS),
        "phi_x_torso": _mlp_params(ks[5], MLP_UNITS[-1], MLP_UNITS),
        "phi_x_out": _linear_params(ks[6], MLP_UNITS[-1], N_VECTORS, scale=0.001),
        "phi_inf": _linear_params(ks[7], MLP_UNITS[-1], 1),
        "phi_h": _mlp_params(ks[8], MLP_UNITS[-1] + D_FEAT, tuple(MLP_UNITS) + (D_FEAT,)),
    }
    return {
        "node_positions": node_positions,
        "node_features": node_features,
        "senders": senders,
        "receivers": receivers,
        "params": params,
    }


def _safe_norm(x, axis, keepdims=False):
    sq = jnp.sum(x ** 2, axis=axis, keepdims=keepdims)
    return jnp.sqrt(jnp.where(sq == 0.0, 1e-20, sq))


def reference(node_positions, node_features, senders, receivers, params):
    n_nodes, n_vectors, dim = node_positions.shape
    avg_num_neighbours = n_nodes - 1
    act = jax.nn.silu
    # edge gathers
    vectors = node_positions[receivers] - node_positions[senders]
    lengths = _safe_norm(vectors, axis=-1, keepdims=False)
    sq_lengths = lengths ** 2
    edge_feat_in = jnp.concatenate(
        [node_features[senders], node_features[receivers], sq_lengths], axis=-1
    )
    # phi_e MLP (activate_final=True)
    h = edge_feat_in
    for W, b in params["phi_e"]:
        h = act(h @ W + b)
    m_ij = h
    # phi_x torso + variance-scaled final linear
    h = m_ij
    for W, b in params["phi_x_torso"]:
        h = act(h @ W + b)
    W, b = params["phi_x_out"]
    phi_x_out = h @ W + b
    shifts_ij = phi_x_out[:, :, None] * vectors / (NORM_CONST + lengths[:, :, None])
    shifts_i = jax.ops.segment_sum(shifts_ij, receivers, num_segments=n_nodes)
    vectors_out = shifts_i / avg_num_neighbours
    # phi_inf gating + message aggregation
    W, b = params["phi_inf"]
    e = jax.nn.sigmoid(m_ij @ W + b)
    m_i = jax.ops.segment_sum(m_ij * e, receivers, num_segments=n_nodes) / jnp.sqrt(
        float(avg_num_neighbours)
    )
    # phi_h MLP (activate_final=False)
    phi_h_in = jnp.concatenate([m_i, node_features], axis=-1)
    h = phi_h_in
    phi_h = params["phi_h"]
    for W, b in phi_h[:-1]:
        h = act(h @ W + b)
    W, b = phi_h[-1]
    features_out = h @ W + b
    # residuals
    features_out = features_out + node_features
    vectors_out = node_positions + vectors_out
    return (vectors_out, features_out)

if __name__ == "__main__":
    import jax
    _d = setup_inputs()
    print(jax.jit(kernel)(*tuple(_d.values())))

</pallas_src>

<mosaic_0001>
#map = affine_map<(d0, d1) -> (0)>
module attributes {stable_mosaic.version = 14 : i64} {
  func.func @_sc_geom_body(%arg0: i32, %arg1: i32, %arg2: memref<80000xf32, #tpu.memory_space<hbm>>, %arg3: memref<320000xi32, #tpu.memory_space<hbm>>, %arg4: memref<320000xi32, #tpu.memory_space<hbm>>, %arg5: memref<5120000xf32, #tpu.memory_space<hbm>>, %arg6: memref<80000xf32, #tpu.memory_space<vmem>>, %arg7: memref<400xi32, #tpu.memory_space<vmem>>, %arg8: memref<400xi32, #tpu.memory_space<vmem>>, %arg9: memref<6400xf32, #tpu.memory_space<vmem>>) attributes {dimension_semantics = [#tpu.dimension_semantics<core_parallel>, #tpu.dimension_semantics<subcore_parallel>], iteration_bounds = array<i64: 2, 16>, scalar_prefetch = 0 : i64, scratch_operands = 4 : i64, tpu.core_type = #tpu.core_type<sc_vector_subcore>, window_params = [{transform_indices = #map}, {transform_indices = #map}, {transform_indices = #map}, {transform_indices = #map}]} {
    %mul3A = arith.constant 2 : i32
    %mul3A_0 = arith.muli %arg1, %mul3A : i32
    %add3A = arith.addi %mul3A_0, %arg0 : i32
    %mul3A_1 = arith.constant 10000 : i32
    %mul3A_2 = arith.muli %add3A, %mul3A_1 : i32
    "tpu.region"() ({
      %run_scoped3A = tpu.sem_alloc : memref<!tpu.dma_semaphore, #tpu.memory_space<semaphore_mem>>
      tpu.enqueue_dma source(%arg2 : memref<80000xf32, #tpu.memory_space<hbm>>) target(%arg6 : memref<80000xf32, #tpu.memory_space<vmem>>) target_semaphore(%run_scoped3A : memref<!tpu.dma_semaphore, #tpu.memory_space<semaphore_mem>>)
      tpu.wait_dma2 semaphore(%run_scoped3A : memref<!tpu.dma_semaphore, #tpu.memory_space<semaphore_mem>>) src(%arg2 : memref<80000xf32, #tpu.memory_space<hbm>>) dst(%arg6 : memref<80000xf32, #tpu.memory_space<vmem>>)
      tpu.yield
    }) : () -> ()
    %iota3A = tpu.iota {dimensions = array<i32: 0>} : vector<16xi32>
    %broadcast_in_dim3A = arith.constant 0.000000e+00 : f32
    %broadcast_in_dim3A_3 = vector.broadcast %broadcast_in_dim3A : f32 to vector<16xf32>
    %scan3A = arith.constant 0 : i32
    %scan3A_4 = arith.constant 0 : i32
    %scan3A_5 = arith.constant 25 : i32
    %scan3A_6 = arith.addi %scan3A_4, %scan3A_5 : i32
    %scan3A_7 = arith.constant 1 : i32
    scf.for %scan3A_9 = %scan3A_4 to %scan3A_6 step %scan3A_7  : i32 {
      %mul3A_10 = arith.constant 400 : i32
      %mul3A_11 = arith.muli %scan3A_9, %mul3A_10 : i32
      %add3A_12 = arith.addi %mul3A_2, %mul3A_11 : i32
      "tpu.region"() ({
        %run_scoped3A = tpu.sem_alloc : memref<!tpu.dma_semaphore, #tpu.memory_space<semaphore_mem>>
        %dma_start3A = tpu.memref_slice %arg3[%add3A_12] : memref<320000xi32, #tpu.memory_space<hbm>> -> memref<400xi32, #tpu.memory_space<hbm>>
        %dma_start3A_21 = tpu.memref_slice %arg3[%add3A_12] : memref<320000xi32, #tpu.memory_space<hbm>> -> memref<400xi32, #tpu.memory_space<hbm>>
        tpu.enqueue_dma source(%dma_start3A_21 : memref<400xi32, #tpu.memory_space<hbm>>) target(%arg7 : memref<400xi32, #tpu.memory_space<vmem>>) target_semaphore(%run_scoped3A : memref<!tpu.dma_semaphore, #tpu.memory_space<semaphore_mem>>)
        %dma_wait3A = tpu.memref_slice %arg3[%add3A_12] : memref<320000xi32, #tpu.memory_space<hbm>> -> memref<400xi32, #tpu.memory_space<hbm>>
        %dma_wait3A_22 = tpu.memref_slice %arg3[%add3A_12] : memref<320000xi32, #tpu.memory_space<hbm>> -> memref<400xi32, #tpu.memory_space<hbm>>
        tpu.wait_dma2 semaphore(%run_scoped3A : memref<!tpu.dma_semaphore, #tpu.memory_space<semaphore_mem>>) src(%dma_wait3A_22 : memref<400xi32, #tpu.memory_space<hbm>>) dst(%arg7 : memref<400xi32, #tpu.memory_space<vmem>>)
        tpu.yield
      }) : () -> ()
      "tpu.region"() ({
        %run_scoped3A = tpu.sem_alloc : memref<!tpu.dma_semaphore, #tpu.memory_space<semaphore_mem>>
        %dma_start3A = tpu.memref_slice %arg4[%add3A_12] : memref<320000xi32, #tpu.memory_space<hbm>> -> memref<400xi32, #tpu.memory_space<hbm>>
        %dma_start3A_21 = tpu.memref_slice %arg4[%add3A_12] : memref<320000xi32, #tpu.memory_space<hbm>> -> memref<400xi32, #tpu.memory_space<hbm>>
        tpu.enqueue_dma source(%dma_start3A_21 : memref<400xi32, #tpu.memory_space<hbm>>) target(%arg8 : memref<400xi32, #tpu.memory_space<vmem>>) target_semaphore(%run_scoped3A : memref<!tpu.dma_semaphore, #tpu.memory_space<semaphore_mem>>)
        %dma_wait3A = tpu.memref_slice %arg4[%add3A_12] : memref<320000xi32, #tpu.memory_space<hbm>> -> memref<400xi32, #tpu.memory_space<hbm>>
        %dma_wait3A_22 = tpu.memref_slice %arg4[%add3A_12] : memref<320000xi32, #tpu.memory_space<hbm>> -> memref<400xi32, #tpu.memory_space<hbm>>
        tpu.wait_dma2 semaphore(%run_scoped3A : memref<!tpu.dma_semaphore, #tpu.memory_space<semaphore_mem>>) src(%dma_wait3A_22 : memref<400xi32, #tpu.memory_space<hbm>>) dst(%arg8 : memref<400xi32, #tpu.memory_space<vmem>>)
        tpu.yield
      }) : () -> ()
      %scan3A_13 = arith.constant 0 : i32
      %scan3A_14 = arith.constant 0 : i32
      %scan3A_15 = arith.constant 25 : i32
      %scan3A_16 = arith.addi %scan3A_14, %scan3A_15 : i32
      %scan3A_17 = arith.constant 1 : i32
      scf.for %scan3A_21 = %scan3A_14 to %scan3A_16 step %scan3A_17  : i32 {
        %mul3A_22 = arith.constant 16 : i32
        %mul3A_23 = arith.muli %scan3A_21, %mul3A_22 : i32
        %get3A = arith.index_cast %mul3A_23 : i32 to index
        %get3A_24 = tpu.vector_load %arg7[%get3A] {strides = array<i32>} : memref<400xi32, #tpu.memory_space<vmem>>, vector<16xi32>,
        %mul3A_25 = arith.constant 8 : i32
        %mul3A_26 = vector.broadcast %mul3A_25 : i32 to vector<16xi32>
        %mul3A_27 = arith.muli %get3A_24, %mul3A_26 : vector<16xi32>
        %mul3A_28 = arith.constant 16 : i32
        %mul3A_29 = arith.muli %scan3A_21, %mul3A_28 : i32
        %get3A_30 = arith.index_cast %mul3A_29 : i32 to index
        %get3A_31 = tpu.vector_load %arg8[%get3A_30] {strides = array<i32>} : memref<400xi32, #tpu.memory_space<vmem>>, vector<16xi32>,
        %mul3A_32 = arith.constant 8 : i32
        %mul3A_33 = vector.broadcast %mul3A_32 : i32 to vector<16xi32>
        %mul3A_34 = arith.muli %get3A_31, %mul3A_33 : vector<16xi32>
        %mul3A_35 = arith.constant 256 : i32
        %mul3A_36 = arith.muli %scan3A_21, %mul3A_35 : i32
        %mul3A_37 = arith.constant 16 : i32
        %mul3A_38 = vector.broadcast %mul3A_37 : i32 to vector<16xi32>
        %mul3A_39 = arith.muli %iota3A, %mul3A_38 : vector<16xi32>
        %add3A_40 = vector.broadcast %mul3A_36 : i32 to vector<16xi32>
        %add3A_41 = arith.addi %add3A_40, %mul3A_39 : vector<16xi32>
        %add3A_42 = arith.constant 0 : i32
        %add3A_43 = vector.broadcast %add3A_42 : i32 to vector<16xi32>
        %add3A_44 = arith.addi %mul3A_27, %add3A_43 : vector<16xi32>
        %gather3A = tpu.vector_load_idx %arg6[%add3A_44] : memref<80000xf32, #tpu.memory_space<vmem>>[vector<16xi32>], vector<16xf32>,
        %add3A_45 = arith.constant 0 : i32
        %add3A_46 = vector.broadcast %add3A_45 : i32 to vector<16xi32>
        %add3A_47 = arith.addi %mul3A_34, %add3A_46 : vector<16xi32>
        %gather3A_48 = tpu.vector_load_idx %arg6[%add3A_47] : memref<80000xf32, #tpu.memory_space<vmem>>[vector<16xi32>], vector<16xf32>,
        %sub3A = arith.subf %gather3A_48, %gather3A : vector<16xf32>
        %add3A_49 = arith.constant 0 : i32
        %add3A_50 = vector.broadcast %add3A_49 : i32 to vector<16xi32>
        %add3A_51 = arith.addi %add3A_41, %add3A_50 : vector<16xi32>
        tpu.vector_store_idx %arg9[%add3A_51], %sub3A : memref<6400xf32, #tpu.memory_space<vmem>>[vector<16xi32>], vector<16xf32>,
        %add3A_52 = arith.constant 1 : i32
        %add3A_53 = vector.broadcast %add3A_52 : i32 to vector<16xi32>
        %add3A_54 = arith.addi %mul3A_27, %add3A_53 : vector<16xi32>
        %gather3A_55 = tpu.vector_load_idx %arg6[%add3A_54] : memref<80000xf32, #tpu.memory_space<vmem>>[vector<16xi32>], vector<16xf32>,
        %add3A_56 = arith.constant 1 : i32
        %add3A_57 = vector.broadcast %add3A_56 : i32 to vector<16xi32>
        %add3A_58 = arith.addi %mul3A_34, %add3A_57 : vector<16xi32>
        %gather3A_59 = tpu.vector_load_idx %arg6[%add3A_58] : memref<80000xf32, #tpu.memory_space<vmem>>[vector<16xi32>], vector<16xf32>,
        %sub3A_60 = arith.subf %gather3A_59, %gather3A_55 : vector<16xf32>
        %add3A_61 = arith.constant 1 : i32
        %add3A_62 = vector.broadcast %add3A_61 : i32 to vector<16xi32>
        %add3A_63 = arith.addi %add3A_41, %add3A_62 : vector<16xi32>
        tpu.vector_store_idx %arg9[%add3A_63], %sub3A_60 : memref<6400xf32, #tpu.memory_space<vmem>>[vector<16xi32>], vector<16xf32>,
        %add3A_64 = arith.constant 2 : i32
        %add3A_65 = vector.broadcast %add3A_64 : i32 to vector<16xi32>
        %add3A_66 = arith.addi %mul3A_27, %add3A_65 : vector<16xi32>
        %gather3A_67 = tpu.vector_load_idx %arg6[%add3A_66] : memref<80000xf32, #tpu.memory_space<vmem>>[vector<16xi32>], vector<16xf32>,
        %add3A_68 = arith.constant 2 : i32
        %add3A_69 = vector.broadcast %add3A_68 : i32 to vector<16xi32>
        %add3A_70 = arith.addi %mul3A_34, %add3A_69 : vector<16xi32>
        %gather3A_71 = tpu.vector_load_idx %arg6[%add3A_70] : memref<80000xf32, #tpu.memory_space<vmem>>[vector<16xi32>], vector<16xf32>,
        %sub3A_72 = arith.subf %gather3A_71, %gather3A_67 : vector<16xf32>
        %add3A_73 = arith.constant 2 : i32
        %add3A_74 = vector.broadcast %add3A_73 : i32 to vector<16xi32>
        %add3A_75 = arith.addi %add3A_41, %add3A_74 : vector<16xi32>
        tpu.vector_store_idx %arg9[%add3A_75], %sub3A_72 : memref<6400xf32, #tpu.memory_space<vmem>>[vector<16xi32>], vector<16xf32>,
        %add3A_76 = arith.constant 3 : i32
        %add3A_77 = vector.broadcast %add3A_76 : i32 to vector<16xi32>
        %add3A_78 = arith.addi %mul3A_27, %add3A_77 : vector<16xi32>
        %gather3A_79 = tpu.vector_load_idx %arg6[%add3A_78] : memref<80000xf32, #tpu.memory_space<vmem>>[vector<16xi32>], vector<16xf32>,
        %add3A_80 = arith.constant 3 : i32
        %add3A_81 = vector.broadcast %add3A_80 : i32 to vector<16xi32>
        %add3A_82 = arith.addi %mul3A_34, %add3A_81 : vector<16xi32>
        %gather3A_83 = tpu.vector_load_idx %arg6[%add3A_82] : memref<80000xf32, #tpu.memory_space<vmem>>[vector<16xi32>], vector<16xf32>,
        %sub3A_84 = arith.subf %gather3A_83, %gather3A_79 : vector<16xf32>
        %add3A_85 = arith.constant 3 : i32
        %add3A_86 = vector.broadcast %add3A_85 : i32 to vector<16xi32>
        %add3A_87 = arith.addi %add3A_41, %add3A_86 : vector<16xi32>
        tpu.vector_store_idx %arg9[%add3A_87], %sub3A_84 : memref<6400xf32, #tpu.memory_space<vmem>>[vector<16xi32>], vector<16xf32>,
        %add3A_88 = arith.constant 4 : i32
        %add3A_89 = vector.broadcast %add3A_88 : i32 to vector<16xi32>
        %add3A_90 = arith.addi %mul3A_27, %add3A_89 : vector<16xi32>
        %gather3A_91 = tpu.vector_load_idx %arg6[%add3A_90] : memref<80000xf32, #tpu.memory_space<vmem>>[vector<16xi32>], vector<16xf32>,
        %add3A_92 = arith.constant 4 : i32
        %add3A_93 = vector.broadcast %add3A_92 : i32 to vector<16xi32>
        %add3A_94 = arith.addi %mul3A_34, %add3A_93 : vector<16xi32>
        %gather3A_95 = tpu.vector_load_idx %arg6[%add3A_94] : memref<80000xf32, #tpu.memory_space<vmem>>[vector<16xi32>], vector<16xf32>,
        %sub3A_96 = arith.subf %gather3A_95, %gather3A_91 : vector<16xf32>
        %add3A_97 = arith.constant 4 : i32
        %add3A_98 = vector.broadcast %add3A_97 : i32 to vector<16xi32>
        %add3A_99 = arith.addi %add3A_41, %add3A_98 : vector<16xi32>
        tpu.vector_store_idx %arg9[%add3A_99], %sub3A_96 : memref<6400xf32, #tpu.memory_space<vmem>>[vector<16xi32>], vector<16xf32>,
        %add3A_100 = arith.constant 5 : i32
        %add3A_101 = vector.broadcast %add3A_100 : i32 to vector<16xi32>
        %add3A_102 = arith.addi %mul3A_27, %add3A_101 : vector<16xi32>
        %gather3A_103 = tpu.vector_load_idx %arg6[%add3A_102] : memref<80000xf32, #tpu.memory_space<vmem>>[vector<16xi32>], vector<16xf32>,
        %add3A_104 = arith.constant 5 : i32
        %add3A_105 = vector.broadcast %add3A_104 : i32 to vector<16xi32>
        %add3A_106 = arith.addi %mul3A_34, %add3A_105 : vector<16xi32>
        %gather3A_107 = tpu.vector_load_idx %arg6[%add3A_106] : memref<80000xf32, #tpu.memory_space<vmem>>[vector<16xi32>], vector<16xf32>,
        %sub3A_108 = arith.subf %gather3A_107, %gather3A_103 : vector<16xf32>
        %add3A_109 = arith.constant 5 : i32
        %add3A_110 = vector.broadcast %add3A_109 : i32 to vector<16xi32>
        %add3A_111 = arith.addi %add3A_41, %add3A_110 : vector<16xi32>
        tpu.vector_store_idx %arg9[%add3A_111], %sub3A_108 : memref<6400xf32, #tpu.memory_space<vmem>>[vector<16xi32>], vector<16xf32>,
        %mul3A_112 = arith.mulf %sub3A, %sub3A : vector<16xf32>
        %mul3A_113 = arith.mulf %sub3A_60, %sub3A_60 : vector<16xf32>
        %add3A_114 = arith.addf %mul3A_112, %mul3A_113 : vector<16xf32>
        %mul3A_115 = arith.mulf %sub3A_72, %sub3A_72 : vector<16xf32>
        %add3A_116 = arith.addf %add3A_114, %mul3A_115 : vector<16xf32>
        %mul3A_117 = arith.mulf %sub3A_84, %sub3A_84 : vector<16xf32>
        %mul3A_118 = arith.mulf %sub3A_96, %sub3A_96 : vector<16xf32>
        %add3A_119 = arith.addf %mul3A_117, %mul3A_118 : vector<16xf32>
        %mul3A_120 = arith.mulf %sub3A_108, %sub3A_108 : vector<16xf32>
        %add3A_121 = arith.addf %add3A_119, %mul3A_120 : vector<16xf32>
        %add3A_122 = arith.constant 6 : i32
        %add3A_123 = vector.broadcast %add3A_122 : i32 to vector<16xi32>
        %add3A_124 = arith.addi %add3A_41, %add3A_123 : vector<16xi32>
        tpu.vector_store_idx %arg9[%add3A_124], %add3A_116 : memref<6400xf32, #tpu.memory_space<vmem>>[vector<16xi32>], vector<16xf32>,
        %add3A_125 = arith.constant 7 : i32
        %add3A_126 = vector.broadcast %add3A_125 : i32 to vector<16xi32>
        %add3A_127 = arith.addi %add3A_41, %add3A_126 : vector<16xi32>
        tpu.vector_store_idx %arg9[%add3A_127], %add3A_121 : memref<6400xf32, #tpu.memory_space<vmem>>[vector<16xi32>], vector<16xf32>,
        %add3A_128 = arith.constant 8 : i32
        %add3A_129 = vector.broadcast %add3A_128 : i32 to vector<16xi32>
        %add3A_130 = arith.addi %add3A_41, %add3A_129 : vector<16xi32>
        tpu.vector_store_idx %arg9[%add3A_130], %broadcast_in_dim3A_3 : memref<6400xf32, #tpu.memory_space<vmem>>[vector<16xi32>], vector<16xf32>,
        %add3A_131 = arith.constant 9 : i32
        %add3A_132 = vector.broadcast %add3A_131 : i32 to vector<16xi32>
        %add3A_133 = arith.addi %add3A_41, %add3A_132 : vector<16xi32>
        tpu.vector_store_idx %arg9[%add3A_133], %broadcast_in_dim3A_3 : memref<6400xf32, #tpu.memory_space<vmem>>[vector<16xi32>], vector<16xf32>,
        %add3A_134 = arith.constant 10 : i32
        %add3A_135 = vector.broadcast %add3A_134 : i32 to vector<16xi32>
        %add3A_136 = arith.addi %add3A_41, %add3A_135 : vector<16xi32>
        tpu.vector_store_idx %arg9[%add3A_136], %broadcast_in_dim3A_3 : memref<6400xf32, #tpu.memory_space<vmem>>[vector<16xi32>], vector<16xf32>,
        %add3A_137 = arith.constant 11 : i32
        %add3A_138 = vector.broadcast %add3A_137 : i32 to vector<16xi32>
        %add3A_139 = arith.addi %add3A_41, %add3A_138 : vector<16xi32>
        tpu.vector_store_idx %arg9[%add3A_139], %broadcast_in_dim3A_3 : memref<6400xf32, #tpu.memory_space<vmem>>[vector<16xi32>], vector<16xf32>,
        %add3A_140 = arith.constant 12 : i32
        %add3A_141 = vector.broadcast %add3A_140 : i32 to vector<16xi32>
        %add3A_142 = arith.addi %add3A_41, %add3A_141 : vector<16xi32>
        tpu.vector_store_idx %arg9[%add3A_142], %broadcast_in_dim3A_3 : memref<6400xf32, #tpu.memory_space<vmem>>[vector<16xi32>], vector<16xf32>,
        %add3A_143 = arith.constant 13 : i32
        %add3A_144 = vector.broadcast %add3A_143 : i32 to vector<16xi32>
        %add3A_145 = arith.addi %add3A_41, %add3A_144 : vector<16xi32>
        tpu.vector_store_idx %arg9[%add3A_145], %broadcast_in_dim3A_3 : memref<6400xf32, #tpu.memory_space<vmem>>[vector<16xi32>], vector<16xf32>,
        %add3A_146 = arith.constant 14 : i32
        %add3A_147 = vector.broadcast %add3A_146 : i32 to vector<16xi32>
        %add3A_148 = arith.addi %add3A_41, %add3A_147 : vector<16xi32>
        tpu.vector_store_idx %arg9[%add3A_148], %broadcast_in_dim3A_3 : memref<6400xf32, #tpu.memory_space<vmem>>[vector<16xi32>], vector<16xf32>,
        %add3A_149 = arith.constant 15 : i32
        %add3A_150 = vector.broadcast %add3A_149 : i32 to vector<16xi32>
        %add3A_151 = arith.addi %add3A_41, %add3A_150 : vector<16xi32>
        tpu.vector_store_idx %arg9[%add3A_151], %broadcast_in_dim3A_3 : memref<6400xf32, #tpu.memory_space<vmem>>[vector<16xi32>], vector<16xf32>,
      }
      %scan3A_18 = arith.constant 25 : i32
      %mul3A_19 = arith.constant 16 : i32
      %mul3A_20 = arith.muli %add3A_12, %mul3A_19 : i32
      "tpu.region"() ({
        %run_scoped3A = tpu.sem_alloc : memref<!tpu.dma_semaphore, #tpu.memory_space<semaphore_mem>>
        %dma_start3A = tpu.memref_slice %arg5[%mul3A_20] : memref<5120000xf32, #tpu.memory_space<hbm>> -> memref<6400xf32, #tpu.memory_space<hbm>>
        %dma_start3A_21 = tpu.memref_slice %arg5[%mul3A_20] : memref<5120000xf32, #tpu.memory_space<hbm>> -> memref<6400xf32, #tpu.memory_space<hbm>>
        tpu.enqueue_dma source(%arg9 : memref<6400xf32, #tpu.memory_space<vmem>>) target(%dma_start3A_21 : memref<6400xf32, #tpu.memory_space<hbm>>) target_semaphore(%run_scoped3A : memref<!tpu.dma_semaphore, #tpu.memory_space<semaphore_mem>>)
        %dma_wait3A = tpu.memref_slice %arg5[%mul3A_20] : memref<5120000xf32, #tpu.memory_space<hbm>> -> memref<6400xf32, #tpu.memory_space<hbm>>
        %dma_wait3A_22 = tpu.memref_slice %arg5[%mul3A_20] : memref<5120000xf32, #tpu.memory_space<hbm>> -> memref<6400xf32, #tpu.memory_space<hbm>>
        tpu.wait_dma2 semaphore(%run_scoped3A : memref<!tpu.dma_semaphore, #tpu.memory_space<semaphore_mem>>) src(%arg9 : memref<6400xf32, #tpu.memory_space<vmem>>) dst(%dma_wait3A_22 : memref<6400xf32, #tpu.memory_space<hbm>>)
        tpu.yield
      }) : () -> ()
    }
    %scan3A_8 = arith.constant 25 : i32
    return
  }
}

#map = affine_map<(d0, d1) -> (0, 0)>
#map1 = affine_map<(d0, d1) -> (0, 0, 0)>
module attributes {stable_mosaic.version = 14 : i64} {
  func.func @_sc_scatter_body(%arg0: i32, %arg1: i32, %arg2: memref<320000x16xf32, #tpu.memory_space<hbm>>, %arg3: memref<4000x80xi32, #tpu.memory_space<hbm>>, %arg4: memref<10112x16xf32, #tpu.memory_space<hbm>>, %arg5: memref<2x10112x16xf32, #tpu.memory_space<hbm>>, %arg6: memref<10112x16xf32, #tpu.memory_space<vmem_shared>>, %arg7: memref<16x80xi32, #tpu.memory_space<vmem>>, %arg8: memref<320x16xf32, #tpu.memory_space<vmem>>, %arg9: memref<!tpu.dma_semaphore, #tpu.memory_space<semaphore_mem>>) attributes {dimension_semantics = [#tpu.dimension_semantics<core_parallel>, #tpu.dimension_semantics<subcore_parallel>], iteration_bounds = array<i64: 2, 16>, scalar_prefetch = 0 : i64, scratch_operands = 4 : i64, tpu.core_type = #tpu.core_type<sc_vector_subcore>, window_params = [{transform_indices = #map}, {transform_indices = #map}, {transform_indices = #map}, {transform_indices = #map1}]} {
    %mul3A = arith.constant 2 : i32
    %mul3A_0 = arith.muli %arg1, %mul3A : i32
    %add3A = arith.addi %mul3A_0, %arg0 : i32
    %mul3A_1 = arith.constant 632 : i32
    %mul3A_2 = arith.muli %arg1, %mul3A_1 : i32
    "tpu.region"() ({
      %run_scoped3A = tpu.sem_alloc : memref<!tpu.dma_semaphore, #tpu.memory_space<semaphore_mem>>
      %dma_start3A_55 = arith.constant 0 : i32
      %dma_start3A_56 = tpu.memref_slice %arg6[%mul3A_2, %dma_start3A_55] : memref<10112x16xf32, #tpu.memory_space<vmem_shared>> -> memref<632x16xf32, #tpu.memory_space<vmem_shared>>
      %dma_start3A_57 = arith.constant 0 : i32
      %dma_start3A_58 = tpu.memref_slice %arg4[%mul3A_2, %dma_start3A_57] : memref<10112x16xf32, #tpu.memory_space<hbm>> -> memref<632x16xf32, #tpu.memory_space<hbm>>
      tpu.enqueue_dma source(%dma_start3A_58 : memref<632x16xf32, #tpu.memory_space<hbm>>) target(%dma_start3A_56 : memref<632x16xf32, #tpu.memory_space<vmem_shared>>) target_semaphore(%run_scoped3A : memref<!tpu.dma_semaphore, #tpu.memory_space<semaphore_mem>>)
      %dma_wait3A_59 = arith.constant 0 : i32
      %dma_wait3A_60 = tpu.memref_slice %arg6[%mul3A_2, %dma_wait3A_59] : memref<10112x16xf32, #tpu.memory_space<vmem_shared>> -> memref<632x16xf32, #tpu.memory_space<vmem_shared>>
      %dma_wait3A_61 = arith.constant 0 : i32
      %dma_wait3A_62 = tpu.memref_slice %arg4[%mul3A_2, %dma_wait3A_61] : memref<10112x16xf32, #tpu.memory_space<hbm>> -> memref<632x16xf32, #tpu.memory_space<hbm>>
      tpu.wait_dma2 semaphore(%run_scoped3A : memref<!tpu.dma_semaphore, #tpu.memory_space<semaphore_mem>>) src(%dma_wait3A_62 : memref<632x16xf32, #tpu.memory_space<hbm>>) dst(%dma_wait3A_60 : memref<632x16xf32, #tpu.memory_space<vmem_shared>>)
      tpu.yield
    }) : () -> ()
    %barrier3A = arith.constant 0 : index
    tpu.barrier barrier_id(%barrier3A)
    %mul3A_3 = arith.constant 10000 : i32
    %mul3A_4 = arith.muli %add3A, %mul3A_3 : i32
    %mul3A_5 = arith.constant 125 : i32
    %mul3A_6 = arith.muli %add3A, %mul3A_5 : i32
    %scan3A = arith.constant 0 : i32
    %scan3A_7 = arith.constant 0 : i32
    %scan3A_8 = arith.constant 31 : i32
    %scan3A_9 = arith.addi %scan3A_7, %scan3A_8 : i32
    %scan3A_10 = arith.constant 1 : i32
    scf.for %scan3A_55 = %scan3A_7 to %scan3A_9 step %scan3A_10  : i32 {
      %mul3A_56 = arith.constant 320 : i32
      %mul3A_57 = arith.muli %scan3A_55, %mul3A_56 : i32
      %add3A_58 = arith.addi %mul3A_4, %mul3A_57 : i32
      %mul3A_59 = arith.constant 4 : i32
      %mul3A_60 = arith.muli %scan3A_55, %mul3A_59 : i32
      %add3A_61 = arith.addi %mul3A_6, %mul3A_60 : i32
      %jit3A_62 = arith.constant 8 : i32
      %div3A_63 = arith.divsi %add3A_61, %jit3A_62 : i32
      %sign3A_64 = arith.constant 0 : i32
      %sign3A_65 = arith.cmpi sgt, %add3A_61, %sign3A_64 : i32
      %sign3A_66 = arith.extui %sign3A_65 : i1 to i32
      %sign3A_67 = arith.constant 0 : i32
      %sign3A_68 = arith.cmpi slt, %add3A_61, %sign3A_67 : i32
      %sign3A_69 = arith.extui %sign3A_68 : i1 to i32
      %sign3A_70 = arith.subi %sign3A_66, %sign3A_69 : i32
      %sign3A_71 = arith.constant 0 : i32
      %sign3A_72 = arith.cmpi sgt, %jit3A_62, %sign3A_71 : i32
      %sign3A_73 = arith.extui %sign3A_72 : i1 to i32
      %sign3A_74 = arith.constant 0 : i32
      %sign3A_75 = arith.cmpi slt, %jit3A_62, %sign3A_74 : i32
      %sign3A_76 = arith.extui %sign3A_75 : i1 to i32
      %sign3A_77 = arith.subi %sign3A_73, %sign3A_76 : i32
      %ne3A_78 = arith.cmpi ne, %sign3A_70, %sign3A_77 : i32
      %rem3A_79 = arith.remsi %add3A_61, %jit3A_62 : i32
      %ne3A_80 = arith.constant 0 : i32
      %ne3A_81 = arith.cmpi ne, %rem3A_79, %ne3A_80 : i32
      %and3A_82 = arith.andi %ne3A_78, %ne3A_81 : i1
      %sub3A_83 = arith.constant 1 : i32
      %sub3A_84 = arith.subi %div3A_63, %sub3A_83 : i32
      %select_n3A_85 = arith.select %and3A_82, %sub3A_84, %div3A_63 : i32
      %mul3A_86 = arith.constant 8 : i32
      %mul3A_87 = arith.muli %select_n3A_85, %mul3A_86 : i32
      %min3A_88 = arith.constant 3984 : i32
      %min3A_89 = arith.minsi %mul3A_87, %min3A_88 : i32
      %sub3A_90 = arith.subi %add3A_61, %min3A_89 : i32
      "tpu.region"() ({
        %run_scoped3A = tpu.sem_alloc : memref<!tpu.dma_semaphore, #tpu.memory_space<semaphore_mem>>
        %dma_start3A_171 = arith.constant 0 : i32
        %dma_start3A_172 = tpu.memref_slice %arg3[%min3A_89, %dma_start3A_171] : memref<4000x80xi32, #tpu.memory_space<hbm>> -> memref<16x80xi32, #tpu.memory_space<hbm>>
        %dma_start3A_173 = arith.constant 0 : i32
        %dma_start3A_174 = tpu.memref_slice %arg3[%min3A_89, %dma_start3A_173] : memref<4000x80xi32, #tpu.memory_space<hbm>> -> memref<16x80xi32, #tpu.memory_space<hbm>>
        tpu.enqueue_dma source(%dma_start3A_174 : memref<16x80xi32, #tpu.memory_space<hbm>>) target(%arg7 : memref<16x80xi32, #tpu.memory_space<vmem>>) target_semaphore(%run_scoped3A : memref<!tpu.dma_semaphore, #tpu.memory_space<semaphore_mem>>)
        %dma_wait3A_175 = arith.constant 0 : i32
        %dma_wait3A_176 = tpu.memref_slice %arg3[%min3A_89, %dma_wait3A_175] : memref<4000x80xi32, #tpu.memory_space<hbm>> -> memref<16x80xi32, #tpu.memory_space<hbm>>
        %dma_wait3A_177 = arith.constant 0 : i32
        %dma_wait3A_178 = tpu.memref_slice %arg3[%min3A_89, %dma_wait3A_177] : memref<4000x80xi32, #tpu.memory_space<hbm>> -> memref<16x80xi32, #tpu.memory_space<hbm>>
        tpu.wait_dma2 semaphore(%run_scoped3A : memref<!tpu.dma_semaphore, #tpu.memory_space<semaphore_mem>>) src(%dma_wait3A_178 : memref<16x80xi32, #tpu.memory_space<hbm>>) dst(%arg7 : memref<16x80xi32, #tpu.memory_space<vmem>>)
        tpu.yield
      }) : () -> ()
      "tpu.region"() ({
        %run_scoped3A = tpu.sem_alloc : memref<!tpu.dma_semaphore, #tpu.memory_space<semaphore_mem>>
        %dma_start3A_171 = arith.constant 0 : i32
        %dma_start3A_172 = arith.constant 0 : i32
        %dma_start3A_173 = tpu.memref_slice %arg8[%dma_start3A_171, %dma_start3A_172] : memref<320x16xf32, #tpu.memory_space<vmem>> -> memref<320x16xf32, #tpu.memory_space<vmem>>
        %dma_start3A_174 = arith.constant 0 : i32
        %dma_start3A_175 = tpu.memref_slice %arg2[%add3A_58, %dma_start3A_174] : memref<320000x16xf32, #tpu.memory_space<hbm>> -> memref<320x16xf32, #tpu.memory_space<hbm>>
        %dma_start3A_176 = arith.constant 0 : i32
        %dma_start3A_177 = arith.constant 0 : i32
        %dma_start3A_178 = tpu.memref_slice %arg8[%dma_start3A_176, %dma_start3A_177] : memref<320x16xf32, #tpu.memory_space<vmem>> -> memref<320x16xf32, #tpu.memory_space<vmem>>
        %dma_start3A_179 = arith.constant 0 : i32
        %dma_start3A_180 = tpu.memref_slice %arg2[%add3A_58, %dma_start3A_179] : memref<320000x16xf32, #tpu.memory_space<hbm>> -> memref<320x16xf32, #tpu.memory_space<hbm>>
        tpu.enqueue_dma source(%dma_start3A_180 : memref<320x16xf32, #tpu.memory_space<hbm>>) target(%dma_start3A_178 : memref<320x16xf32, #tpu.memory_space<vmem>>) target_semaphore(%run_scoped3A : memref<!tpu.dma_semaphore, #tpu.memory_space<semaphore_mem>>)
        %dma_wait3A_181 = arith.constant 0 : i32
        %dma_wait3A_182 = arith.constant 0 : i32
        %dma_wait3A_183 = tpu.memref_slice %arg8[%dma_wait3A_181, %dma_wait3A_182] : memref<320x16xf32, #tpu.memory_space<vmem>> -> memref<320x16xf32, #tpu.memory_space<vmem>>
        %dma_wait3A_184 = arith.constant 0 : i32
        %dma_wait3A_185 = tpu.memref_slice %arg2[%add3A_58, %dma_wait3A_184] : memref<320000x16xf32, #tpu.memory_space<hbm>> -> memref<320x16xf32, #tpu.memory_space<hbm>>
        %dma_wait3A_186 = arith.constant 0 : i32
        %dma_wait3A_187 = arith.constant 0 : i32
        %dma_wait3A_188 = tpu.memref_slice %arg8[%dma_wait3A_186, %dma_wait3A_187] : memref<320x16xf32, #tpu.memory_space<vmem>> -> memref<320x16xf32, #tpu.memory_space<vmem>>
        %dma_wait3A_189 = arith.constant 0 : i32
        %dma_wait3A_190 = tpu.memref_slice %arg2[%add3A_58, %dma_wait3A_189] : memref<320000x16xf32, #tpu.memory_space<hbm>> -> memref<320x16xf32, #tpu.memory_space<hbm>>
        tpu.wait_dma2 semaphore(%run_scoped3A : memref<!tpu.dma_semaphore, #tpu.memory_space<semaphore_mem>>) src(%dma_wait3A_190 : memref<320x16xf32, #tpu.memory_space<hbm>>) dst(%dma_wait3A_188 : memref<320x16xf32, #tpu.memory_space<vmem>>)
        tpu.yield
      }) : () -> ()
      %add3A_91 = arith.constant 0 : i32
      %add3A_92 = arith.addi %sub3A_90, %add3A_91 : i32
      %dma_start3A_93 = arith.constant 0 : i32
      %dma_start3A_94 = arith.constant 0 : i32
      %dma_start3A_95 = tpu.memref_slice %arg8[%dma_start3A_93, %dma_start3A_94] : memref<320x16xf32, #tpu.memory_space<vmem>> -> memref<80x16xf32, #tpu.memory_space<vmem>>
      %dma_start3A_96 = arith.constant 0 : i32
      %dma_start3A_97 = tpu.memref_slice %arg7[%add3A_92, %dma_start3A_96] : memref<16x80xi32, #tpu.memory_space<vmem>> -> memref<1x80xi32, #tpu.memory_space<vmem>>
      %dma_start3A_98 = tpu.memref_squeeze %dma_start3A_97 : memref<1x80xi32, #tpu.memory_space<vmem>> -> memref<80xi32, #tpu.memory_space<vmem>>
      %dma_start3A_99 = arith.constant 0 : i32
      %dma_start3A_100 = arith.constant 0 : i32
      %dma_start3A_101 = tpu.memref_slice %arg6[%dma_start3A_99, %dma_start3A_100] : memref<10112x16xf32, #tpu.memory_space<vmem_shared>> -> memref<10112x16xf32, #tpu.memory_space<vmem_shared>>
      tpu.enqueue_indirect_dma source(%dma_start3A_95 : memref<80x16xf32, #tpu.memory_space<vmem>>) target(%dma_start3A_101 : memref<10112x16xf32, #tpu.memory_space<vmem_shared>>) offsets(%dma_start3A_98 : memref<80xi32, #tpu.memory_space<vmem>>) semaphore(%arg9 : memref<!tpu.dma_semaphore, #tpu.memory_space<semaphore_mem>>) {add = true}
      %add3A_102 = arith.constant 1 : i32
      %add3A_103 = arith.addi %sub3A_90, %add3A_102 : i32
      %dma_start3A_104 = arith.constant 80 : i32
      %dma_start3A_105 = arith.constant 0 : i32
      %dma_start3A_106 = tpu.memref_slice %arg8[%dma_start3A_104, %dma_start3A_105] : memref<320x16xf32, #tpu.memory_space<vmem>> -> memref<80x16xf32, #tpu.memory_space<vmem>>
      %dma_start3A_107 = arith.constant 0 : i32
      %dma_start3A_108 = tpu.memref_slice %arg7[%add3A_103, %dma_start3A_107] : memref<16x80xi32, #tpu.memory_space<vmem>> -> memref<1x80xi32, #tpu.memory_space<vmem>>
      %dma_start3A_109 = tpu.memref_squeeze %dma_start3A_108 : memref<1x80xi32, #tpu.memory_space<vmem>> -> memref<80xi32, #tpu.memory_space<vmem>>
      %dma_start3A_110 = arith.constant 0 : i32
      %dma_start3A_111 = arith.constant 0 : i32
      %dma_start3A_112 = tpu.memref_slice %arg6[%dma_start3A_110, %dma_start3A_111] : memref<10112x16xf32, #tpu.memory_space<vmem_shared>> -> memref<10112x16xf32, #tpu.memory_space<vmem_shared>>
      tpu.enqueue_indirect_dma source(%dma_start3A_106 : memref<80x16xf32, #tpu.memory_space<vmem>>) target(%dma_start3A_112 : memref<10112x16xf32, #tpu.memory_space<vmem_shared>>) offsets(%dma_start3A_109 : memref<80xi32, #tpu.memory_space<vmem>>) semaphore(%arg9 : memref<!tpu.dma_semaphore, #tpu.memory_space<semaphore_mem>>) {add = true}
      %add3A_113 = arith.constant 2 : i32
      %add3A_114 = arith.addi %sub3A_90, %add3A_113 : i32
      %dma_start3A_115 = arith.constant 160 : i32
      %dma_start3A_116 = arith.constant 0 : i32
      %dma_start3A_117 = tpu.memref_slice %arg8[%dma_start3A_115, %dma_start3A_116] : memref<320x16xf32, #tpu.memory_space<vmem>> -> memref<80x16xf32, #tpu.memory_space<vmem>>
      %dma_start3A_118 = arith.constant 0 : i32
      %dma_start3A_119 = tpu.memref_slice %arg7[%add3A_114, %dma_start3A_118] : memref<16x80xi32, #tpu.memory_space<vmem>> -> memref<1x80xi32, #tpu.memory_space<vmem>>
      %dma_start3A_120 = tpu.memref_squeeze %dma_start3A_119 : memref<1x80xi32, #tpu.memory_space<vmem>> -> memref<80xi32, #tpu.memory_space<vmem>>
      %dma_start3A_121 = arith.constant 0 : i32
      %dma_start3A_122 = arith.constant 0 : i32
      %dma_start3A_123 = tpu.memref_slice %arg6[%dma_start3A_121, %dma_start3A_122] : memref<10112x16xf32, #tpu.memory_space<vmem_shared>> -> memref<10112x16xf32, #tpu.memory_space<vmem_shared>>
      tpu.enqueue_indirect_dma source(%dma_start3A_117 : memref<80x16xf32, #tpu.memory_space<vmem>>) target(%dma_start3A_123 : memref<10112x16xf32, #tpu.memory_space<vmem_shared>>) offsets(%dma_start3A_120 : memref<80xi32, #tpu.memory_space<vmem>>) semaphore(%arg9 : memref<!tpu.dma_semaphore, #tpu.memory_space<semaphore_mem>>) {add = true}
      %add3A_124 = arith.constant 3 : i32
      %add3A_125 = arith.addi %sub3A_90, %add3A_124 : i32
      %dma_start3A_126 = arith.constant 240 : i32
      %dma_start3A_127 = arith.constant 0 : i32
      %dma_start3A_128 = tpu.memref_slice %arg8[%dma_start3A_126, %dma_start3A_127] : memref<320x16xf32, #tpu.memory_space<vmem>> -> memref<80x16xf32, #tpu.memory_space<vmem>>
      %dma_start3A_129 = arith.constant 0 : i32
      %dma_start3A_130 = tpu.memref_slice %arg7[%add3A_125, %dma_start3A_129] : memref<16x80xi32, #tpu.memory_space<vmem>> -> memref<1x80xi32, #tpu.memory_space<vmem>>
      %dma_start3A_131 = tpu.memref_squeeze %dma_start3A_130 : memref<1x80xi32, #tpu.memory_space<vmem>> -> memref<80xi32, #tpu.memory_space<vmem>>
      %dma_start3A_132 = arith.constant 0 : i32
      %dma_start3A_133 = arith.constant 0 : i32
      %dma_start3A_134 = tpu.memref_slice %arg6[%dma_start3A_132, %dma_start3A_133] : memref<10112x16xf32, #tpu.memory_space<vmem_shared>> -> memref<10112x16xf32, #tpu.memory_space<vmem_shared>>
      tpu.enqueue_indirect_dma source(%dma_start3A_128 : memref<80x16xf32, #tpu.memory_space<vmem>>) target(%dma_start3A_134 : memref<10112x16xf32, #tpu.memory_space<vmem_shared>>) offsets(%dma_start3A_131 : memref<80xi32, #tpu.memory_space<vmem>>) semaphore(%arg9 : memref<!tpu.dma_semaphore, #tpu.memory_space<semaphore_mem>>) {add = true}
      %dma_wait3A_135 = arith.constant 0 : i32
      %dma_wait3A_136 = arith.constant 0 : i32
      %dma_wait3A_137 = tpu.memref_slice %arg8[%dma_wait3A_135, %dma_wait3A_136] : memref<320x16xf32, #tpu.memory_space<vmem>> -> memref<80x16xf32, #tpu.memory_space<vmem>>
      %dma_wait3A_138 = arith.constant 0 : i32
      %dma_wait3A_139 = tpu.memref_slice %arg7[%add3A_92, %dma_wait3A_138] : memref<16x80xi32, #tpu.memory_space<vmem>> -> memref<1x80xi32, #tpu.memory_space<vmem>>
      %dma_wait3A_140 = tpu.memref_squeeze %dma_wait3A_139 : memref<1x80xi32, #tpu.memory_space<vmem>> -> memref<80xi32, #tpu.memory_space<vmem>>
      %dma_wait3A_141 = arith.constant 0 : i32
      %dma_wait3A_142 = arith.constant 0 : i32
      %dma_wait3A_143 = tpu.memref_slice %arg6[%dma_wait3A_141, %dma_wait3A_142] : memref<10112x16xf32, #tpu.memory_space<vmem_shared>> -> memref<10112x16xf32, #tpu.memory_space<vmem_shared>>
      tpu.wait_indirect_dma semaphore(%arg9 : memref<!tpu.dma_semaphore, #tpu.memory_space<semaphore_mem>>) src(%dma_wait3A_137 : memref<80x16xf32, #tpu.memory_space<vmem>>) dst(%dma_wait3A_143 : memref<10112x16xf32, #tpu.memory_space<vmem_shared>>)
      %dma_wait3A_144 = arith.constant 80 : i32
      %dma_wait3A_145 = arith.constant 0 : i32
      %dma_wait3A_146 = tpu.memref_slice %arg8[%dma_wait3A_144, %dma_wait3A_145] : memref<320x16xf32, #tpu.memory_space<vmem>> -> memref<80x16xf32, #tpu.memory_space<vmem>>
      %dma_wait3A_147 = arith.constant 0 : i32
      %dma_wait3A_148 = tpu.memref_slice %arg7[%add3A_103, %dma_wait3A_147] : memref<16x80xi32, #tpu.memory_space<vmem>> -> memref<1x80xi32, #tpu.memory_space<vmem>>
      %dma_wait3A_149 = tpu.memref_squeeze %dma_wait3A_148 : memref<1x80xi32, #tpu.memory_space<vmem>> -> memref<80xi32, #tpu.memory_space<vmem>>
      %dma_wait3A_150 = arith.constant 0 : i32
      %dma_wait3A_151 = arith.constant 0 : i32
      %dma_wait3A_152 = tpu.memref_slice %arg6[%dma_wait3A_150, %dma_wait3A_151] : memref<10112x16xf32, #tpu.memory_space<vmem_shared>> -> memref<10112x16xf32, #tpu.memory_space<vmem_shared>>
      tpu.wait_indirect_dma semaphore(%arg9 : memref<!tpu.dma_semaphore, #tpu.memory_space<semaphore_mem>>) src(%dma_wait3A_146 : memref<80x16xf32, #tpu.memory_space<vmem>>) dst(%dma_wait3A_152 : memref<10112x16xf32, #tpu.memory_space<vmem_shared>>)
      %dma_wait3A_153 = arith.constant 160 : i32
      %dma_wait3A_154 = arith.constant 0 : i32
      %dma_wait3A_155 = tpu.memref_slice %arg8[%dma_wait3A_153, %dma_wait3A_154] : memref<320x16xf32, #tpu.memory_space<vmem>> -> memref<80x16xf32, #tpu.memory_space<vmem>>
      %dma_wait3A_156 = arith.constant 0 : i32
      %dma_wait3A_157 = tpu.memref_slice %arg7[%add3A_114, %dma_wait3A_156] : memref<16x80xi32, #tpu.memory_space<vmem>> -> memref<1x80xi32, #tpu.memory_space<vmem>>
      %dma_wait3A_158 = tpu.memref_squeeze %dma_wait3A_157 : memref<1x80xi32, #tpu.memory_space<vmem>> -> memref<80xi32, #tpu.memory_space<vmem>>
      %dma_wait3A_159 = arith.constant 0 : i32
      %dma_wait3A_160 = arith.constant 0 : i32
      %dma_wait3A_161 = tpu.memref_slice %arg6[%dma_wait3A_159, %dma_wait3A_160] : memref<10112x16xf32, #tpu.memory_space<vmem_shared>> -> memref<10112x16xf32, #tpu.memory_space<vmem_shared>>
      tpu.wait_indirect_dma semaphore(%arg9 : memref<!tpu.dma_semaphore, #tpu.memory_space<semaphore_mem>>) src(%dma_wait3A_155 : memref<80x16xf32, #tpu.memory_space<vmem>>) dst(%dma_wait3A_161 : memref<10112x16xf32, #tpu.memory_space<vmem_shared>>)
      %dma_wait3A_162 = arith.constant 240 : i32
      %dma_wait3A_163 = arith.constant 0 : i32
      %dma_wait3A_164 = tpu.memref_slice %arg8[%dma_wait3A_162, %dma_wait3A_163] : memref<320x16xf32, #tpu.memory_space<vmem>> -> memref<80x16xf32, #tpu.memory_space<vmem>>
      %dma_wait3A_165 = arith.constant 0 : i32
      %dma_wait3A_166 = tpu.memref_slice %arg7[%add3A_125, %dma_wait3A_165] : memref<16x80xi32, #tpu.memory_space<vmem>> -> memref<1x80xi32, #tpu.memory_space<vmem>>
      %dma_wait3A_167 = tpu.memref_squeeze %dma_wait3A_166 : memref<1x80xi32, #tpu.memory_space<vmem>> -> memref<80xi32, #tpu.memory_space<vmem>>
      %dma_wait3A_168 = arith.constant 0 : i32
      %dma_wait3A_169 = arith.constant 0 : i32
      %dma_wait3A_170 = tpu.memref_slice %arg6[%dma_wait3A_168, %dma_wait3A_169] : memref<10112x16xf32, #tpu.memory_space<vmem_shared>> -> memref<10112x16xf32, #tpu.memory_space<vmem_shared>>
      tpu.wait_indirect_dma semaphore(%arg9 : memref<!tpu.dma_semaphore, #tpu.memory_space<semaphore_mem>>) src(%dma_wait3A_164 : memref<80x16xf32, #tpu.memory_space<vmem>>) dst(%dma_wait3A_170 : memref<10112x16xf32, #tpu.memory_space<vmem_shared>>)
    }
    %scan3A_11 = arith.constant 31 : i32
    %add3A_12 = arith.constant 9920 : i32
    %add3A_13 = arith.addi %mul3A_4, %add3A_12 : i32
    %add3A_14 = arith.constant 124 : i32
    %add3A_15 = arith.addi %mul3A_6, %add3A_14 : i32
    %jit3A = arith.constant 8 : i32
    %div3A = arith.divsi %add3A_15, %jit3A : i32
    %sign3A = arith.constant 0 : i32
    %sign3A_16 = arith.cmpi sgt, %add3A_15, %sign3A : i32
    %sign3A_17 = arith.extui %sign3A_16 : i1 to i32
    %sign3A_18 = arith.constant 0 : i32
    %sign3A_19 = arith.cmpi slt, %add3A_15, %sign3A_18 : i32
    %sign3A_20 = arith.extui %sign3A_19 : i1 to i32
    %sign3A_21 = arith.subi %sign3A_17, %sign3A_20 : i32
    %sign3A_22 = arith.constant 0 : i32
    %sign3A_23 = arith.cmpi sgt, %jit3A, %sign3A_22 : i32
    %sign3A_24 = arith.extui %sign3A_23 : i1 to i32
    %sign3A_25 = arith.constant 0 : i32
    %sign3A_26 = arith.cmpi slt, %jit3A, %sign3A_25 : i32
    %sign3A_27 = arith.extui %sign3A_26 : i1 to i32
    %sign3A_28 = arith.subi %sign3A_24, %sign3A_27 : i32
    %ne3A = arith.cmpi ne, %sign3A_21, %sign3A_28 : i32
    %rem3A = arith.remsi %add3A_15, %jit3A : i32
    %ne3A_29 = arith.constant 0 : i32
    %ne3A_30 = arith.cmpi ne, %rem3A, %ne3A_29 : i32
    %and3A = arith.andi %ne3A, %ne3A_30 : i1
    %sub3A = arith.constant 1 : i32
    %sub3A_31 = arith.subi %div3A, %sub3A : i32
    %select_n3A = arith.select %and3A, %sub3A_31, %div3A : i32
    %mul3A_32 = arith.constant 8 : i32
    %mul3A_33 = arith.muli %select_n3A, %mul3A_32 : i32
    %min3A = arith.constant 3984 : i32
    %min3A_34 = arith.minsi %mul3A_33, %min3A : i32
    %sub3A_35 = arith.subi %add3A_15, %min3A_34 : i32
    "tpu.region"() ({
      %run_scoped3A = tpu.sem_alloc : memref<!tpu.dma_semaphore, #tpu.memory_space<semaphore_mem>>
      %dma_start3A_55 = arith.constant 0 : i32
      %dma_start3A_56 = tpu.memref_slice %arg3[%min3A_34, %dma_start3A_55] : memref<4000x80xi32, #tpu.memory_space<hbm>> -> memref<16x80xi32, #tpu.memory_space<hbm>>
      %dma_start3A_57 = arith.constant 0 : i32
      %dma_start3A_58 = tpu.memref_slice %arg3[%min3A_34, %dma_start3A_57] : memref<4000x80xi32, #tpu.memory_space<hbm>> -> memref<16x80xi32, #tpu.memory_space<hbm>>
      tpu.enqueue_dma source(%dma_start3A_58 : memref<16x80xi32, #tpu.memory_space<hbm>>) target(%arg7 : memref<16x80xi32, #tpu.memory_space<vmem>>) target_semaphore(%run_scoped3A : memref<!tpu.dma_semaphore, #tpu.memory_space<semaphore_mem>>)
      %dma_wait3A_59 = arith.constant 0 : i32
      %dma_wait3A_60 = tpu.memref_slice %arg3[%min3A_34, %dma_wait3A_59] : memref<4000x80xi32, #tpu.memory_space<hbm>> -> memref<16x80xi32, #tpu.memory_space<hbm>>
      %dma_wait3A_61 = arith.constant 0 : i32
      %dma_wait3A_62 = tpu.memref_slice %arg3[%min3A_34, %dma_wait3A_61] : memref<4000x80xi32, #tpu.memory_space<hbm>> -> memref<16x80xi32, #tpu.memory_space<hbm>>
      tpu.wait_dma2 semaphore(%run_scoped3A : memref<!tpu.dma_semaphore, #tpu.memory_space<semaphore_mem>>) src(%dma_wait3A_62 : memref<16x80xi32, #tpu.memory_space<hbm>>) dst(%arg7 : memref<16x80xi32, #tpu.memory_space<vmem>>)
      tpu.yield
    }) : () -> ()
    "tpu.region"() ({
      %run_scoped3A = tpu.sem_alloc : memref<!tpu.dma_semaphore, #tpu.memory_space<semaphore_mem>>
      %dma_start3A_55 = arith.constant 0 : i32
      %dma_start3A_56 = arith.constant 0 : i32
      %dma_start3A_57 = tpu.memref_slice %arg8[%dma_start3A_55, %dma_start3A_56] : memref<320x16xf32, #tpu.memory_space<vmem>> -> memref<80x16xf32, #tpu.memory_space<vmem>>
      %dma_start3A_58 = arith.constant 0 : i32
      %dma_start3A_59 = tpu.memref_slice %arg2[%add3A_13, %dma_start3A_58] : memref<320000x16xf32, #tpu.memory_space<hbm>> -> memref<80x16xf32, #tpu.memory_space<hbm>>
      %dma_start3A_60 = arith.constant 0 : i32
      %dma_start3A_61 = arith.constant 0 : i32
      %dma_start3A_62 = tpu.memref_slice %arg8[%dma_start3A_60, %dma_start3A_61] : memref<320x16xf32, #tpu.memory_space<vmem>> -> memref<80x16xf32, #tpu.memory_space<vmem>>
      %dma_start3A_63 = arith.constant 0 : i32
      %dma_start3A_64 = tpu.memref_slice %arg2[%add3A_13, %dma_start3A_63] : memref<320000x16xf32, #tpu.memory_space<hbm>> -> memref<80x16xf32, #tpu.memory_space<hbm>>
      tpu.enqueue_dma source(%dma_start3A_64 : memref<80x16xf32, #tpu.memory_space<hbm>>) target(%dma_start3A_62 : memref<80x16xf32, #tpu.memory_space<vmem>>) target_semaphore(%run_scoped3A : memref<!tpu.dma_semaphore, #tpu.memory_space<semaphore_mem>>)
      %dma_wait3A_65 = arith.constant 0 : i32
      %dma_wait3A_66 = arith.constant 0 : i32
      %dma_wait3A_67 = tpu.memref_slice %arg8[%dma_wait3A_65, %dma_wait3A_66] : memref<320x16xf32, #tpu.memory_space<vmem>> -> memref<80x16xf32, #tpu.memory_space<vmem>>
      %dma_wait3A_68 = arith.constant 0 : i32
      %dma_wait3A_69 = tpu.memref_slice %arg2[%add3A_13, %dma_wait3A_68] : memref<320000x16xf32, #tpu.memory_space<hbm>> -> memref<80x16xf32, #tpu.memory_space<hbm>>
      %dma_wait3A_70 = arith.constant 0 : i32
      %dma_wait3A_71 = arith.constant 0 : i32
      %dma_wait3A_72 = tpu.memref_slice %arg8[%dma_wait3A_70, %dma_wait3A_71] : memref<320x16xf32, #tpu.memory_space<vmem>> -> memref<80x16xf32, #tpu.memory_space<vmem>>
      %dma_wait3A_73 = arith.constant 0 : i32
      %dma_wait3A_74 = tpu.memref_slice %arg2[%add3A_13, %dma_wait3A_73] : memref<320000x16xf32, #tpu.memory_space<hbm>> -> memref<80x16xf32, #tpu.memory_space<hbm>>
      tpu.wait_dma2 semaphore(%run_scoped3A : memref<!tpu.dma_semaphore, #tpu.memory_space<semaphore_mem>>) src(%dma_wait3A_74 : memref<80x16xf32, #tpu.memory_space<hbm>>) dst(%dma_wait3A_72 : memref<80x16xf32, #tpu.memory_space<vmem>>)
      tpu.yield
    }) : () -> ()
    %add3A_36 = arith.constant 0 : i32
    %add3A_37 = arith.addi %sub3A_35, %add3A_36 : i32
    %dma_start3A = arith.constant 0 : i32
    %dma_start3A_38 = arith.constant 0 : i32
    %dma_start3A_39 = tpu.memref_slice %arg8[%dma_start3A, %dma_start3A_38] : memref<320x16xf32, #tpu.memory_space<vmem>> -> memref<80x16xf32, #tpu.memory_space<vmem>>
    %dma_start3A_40 = arith.constant 0 : i32
    %dma_start3A_41 = tpu.memref_slice %arg7[%add3A_37, %dma_start3A_40] : memref<16x80xi32, #tpu.memory_space<vmem>> -> memref<1x80xi32, #tpu.memory_space<vmem>>
    %dma_start3A_42 = tpu.memref_squeeze %dma_start3A_41 : memref<1x80xi32, #tpu.memory_space<vmem>> -> memref<80xi32, #tpu.memory_space<vmem>>
    %dma_start3A_43 = arith.constant 0 : i32
    %dma_start3A_44 = arith.constant 0 : i32
    %dma_start3A_45 = tpu.memref_slice %arg6[%dma_start3A_43, %dma_start3A_44] : memref<10112x16xf32, #tpu.memory_space<vmem_shared>> -> memref<10112x16xf32, #tpu.memory_space<vmem_shared>>
    tpu.enqueue_indirect_dma source(%dma_start3A_39 : memref<80x16xf32, #tpu.memory_space<vmem>>) target(%dma_start3A_45 : memref<10112x16xf32, #tpu.memory_space<vmem_shared>>) offsets(%dma_start3A_42 : memref<80xi32, #tpu.memory_space<vmem>>) semaphore(%arg9 : memref<!tpu.dma_semaphore, #tpu.memory_space<semaphore_mem>>) {add = true}
    %dma_wait3A = arith.constant 0 : i32
    %dma_wait3A_46 = arith.constant 0 : i32
    %dma_wait3A_47 = tpu.memref_slice %arg8[%dma_wait3A, %dma_wait3A_46] : memref<320x16xf32, #tpu.memory_space<vmem>> -> memref<80x16xf32, #tpu.memory_space<vmem>>
    %dma_wait3A_48 = arith.constant 0 : i32
    %dma_wait3A_49 = tpu.memref_slice %arg7[%add3A_37, %dma_wait3A_48] : memref<16x80xi32, #tpu.memory_space<vmem>> -> memref<1x80xi32, #tpu.memory_space<vmem>>
    %dma_wait3A_50 = tpu.memref_squeeze %dma_wait3A_49 : memref<1x80xi32, #tpu.memory_space<vmem>> -> memref<80xi32, #tpu.memory_space<vmem>>
    %dma_wait3A_51 = arith.constant 0 : i32
    %dma_wait3A_52 = arith.constant 0 : i32
    %dma_wait3A_53 = tpu.memref_slice %arg6[%dma_wait3A_51, %dma_wait3A_52] : memref<10112x16xf32, #tpu.memory_space<vmem_shared>> -> memref<10112x16xf32, #tpu.memory_space<vmem_shared>>
    tpu.wait_indirect_dma semaphore(%arg9 : memref<!tpu.dma_semaphore, #tpu.memory_space<semaphore_mem>>) src(%dma_wait3A_47 : memref<80x16xf32, #tpu.memory_space<vmem>>) dst(%dma_wait3A_53 : memref<10112x16xf32, #tpu.memory_space<vmem_shared>>)
    %barrier3A_54 = arith.constant 0 : index
    tpu.barrier barrier_id(%barrier3A_54)
    "tpu.region"() ({
      %run_scoped3A = tpu.sem_alloc : memref<!tpu.dma_semaphore, #tpu.memory_space<semaphore_mem>>
      %dma_start3A_55 = arith.constant 0 : i32
      %dma_start3A_56 = arith.constant 0 : i32
      %dma_start3A_57 = tpu.memref_slice %arg5[%arg0, %dma_start3A_55, %dma_start3A_56] : memref<2x10112x16xf32, #tpu.memory_space<hbm>> -> memref<1x10112x16xf32, #tpu.memory_space<hbm>>
      %dma_start3A_58 = tpu.memref_squeeze %dma_start3A_57 : memref<1x10112x16xf32, #tpu.memory_space<hbm>> -> memref<10112x16xf32, #tpu.memory_space<hbm>>
      %dma_start3A_59 = arith.constant 0 : i32
      %dma_start3A_60 = tpu.memref_slice %dma_start3A_58[%mul3A_2, %dma_start3A_59] : memref<10112x16xf32, #tpu.memory_space<hbm>> -> memref<632x16xf32, #tpu.memory_space<hbm>>
      %dma_start3A_61 = arith.constant 0 : i32
      %dma_start3A_62 = tpu.memref_slice %arg6[%mul3A_2, %dma_start3A_61] : memref<10112x16xf32, #tpu.memory_space<vmem_shared>> -> memref<632x16xf32, #tpu.memory_space<vmem_shared>>
      tpu.enqueue_dma source(%dma_start3A_62 : memref<632x16xf32, #tpu.memory_space<vmem_shared>>) target(%dma_start3A_60 : memref<632x16xf32, #tpu.memory_space<hbm>>) target_semaphore(%run_scoped3A : memref<!tpu.dma_semaphore, #tpu.memory_space<semaphore_mem>>)
      %dma_wait3A_63 = arith.constant 0 : i32
      %dma_wait3A_64 = arith.constant 0 : i32
      %dma_wait3A_65 = tpu.memref_slice %arg5[%arg0, %dma_wait3A_63, %dma_wait3A_64] : memref<2x10112x16xf32, #tpu.memory_space<hbm>> -> memref<1x10112x16xf32, #tpu.memory_space<hbm>>
      %dma_wait3A_66 = tpu.memref_squeeze %dma_wait3A_65 : memref<1x10112x16xf32, #tpu.memory_space<hbm>> -> memref<10112x16xf32, #tpu.memory_space<hbm>>
      %dma_wait3A_67 = arith.constant 0 : i32
      %dma_wait3A_68 = tpu.memref_slice %dma_wait3A_66[%mul3A_2, %dma_wait3A_67] : memref<10112x16xf32, #tpu.memory_space<hbm>> -> memref<632x16xf32, #tpu.memory_space<hbm>>
      %dma_wait3A_69 = arith.constant 0 : i32
      %dma_wait3A_70 = tpu.memref_slice %arg6[%mul3A_2, %dma_wait3A_69] : memref<10112x16xf32, #tpu.memory_space<vmem_shared>> -> memref<632x16xf32, #tpu.memory_space<vmem_shared>>
      tpu.wait_dma2 semaphore(%run_scoped3A : memref<!tpu.dma_semaphore, #tpu.memory_space<semaphore_mem>>) src(%dma_wait3A_70 : memref<632x16xf32, #tpu.memory_space<vmem_shared>>) dst(%dma_wait3A_68 : memref<632x16xf32, #tpu.memory_space<hbm>>)
      tpu.yield
    }) : () -> ()
    return
  }
}

#map = affine_map<(d0, d1) -> (0, 0)>
#map1 = affine_map<(d0, d1) -> (0, 0, 0)>
module attributes {stable_mosaic.version = 14 : i64} {
  func.func @_sc_scatter_body(%arg0: i32, %arg1: i32, %arg2: memref<320000x128xf32, #tpu.memory_space<hbm>>, %arg3: memref<4000x80xi32, #tpu.memory_space<hbm>>, %arg4: memref<10112x128xf32, #tpu.memory_space<hbm>>, %arg5: memref<2x10112x128xf32, #tpu.memory_space<hbm>>, %arg6: memref<10112x128xf32, #tpu.memory_space<vmem_shared>>, %arg7: memref<16x80xi32, #tpu.memory_space<vmem>>, %arg8: memref<320x128xf32, #tpu.memory_space<vmem>>, %arg9: memref<!tpu.dma_semaphore, #tpu.memory_space<semaphore_mem>>) attributes {dimension_semantics = [#tpu.dimension_semantics<core_parallel>, #tpu.dimension_semantics<subcore_parallel>], iteration_bounds = array<i64: 2, 16>, scalar_prefetch = 0 : i64, scratch_operands = 4 : i64, tpu.core_type = #tpu.core_type<sc_vector_subcore>, window_params = [{transform_indices = #map}, {transform_indices = #map}, {transform_indices = #map}, {transform_indices = #map1}]} {
    %mul3A = arith.constant 2 : i32
    %mul3A_0 = arith.muli %arg1, %mul3A : i32
    %add3A = arith.addi %mul3A_0, %arg0 : i32
    %mul3A_1 = arith.constant 632 : i32
    %mul3A_2 = arith.muli %arg1, %mul3A_1 : i32
    "tpu.region"() ({
      %run_scoped3A = tpu.sem_alloc : memref<!tpu.dma_semaphore, #tpu.memory_space<semaphore_mem>>
      %dma_start3A_55 = arith.constant 0 : i32
      %dma_start3A_56 = tpu.memref_slice %arg6[%mul3A_2, %dma_start3A_55] : memref<10112x128xf32, #tpu.memory_space<vmem_shared>> -> memref<632x128xf32, #tpu.memory_space<vmem_shared>>
      %dma_start3A_57 = arith.constant 0 : i32
      %dma_start3A_58 = tpu.memref_slice %arg4[%mul3A_2, %dma_start3A_57] : memref<10112x128xf32, #tpu.memory_space<hbm>> -> memref<632x128xf32, #tpu.memory_space<hbm>>
      tpu.enqueue_dma source(%dma_start3A_58 : memref<632x128xf32, #tpu.memory_space<hbm>>) target(%dma_start3A_56 : memref<632x128xf32, #tpu.memory_space<vmem_shared>>) target_semaphore(%run_scoped3A : memref<!tpu.dma_semaphore, #tpu.memory_space<semaphore_mem>>)
      %dma_wait3A_59 = arith.constant 0 : i32
      %dma_wait3A_60 = tpu.memref_slice %arg6[%mul3A_2, %dma_wait3A_59] : memref<10112x128xf32, #tpu.memory_space<vmem_shared>> -> memref<632x128xf32, #tpu.memory_space<vmem_shared>>
      %dma_wait3A_61 = arith.constant 0 : i32
      %dma_wait3A_62 = tpu.memref_slice %arg4[%mul3A_2, %dma_wait3A_61] : memref<10112x128xf32, #tpu.memory_space<hbm>> -> memref<632x128xf32, #tpu.memory_space<hbm>>
      tpu.wait_dma2 semaphore(%run_scoped3A : memref<!tpu.dma_semaphore, #tpu.memory_space<semaphore_mem>>) src(%dma_wait3A_62 : memref<632x128xf32, #tpu.memory_space<hbm>>) dst(%dma_wait3A_60 : memref<632x128xf32, #tpu.memory_space<vmem_shared>>)
      tpu.yield
    }) : () -> ()
    %barrier3A = arith.constant 0 : index
    tpu.barrier barrier_id(%barrier3A)
    %mul3A_3 = arith.constant 10000 : i32
    %mul3A_4 = arith.muli %add3A, %mul3A_3 : i32
    %mul3A_5 = arith.constant 125 : i32
    %mul3A_6 = arith.muli %add3A, %mul3A_5 : i32
    %scan3A = arith.constant 0 : i32
    %scan3A_7 = arith.constant 0 : i32
    %scan3A_8 = arith.constant 31 : i32
    %scan3A_9 = arith.addi %scan3A_7, %scan3A_8 : i32
    %scan3A_10 = arith.constant 1 : i32
    scf.for %scan3A_55 = %scan3A_7 to %scan3A_9 step %scan3A_10  : i32 {
      %mul3A_56 = arith.constant 320 : i32
      %mul3A_57 = arith.muli %scan3A_55, %mul3A_56 : i32
      %add3A_58 = arith.addi %mul3A_4, %mul3A_57 : i32
      %mul3A_59 = arith.constant 4 : i32
      %mul3A_60 = arith.muli %scan3A_55, %mul3A_59 : i32
      %add3A_61 = arith.addi %mul3A_6, %mul3A_60 : i32
      %jit3A_62 = arith.constant 8 : i32
      %div3A_63 = arith.divsi %add3A_61, %jit3A_62 : i32
      %sign3A_64 = arith.constant 0 : i32
      %sign3A_65 = arith.cmpi sgt, %add3A_61, %sign3A_64 : i32
      %sign3A_66 = arith.extui %sign3A_65 : i1 to i32
      %sign3A_67 = arith.constant 0 : i32
      %sign3A_68 = arith.cmpi slt, %add3A_61, %sign3A_67 : i32
      %sign3A_69 = arith.extui %sign3A_68 : i1 to i32
      %sign3A_70 = arith.subi %sign3A_66, %sign3A_69 : i32
      %sign3A_71 = arith.constant 0 : i32
      %sign3A_72 = arith.cmpi sgt, %jit3A_62, %sign3A_71 : i32
      %sign3A_73 = arith.extui %sign3A_72 : i1 to i32
      %sign3A_74 = arith.constant 0 : i32
      %sign3A_75 = arith.cmpi slt, %jit3A_62, %sign3A_74 : i32
      %sign3A_76 = arith.extui %sign3A_75 : i1 to i32
      %sign3A_77 = arith.subi %sign3A_73, %sign3A_76 : i32
      %ne3A_78 = arith.cmpi ne, %sign3A_70, %sign3A_77 : i32
      %rem3A_79 = arith.remsi %add3A_61, %jit3A_62 : i32
      %ne3A_80 = arith.constant 0 : i32
      %ne3A_81 = arith.cmpi ne, %rem3A_79, %ne3A_80 : i32
      %and3A_82 = arith.andi %ne3A_78, %ne3A_81 : i1
      %sub3A_83 = arith.constant 1 : i32
      %sub3A_84 = arith.subi %div3A_63, %sub3A_83 : i32
      %select_n3A_85 = arith.select %and3A_82, %sub3A_84, %div3A_63 : i32
      %mul3A_86 = arith.constant 8 : i32
      %mul3A_87 = arith.muli %select_n3A_85, %mul3A_86 : i32
      %min3A_88 = arith.constant 3984 : i32
      %min3A_89 = arith.minsi %mul3A_87, %min3A_88 : i32
      %sub3A_90 = arith.subi %add3A_61, %min3A_89 : i32
      "tpu.region"() ({
        %run_scoped3A = tpu.sem_alloc : memref<!tpu.dma_semaphore, #tpu.memory_space<semaphore_mem>>
        %dma_start3A_171 = arith.constant 0 : i32
        %dma_start3A_172 = tpu.memref_slice %arg3[%min3A_89, %dma_start3A_171] : memref<4000x80xi32, #tpu.memory_space<hbm>> -> memref<16x80xi32, #tpu.memory_space<hbm>>
        %dma_start3A_173 = arith.constant 0 : i32
        %dma_start3A_174 = tpu.memref_slice %arg3[%min3A_89, %dma_start3A_173] : memref<4000x80xi32, #tpu.memory_space<hbm>> -> memref<16x80xi32, #tpu.memory_space<hbm>>
        tpu.enqueue_dma source(%dma_start3A_174 : memref<16x80xi32, #tpu.memory_space<hbm>>) target(%arg7 : memref<16x80xi32, #tpu.memory_space<vmem>>) target_semaphore(%run_scoped3A : memref<!tpu.dma_semaphore, #tpu.memory_space<semaphore_mem>>)
        %dma_wait3A_175 = arith.constant 0 : i32
        %dma_wait3A_176 = tpu.memref_slice %arg3[%min3A_89, %dma_wait3A_175] : memref<4000x80xi32, #tpu.memory_space<hbm>> -> memref<16x80xi32, #tpu.memory_space<hbm>>
        %dma_wait3A_177 = arith.constant 0 : i32
        %dma_wait3A_178 = tpu.memref_slice %arg3[%min3A_89, %dma_wait3A_177] : memref<4000x80xi32, #tpu.memory_space<hbm>> -> memref<16x80xi32, #tpu.memory_space<hbm>>
        tpu.wait_dma2 semaphore(%run_scoped3A : memref<!tpu.dma_semaphore, #tpu.memory_space<semaphore_mem>>) src(%dma_wait3A_178 : memref<16x80xi32, #tpu.memory_space<hbm>>) dst(%arg7 : memref<16x80xi32, #tpu.memory_space<vmem>>)
        tpu.yield
      }) : () -> ()
      "tpu.region"() ({
        %run_scoped3A = tpu.sem_alloc : memref<!tpu.dma_semaphore, #tpu.memory_space<semaphore_mem>>
        %dma_start3A_171 = arith.constant 0 : i32
        %dma_start3A_172 = arith.constant 0 : i32
        %dma_start3A_173 = tpu.memref_slice %arg8[%dma_start3A_171, %dma_start3A_172] : memref<320x128xf32, #tpu.memory_space<vmem>> -> memref<320x128xf32, #tpu.memory_space<vmem>>
        %dma_start3A_174 = arith.constant 0 : i32
        %dma_start3A_175 = tpu.memref_slice %arg2[%add3A_58, %dma_start3A_174] : memref<320000x128xf32, #tpu.memory_space<hbm>> -> memref<320x128xf32, #tpu.memory_space<hbm>>
        %dma_start3A_176 = arith.constant 0 : i32
        %dma_start3A_177 = arith.constant 0 : i32
        %dma_start3A_178 = tpu.memref_slice %arg8[%dma_start3A_176, %dma_start3A_177] : memref<320x128xf32, #tpu.memory_space<vmem>> -> memref<320x128xf32, #tpu.memory_space<vmem>>
        %dma_start3A_179 = arith.constant 0 : i32
        %dma_start3A_180 = tpu.memref_slice %arg2[%add3A_58, %dma_start3A_179] : memref<320000x128xf32, #tpu.memory_space<hbm>> -> memref<320x128xf32, #tpu.memory_space<hbm>>
        tpu.enqueue_dma source(%dma_start3A_180 : memref<320x128xf32, #tpu.memory_space<hbm>>) target(%dma_start3A_178 : memref<320x128xf32, #tpu.memory_space<vmem>>) target_semaphore(%run_scoped3A : memref<!tpu.dma_semaphore, #tpu.memory_space<semaphore_mem>>)
        %dma_wait3A_181 = arith.constant 0 : i32
        %dma_wait3A_182 = arith.constant 0 : i32
        %dma_wait3A_183 = tpu.memref_slice %arg8[%dma_wait3A_181, %dma_wait3A_182] : memref<320x128xf32, #tpu.memory_space<vmem>> -> memref<320x128xf32, #tpu.memory_space<vmem>>
        %dma_wait3A_184 = arith.constant 0 : i32
        %dma_wait3A_185 = tpu.memref_slice %arg2[%add3A_58, %dma_wait3A_184] : memref<320000x128xf32, #tpu.memory_space<hbm>> -> memref<320x128xf32, #tpu.memory_space<hbm>>
        %dma_wait3A_186 = arith.constant 0 : i32
        %dma_wait3A_187 = arith.constant 0 : i32
        %dma_wait3A_188 = tpu.memref_slice %arg8[%dma_wait3A_186, %dma_wait3A_187] : memref<320x128xf32, #tpu.memory_space<vmem>> -> memref<320x128xf32, #tpu.memory_space<vmem>>
        %dma_wait3A_189 = arith.constant 0 : i32
        %dma_wait3A_190 = tpu.memref_slice %arg2[%add3A_58, %dma_wait3A_189] : memref<320000x128xf32, #tpu.memory_space<hbm>> -> memref<320x128xf32, #tpu.memory_space<hbm>>
        tpu.wait_dma2 semaphore(%run_scoped3A : memref<!tpu.dma_semaphore, #tpu.memory_space<semaphore_mem>>) src(%dma_wait3A_190 : memref<320x128xf32, #tpu.memory_space<hbm>>) dst(%dma_wait3A_188 : memref<320x128xf32, #tpu.memory_space<vmem>>)
        tpu.yield
      }) : () -> ()
      %add3A_91 = arith.constant 0 : i32
      %add3A_92 = arith.addi %sub3A_90, %add3A_91 : i32
      %dma_start3A_93 = arith.constant 0 : i32
      %dma_start3A_94 = arith.constant 0 : i32
      %dma_start3A_95 = tpu.memref_slice %arg8[%dma_start3A_93, %dma_start3A_94] : memref<320x128xf32, #tpu.memory_space<vmem>> -> memref<80x128xf32, #tpu.memory_space<vmem>>
      %dma_start3A_96 = arith.constant 0 : i32
      %dma_start3A_97 = tpu.memref_slice %arg7[%add3A_92, %dma_start3A_96] : memref<16x80xi32, #tpu.memory_space<vmem>> -> memref<1x80xi32, #tpu.memory_space<vmem>>
      %dma_start3A_98 = tpu.memref_squeeze %dma_start3A_97 : memref<1x80xi32, #tpu.memory_space<vmem>> -> memref<80xi32, #tpu.memory_space<vmem>>
      %dma_start3A_99 = arith.constant 0 : i32
      %dma_start3A_100 = arith.constant 0 : i32
      %dma_start3A_101 = tpu.memref_slice %arg6[%dma_start3A_99, %dma_start3A_100] : memref<10112x128xf32, #tpu.memory_space<vmem_shared>> -> memref<10112x128xf32, #tpu.memory_space<vmem_shared>>
      tpu.enqueue_indirect_dma source(%dma_start3A_95 : memref<80x128xf32, #tpu.memory_space<vmem>>) target(%dma_start3A_101 : memref<10112x128xf32, #tpu.memory_space<vmem_shared>>) offsets(%dma_start3A_98 : memref<80xi32, #tpu.memory_space<vmem>>) semaphore(%arg9 : memref<!tpu.dma_semaphore, #tpu.memory_space<semaphore_mem>>) {add = true}
      %add3A_102 = arith.constant 1 : i32
      %add3A_103 = arith.addi %sub3A_90, %add3A_102 : i32
      %dma_start3A_104 = arith.constant 80 : i32
      %dma_start3A_105 = arith.constant 0 : i32
      %dma_start3A_106 = tpu.memref_slice %arg8[%dma_start3A_104, %dma_start3A_105] : memref<320x128xf32, #tpu.memory_space<vmem>> -> memref<80x128xf32, #tpu.memory_space<vmem>>
      %dma_start3A_107 = arith.constant 0 : i32
      %dma_start3A_108 = tpu.memref_slice %arg7[%add3A_103, %dma_start3A_107] : memref<16x80xi32, #tpu.memory_space<vmem>> -> memref<1x80xi32, #tpu.memory_space<vmem>>
      %dma_start3A_109 = tpu.memref_squeeze %dma_start3A_108 : memref<1x80xi32, #tpu.memory_space<vmem>> -> memref<80xi32, #tpu.memory_space<vmem>>
      %dma_start3A_110 = arith.constant 0 : i32
      %dma_start3A_111 = arith.constant 0 : i32
      %dma_start3A_112 = tpu.memref_slice %arg6[%dma_start3A_110, %dma_start3A_111] : memref<10112x128xf32, #tpu.memory_space<vmem_shared>> -> memref<10112x128xf32, #tpu.memory_space<vmem_shared>>
      tpu.enqueue_indirect_dma source(%dma_start3A_106 : memref<80x128xf32, #tpu.memory_space<vmem>>) target(%dma_start3A_112 : memref<10112x128xf32, #tpu.memory_space<vmem_shared>>) offsets(%dma_start3A_109 : memref<80xi32, #tpu.memory_space<vmem>>) semaphore(%arg9 : memref<!tpu.dma_semaphore, #tpu.memory_space<semaphore_mem>>) {add = true}
      %add3A_113 = arith.constant 2 : i32
      %add3A_114 = arith.addi %sub3A_90, %add3A_113 : i32
      %dma_start3A_115 = arith.constant 160 : i32
      %dma_start3A_116 = arith.constant 0 : i32
      %dma_start3A_117 = tpu.memref_slice %arg8[%dma_start3A_115, %dma_start3A_116] : memref<320x128xf32, #tpu.memory_space<vmem>> -> memref<80x128xf32, #tpu.memory_space<vmem>>
      %dma_start3A_118 = arith.constant 0 : i32
      %dma_start3A_119 = tpu.memref_slice %arg7[%add3A_114, %dma_start3A_118] : memref<16x80xi32, #tpu.memory_space<vmem>> -> memref<1x80xi32, #tpu.memory_space<vmem>>
      %dma_start3A_120 = tpu.memref_squeeze %dma_start3A_119 : memref<1x80xi32, #tpu.memory_space<vmem>> -> memref<80xi32, #tpu.memory_space<vmem>>
      %dma_start3A_121 = arith.constant 0 : i32
      %dma_start3A_122 = arith.constant 0 : i32
      %dma_start3A_123 = tpu.memref_slice %arg6[%dma_start3A_121, %dma_start3A_122] : memref<10112x128xf32, #tpu.memory_space<vmem_shared>> -> memref<10112x128xf32, #tpu.memory_space<vmem_shared>>
      tpu.enqueue_indirect_dma source(%dma_start3A_117 : memref<80x128xf32, #tpu.memory_space<vmem>>) target(%dma_start3A_123 : memref<10112x128xf32, #tpu.memory_space<vmem_shared>>) offsets(%dma_start3A_120 : memref<80xi32, #tpu.memory_space<vmem>>) semaphore(%arg9 : memref<!tpu.dma_semaphore, #tpu.memory_space<semaphore_mem>>) {add = true}
      %add3A_124 = arith.constant 3 : i32
      %add3A_125 = arith.addi %sub3A_90, %add3A_124 : i32
      %dma_start3A_126 = arith.constant 240 : i32
      %dma_start3A_127 = arith.constant 0 : i32
      %dma_start3A_128 = tpu.memref_slice %arg8[%dma_start3A_126, %dma_start3A_127] : memref<320x128xf32, #tpu.memory_space<vmem>> -> memref<80x128xf32, #tpu.memory_space<vmem>>
      %dma_start3A_129 = arith.constant 0 : i32
      %dma_start3A_130 = tpu.memref_slice %arg7[%add3A_125, %dma_start3A_129] : memref<16x80xi32, #tpu.memory_space<vmem>> -> memref<1x80xi32, #tpu.memory_space<vmem>>
      %dma_start3A_131 = tpu.memref_squeeze %dma_start3A_130 : memref<1x80xi32, #tpu.memory_space<vmem>> -> memref<80xi32, #tpu.memory_space<vmem>>
      %dma_start3A_132 = arith.constant 0 : i32
      %dma_start3A_133 = arith.constant 0 : i32
      %dma_start3A_134 = tpu.memref_slice %arg6[%dma_start3A_132, %dma_start3A_133] : memref<10112x128xf32, #tpu.memory_space<vmem_shared>> -> memref<10112x128xf32, #tpu.memory_space<vmem_shared>>
      tpu.enqueue_indirect_dma source(%dma_start3A_128 : memref<80x128xf32, #tpu.memory_space<vmem>>) target(%dma_start3A_134 : memref<10112x128xf32, #tpu.memory_space<vmem_shared>>) offsets(%dma_start3A_131 : memref<80xi32, #tpu.memory_space<vmem>>) semaphore(%arg9 : memref<!tpu.dma_semaphore, #tpu.memory_space<semaphore_mem>>) {add = true}
      %dma_wait3A_135 = arith.constant 0 : i32
      %dma_wait3A_136 = arith.constant 0 : i32
      %dma_wait3A_137 = tpu.memref_slice %arg8[%dma_wait3A_135, %dma_wait3A_136] : memref<320x128xf32, #tpu.memory_space<vmem>> -> memref<80x128xf32, #tpu.memory_space<vmem>>
      %dma_wait3A_138 = arith.constant 0 : i32
      %dma_wait3A_139 = tpu.memref_slice %arg7[%add3A_92, %dma_wait3A_138] : memref<16x80xi32, #tpu.memory_space<vmem>> -> memref<1x80xi32, #tpu.memory_space<vmem>>
      %dma_wait3A_140 = tpu.memref_squeeze %dma_wait3A_139 : memref<1x80xi32, #tpu.memory_space<vmem>> -> memref<80xi32, #tpu.memory_space<vmem>>
      %dma_wait3A_141 = arith.constant 0 : i32
      %dma_wait3A_142 = arith.constant 0 : i32
      %dma_wait3A_143 = tpu.memref_slice %arg6[%dma_wait3A_141, %dma_wait3A_142] : memref<10112x128xf32, #tpu.memory_space<vmem_shared>> -> memref<10112x128xf32, #tpu.memory_space<vmem_shared>>
      tpu.wait_indirect_dma semaphore(%arg9 : memref<!tpu.dma_semaphore, #tpu.memory_space<semaphore_mem>>) src(%dma_wait3A_137 : memref<80x128xf32, #tpu.memory_space<vmem>>) dst(%dma_wait3A_143 : memref<10112x128xf32, #tpu.memory_space<vmem_shared>>)
      %dma_wait3A_144 = arith.constant 80 : i32
      %dma_wait3A_145 = arith.constant 0 : i32
      %dma_wait3A_146 = tpu.memref_slice %arg8[%dma_wait3A_144, %dma_wait3A_145] : memref<320x128xf32, #tpu.memory_space<vmem>> -> memref<80x128xf32, #tpu.memory_space<vmem>>
      %dma_wait3A_147 = arith.constant 0 : i32
      %dma_wait3A_148 = tpu.memref_slice %arg7[%add3A_103, %dma_wait3A_147] : memref<16x80xi32, #tpu.memory_space<vmem>> -> memref<1x80xi32, #tpu.memory_space<vmem>>
      %dma_wait3A_149 = tpu.memref_squeeze %dma_wait3A_148 : memref<1x80xi32, #tpu.memory_space<vmem>> -> memref<80xi32, #tpu.memory_space<vmem>>
      %dma_wait3A_150 = arith.constant 0 : i32
      %dma_wait3A_151 = arith.constant 0 : i32
      %dma_wait3A_152 = tpu.memref_slice %arg6[%dma_wait3A_150, %dma_wait3A_151] : memref<10112x128xf32, #tpu.memory_space<vmem_shared>> -> memref<10112x128xf32, #tpu.memory_space<vmem_shared>>
      tpu.wait_indirect_dma semaphore(%arg9 : memref<!tpu.dma_semaphore, #tpu.memory_space<semaphore_mem>>) src(%dma_wait3A_146 : memref<80x128xf32, #tpu.memory_space<vmem>>) dst(%dma_wait3A_152 : memref<10112x128xf32, #tpu.memory_space<vmem_shared>>)
      %dma_wait3A_153 = arith.constant 160 : i32
      %dma_wait3A_154 = arith.constant 0 : i32
      %dma_wait3A_155 = tpu.memref_slice %arg8[%dma_wait3A_153, %dma_wait3A_154] : memref<320x128xf32, #tpu.memory_space<vmem>> -> memref<80x128xf32, #tpu.memory_space<vmem>>
      %dma_wait3A_156 = arith.constant 0 : i32
      %dma_wait3A_157 = tpu.memref_slice %arg7[%add3A_114, %dma_wait3A_156] : memref<16x80xi32, #tpu.memory_space<vmem>> -> memref<1x80xi32, #tpu.memory_space<vmem>>
      %dma_wait3A_158 = tpu.memref_squeeze %dma_wait3A_157 : memref<1x80xi32, #tpu.memory_space<vmem>> -> memref<80xi32, #tpu.memory_space<vmem>>
      %dma_wait3A_159 = arith.constant 0 : i32
      %dma_wait3A_160 = arith.constant 0 : i32
      %dma_wait3A_161 = tpu.memref_slice %arg6[%dma_wait3A_159, %dma_wait3A_160] : memref<10112x128xf32, #tpu.memory_space<vmem_shared>> -> memref<10112x128xf32, #tpu.memory_space<vmem_shared>>
      tpu.wait_indirect_dma semaphore(%arg9 : memref<!tpu.dma_semaphore, #tpu.memory_space<semaphore_mem>>) src(%dma_wait3A_155 : memref<80x128xf32, #tpu.memory_space<vmem>>) dst(%dma_wait3A_161 : memref<10112x128xf32, #tpu.memory_space<vmem_shared>>)
      %dma_wait3A_162 = arith.constant 240 : i32
      %dma_wait3A_163 = arith.constant 0 : i32
      %dma_wait3A_164 = tpu.memref_slice %arg8[%dma_wait3A_162, %dma_wait3A_163] : memref<320x128xf32, #tpu.memory_space<vmem>> -> memref<80x128xf32, #tpu.memory_space<vmem>>
      %dma_wait3A_165 = arith.constant 0 : i32
      %dma_wait3A_166 = tpu.memref_slice %arg7[%add3A_125, %dma_wait3A_165] : memref<16x80xi32, #tpu.memory_space<vmem>> -> memref<1x80xi32, #tpu.memory_space<vmem>>
      %dma_wait3A_167 = tpu.memref_squeeze %dma_wait3A_166 : memref<1x80xi32, #tpu.memory_space<vmem>> -> memref<80xi32, #tpu.memory_space<vmem>>
      %dma_wait3A_168 = arith.constant 0 : i32
      %dma_wait3A_169 = arith.constant 0 : i32
      %dma_wait3A_170 = tpu.memref_slice %arg6[%dma_wait3A_168, %dma_wait3A_169] : memref<10112x128xf32, #tpu.memory_space<vmem_shared>> -> memref<10112x128xf32, #tpu.memory_space<vmem_shared>>
      tpu.wait_indirect_dma semaphore(%arg9 : memref<!tpu.dma_semaphore, #tpu.memory_space<semaphore_mem>>) src(%dma_wait3A_164 : memref<80x128xf32, #tpu.memory_space<vmem>>) dst(%dma_wait3A_170 : memref<10112x128xf32, #tpu.memory_space<vmem_shared>>)
    }
    %scan3A_11 = arith.constant 31 : i32
    %add3A_12 = arith.constant 9920 : i32
    %add3A_13 = arith.addi %mul3A_4, %add3A_12 : i32
    %add3A_14 = arith.constant 124 : i32
    %add3A_15 = arith.addi %mul3A_6, %add3A_14 : i32
    %jit3A = arith.constant 8 : i32
    %div3A = arith.divsi %add3A_15, %jit3A : i32
    %sign3A = arith.constant 0 : i32
    %sign3A_16 = arith.cmpi sgt, %add3A_15, %sign3A : i32
    %sign3A_17 = arith.extui %sign3A_16 : i1 to i32
    %sign3A_18 = arith.constant 0 : i32
    %sign3A_19 = arith.cmpi slt, %add3A_15, %sign3A_18 : i32
    %sign3A_20 = arith.extui %sign3A_19 : i1 to i32
    %sign3A_21 = arith.subi %sign3A_17, %sign3A_20 : i32
    %sign3A_22 = arith.constant 0 : i32
    %sign3A_23 = arith.cmpi sgt, %jit3A, %sign3A_22 : i32
    %sign3A_24 = arith.extui %sign3A_23 : i1 to i32
    %sign3A_25 = arith.constant 0 : i32
    %sign3A_26 = arith.cmpi slt, %jit3A, %sign3A_25 : i32
    %sign3A_27 = arith.extui %sign3A_26 : i1 to i32
    %sign3A_28 = arith.subi %sign3A_24, %sign3A_27 : i32
    %ne3A = arith.cmpi ne, %sign3A_21, %sign3A_28 : i32
    %rem3A = arith.remsi %add3A_15, %jit3A : i32
    %ne3A_29 = arith.constant 0 : i32
    %ne3A_30 = arith.cmpi ne, %rem3A, %ne3A_29 : i32
    %and3A = arith.andi %ne3A, %ne3A_30 : i1
    %sub3A = arith.constant 1 : i32
    %sub3A_31 = arith.subi %div3A, %sub3A : i32
    %select_n3A = arith.select %and3A, %sub3A_31, %div3A : i32
    %mul3A_32 = arith.constant 8 : i32
    %mul3A_33 = arith.muli %select_n3A, %mul3A_32 : i32
    %min3A = arith.constant 3984 : i32
    %min3A_34 = arith.minsi %mul3A_33, %min3A : i32
    %sub3A_35 = arith.subi %add3A_15, %min3A_34 : i32
    "tpu.region"() ({
      %run_scoped3A = tpu.sem_alloc : memref<!tpu.dma_semaphore, #tpu.memory_space<semaphore_mem>>
      %dma_start3A_55 = arith.constant 0 : i32
      %dma_start3A_56 = tpu.memref_slice %arg3[%min3A_34, %dma_start3A_55] : memref<4000x80xi32, #tpu.memory_space<hbm>> -> memref<16x80xi32, #tpu.memory_space<hbm>>
      %dma_start3A_57 = arith.constant 0 : i32
      %dma_start3A_58 = tpu.memref_slice %arg3[%min3A_34, %dma_start3A_57] : memref<4000x80xi32, #tpu.memory_space<hbm>> -> memref<16x80xi32, #tpu.memory_space<hbm>>
      tpu.enqueue_dma source(%dma_start3A_58 : memref<16x80xi32, #tpu.memory_space<hbm>>) target(%arg7 : memref<16x80xi32, #tpu.memory_space<vmem>>) target_semaphore(%run_scoped3A : memref<!tpu.dma_semaphore, #tpu.memory_space<semaphore_mem>>)
      %dma_wait3A_59 = arith.constant 0 : i32
      %dma_wait3A_60 = tpu.memref_slice %arg3[%min3A_34, %dma_wait3A_59] : memref<4000x80xi32, #tpu.memory_space<hbm>> -> memref<16x80xi32, #tpu.memory_space<hbm>>
      %dma_wait3A_61 = arith.constant 0 : i32
      %dma_wait3A_62 = tpu.memref_slice %arg3[%min3A_34, %dma_wait3A_61] : memref<4000x80xi32, #tpu.memory_space<hbm>> -> memref<16x80xi32, #tpu.memory_space<hbm>>
      tpu.wait_dma2 semaphore(%run_scoped3A : memref<!tpu.dma_semaphore, #tpu.memory_space<semaphore_mem>>) src(%dma_wait3A_62 : memref<16x80xi32, #tpu.memory_space<hbm>>) dst(%arg7 : memref<16x80xi32, #tpu.memory_space<vmem>>)
      tpu.yield
    }) : () -> ()
    "tpu.region"() ({
      %run_scoped3A = tpu.sem_alloc : memref<!tpu.dma_semaphore, #tpu.memory_space<semaphore_mem>>
      %dma_start3A_55 = arith.constant 0 : i32
      %dma_start3A_56 = arith.constant 0 : i32
      %dma_start3A_57 = tpu.memref_slice %arg8[%dma_start3A_55, %dma_start3A_56] : memref<320x128xf32, #tpu.memory_space<vmem>> -> memref<80x128xf32, #tpu.memory_space<vmem>>
      %dma_start3A_58 = arith.constant 0 : i32
      %dma_start3A_59 = tpu.memref_slice %arg2[%add3A_13, %dma_start3A_58] : memref<320000x128xf32, #tpu.memory_space<hbm>> -> memref<80x128xf32, #tpu.memory_space<hbm>>
      %dma_start3A_60 = arith.constant 0 : i32
      %dma_start3A_61 = arith.constant 0 : i32
      %dma_start3A_62 = tpu.memref_slice %arg8[%dma_start3A_60, %dma_start3A_61] : memref<320x128xf32, #tpu.memory_space<vmem>> -> memref<80x128xf32, #tpu.memory_space<vmem>>
      %dma_start3A_63 = arith.constant 0 : i32
      %dma_start3A_64 = tpu.memref_slice %arg2[%add3A_13, %dma_start3A_63] : memref<320000x128xf32, #tpu.memory_space<hbm>> -> memref<80x128xf32, #tpu.memory_space<hbm>>
      tpu.enqueue_dma source(%dma_start3A_64 : memref<80x128xf32, #tpu.memory_space<hbm>>) target(%dma_start3A_62 : memref<80x128xf32, #tpu.memory_space<vmem>>) target_semaphore(%run_scoped3A : memref<!tpu.dma_semaphore, #tpu.memory_space<semaphore_mem>>)
      %dma_wait3A_65 = arith.constant 0 : i32
      %dma_wait3A_66 = arith.constant 0 : i32
      %dma_wait3A_67 = tpu.memref_slice %arg8[%dma_wait3A_65, %dma_wait3A_66] : memref<320x128xf32, #tpu.memory_space<vmem>> -> memref<80x128xf32, #tpu.memory_space<vmem>>
      %dma_wait3A_68 = arith.constant 0 : i32
      %dma_wait3A_69 = tpu.memref_slice %arg2[%add3A_13, %dma_wait3A_68] : memref<320000x128xf32, #tpu.memory_space<hbm>> -> memref<80x128xf32, #tpu.memory_space<hbm>>
      %dma_wait3A_70 = arith.constant 0 : i32
      %dma_wait3A_71 = arith.constant 0 : i32
      %dma_wait3A_72 = tpu.memref_slice %arg8[%dma_wait3A_70, %dma_wait3A_71] : memref<320x128xf32, #tpu.memory_space<vmem>> -> memref<80x128xf32, #tpu.memory_space<vmem>>
      %dma_wait3A_73 = arith.constant 0 : i32
      %dma_wait3A_74 = tpu.memref_slice %arg2[%add3A_13, %dma_wait3A_73] : memref<320000x128xf32, #tpu.memory_space<hbm>> -> memref<80x128xf32, #tpu.memory_space<hbm>>
      tpu.wait_dma2 semaphore(%run_scoped3A : memref<!tpu.dma_semaphore, #tpu.memory_space<semaphore_mem>>) src(%dma_wait3A_74 : memref<80x128xf32, #tpu.memory_space<hbm>>) dst(%dma_wait3A_72 : memref<80x128xf32, #tpu.memory_space<vmem>>)
      tpu.yield
    }) : () -> ()
    %add3A_36 = arith.constant 0 : i32
    %add3A_37 = arith.addi %sub3A_35, %add3A_36 : i32
    %dma_start3A = arith.constant 0 : i32
    %dma_start3A_38 = arith.constant 0 : i32
    %dma_start3A_39 = tpu.memref_slice %arg8[%dma_start3A, %dma_start3A_38] : memref<320x128xf32, #tpu.memory_space<vmem>> -> memref<80x128xf32, #tpu.memory_space<vmem>>
    %dma_start3A_40 = arith.constant 0 : i32
    %dma_start3A_41 = tpu.memref_slice %arg7[%add3A_37, %dma_start3A_40] : memref<16x80xi32, #tpu.memory_space<vmem>> -> memref<1x80xi32, #tpu.memory_space<vmem>>
    %dma_start3A_42 = tpu.memref_squeeze %dma_start3A_41 : memref<1x80xi32, #tpu.memory_space<vmem>> -> memref<80xi32, #tpu.memory_space<vmem>>
    %dma_start3A_43 = arith.constant 0 : i32
    %dma_start3A_44 = arith.constant 0 : i32
    %dma_start3A_45 = tpu.memref_slice %arg6[%dma_start3A_43, %dma_start3A_44] : memref<10112x128xf32, #tpu.memory_space<vmem_shared>> -> memref<10112x128xf32, #tpu.memory_space<vmem_shared>>
    tpu.enqueue_indirect_dma source(%dma_start3A_39 : memref<80x128xf32, #tpu.memory_space<vmem>>) target(%dma_start3A_45 : memref<10112x128xf32, #tpu.memory_space<vmem_shared>>) offsets(%dma_start3A_42 : memref<80xi32, #tpu.memory_space<vmem>>) semaphore(%arg9 : memref<!tpu.dma_semaphore, #tpu.memory_space<semaphore_mem>>) {add = true}
    %dma_wait3A = arith.constant 0 : i32
    %dma_wait3A_46 = arith.constant 0 : i32
    %dma_wait3A_47 = tpu.memref_slice %arg8[%dma_wait3A, %dma_wait3A_46] : memref<320x128xf32, #tpu.memory_space<vmem>> -> memref<80x128xf32, #tpu.memory_space<vmem>>
    %dma_wait3A_48 = arith.constant 0 : i32
    %dma_wait3A_49 = tpu.memref_slice %arg7[%add3A_37, %dma_wait3A_48] : memref<16x80xi32, #tpu.memory_space<vmem>> -> memref<1x80xi32, #tpu.memory_space<vmem>>
    %dma_wait3A_50 = tpu.memref_squeeze %dma_wait3A_49 : memref<1x80xi32, #tpu.memory_space<vmem>> -> memref<80xi32, #tpu.memory_space<vmem>>
    %dma_wait3A_51 = arith.constant 0 : i32
    %dma_wait3A_52 = arith.constant 0 : i32
    %dma_wait3A_53 = tpu.memref_slice %arg6[%dma_wait3A_51, %dma_wait3A_52] : memref<10112x128xf32, #tpu.memory_space<vmem_shared>> -> memref<10112x128xf32, #tpu.memory_space<vmem_shared>>
    tpu.wait_indirect_dma semaphore(%arg9 : memref<!tpu.dma_semaphore, #tpu.memory_space<semaphore_mem>>) src(%dma_wait3A_47 : memref<80x128xf32, #tpu.memory_space<vmem>>) dst(%dma_wait3A_53 : memref<10112x128xf32, #tpu.memory_space<vmem_shared>>)
    %barrier3A_54 = arith.constant 0 : index
    tpu.barrier barrier_id(%barrier3A_54)
    "tpu.region"() ({
      %run_scoped3A = tpu.sem_alloc : memref<!tpu.dma_semaphore, #tpu.memory_space<semaphore_mem>>
      %dma_start3A_55 = arith.constant 0 : i32
      %dma_start3A_56 = arith.constant 0 : i32
      %dma_start3A_57 = tpu.memref_slice %arg5[%arg0, %dma_start3A_55, %dma_start3A_56] : memref<2x10112x128xf32, #tpu.memory_space<hbm>> -> memref<1x10112x128xf32, #tpu.memory_space<hbm>>
      %dma_start3A_58 = tpu.memref_squeeze %dma_start3A_57 : memref<1x10112x128xf32, #tpu.memory_space<hbm>> -> memref<10112x128xf32, #tpu.memory_space<hbm>>
      %dma_start3A_59 = arith.constant 0 : i32
      %dma_start3A_60 = tpu.memref_slice %dma_start3A_58[%mul3A_2, %dma_start3A_59] : memref<10112x128xf32, #tpu.memory_space<hbm>> -> memref<632x128xf32, #tpu.memory_space<hbm>>
      %dma_start3A_61 = arith.constant 0 : i32
      %dma_start3A_62 = tpu.memref_slice %arg6[%mul3A_2, %dma_start3A_61] : memref<10112x128xf32, #tpu.memory_space<vmem_shared>> -> memref<632x128xf32, #tpu.memory_space<vmem_shared>>
      tpu.enqueue_dma source(%dma_start3A_62 : memref<632x128xf32, #tpu.memory_space<vmem_shared>>) target(%dma_start3A_60 : memref<632x128xf32, #tpu.memory_space<hbm>>) target_semaphore(%run_scoped3A : memref<!tpu.dma_semaphore, #tpu.memory_space<semaphore_mem>>)
      %dma_wait3A_63 = arith.constant 0 : i32
      %dma_wait3A_64 = arith.constant 0 : i32
      %dma_wait3A_65 = tpu.memref_slice %arg5[%arg0, %dma_wait3A_63, %dma_wait3A_64] : memref<2x10112x128xf32, #tpu.memory_space<hbm>> -> memref<1x10112x128xf32, #tpu.memory_space<hbm>>
      %dma_wait3A_66 = tpu.memref_squeeze %dma_wait3A_65 : memref<1x10112x128xf32, #tpu.memory_space<hbm>> -> memref<10112x128xf32, #tpu.memory_space<hbm>>
      %dma_wait3A_67 = arith.constant 0 : i32
      %dma_wait3A_68 = tpu.memref_slice %dma_wait3A_66[%mul3A_2, %dma_wait3A_67] : memref<10112x128xf32, #tpu.memory_space<hbm>> -> memref<632x128xf32, #tpu.memory_space<hbm>>
      %dma_wait3A_69 = arith.constant 0 : i32
      %dma_wait3A_70 = tpu.memref_slice %arg6[%mul3A_2, %dma_wait3A_69] : memref<10112x128xf32, #tpu.memory_space<vmem_shared>> -> memref<632x128xf32, #tpu.memory_space<vmem_shared>>
      tpu.wait_dma2 semaphore(%run_scoped3A : memref<!tpu.dma_semaphore, #tpu.memory_space<semaphore_mem>>) src(%dma_wait3A_70 : memref<632x128xf32, #tpu.memory_space<vmem_shared>>) dst(%dma_wait3A_68 : memref<632x128xf32, #tpu.memory_space<hbm>>)
      tpu.yield
    }) : () -> ()
    return
  }
}

#map = affine_map<(d0, d1) -> (0, 0)>
#map1 = affine_map<(d0, d1) -> (0)>
module attributes {stable_mosaic.version = 14 : i64} {
  func.func @_sc_gather_body(%arg0: i32, %arg1: i32, %arg2: memref<10000x128xf32, #tpu.memory_space<hbm>>, %arg3: memref<320000xi32, #tpu.memory_space<hbm>>, %arg4: memref<320000xi32, #tpu.memory_space<hbm>>, %arg5: memref<320000x128xf32, #tpu.memory_space<hbm>>, %arg6: memref<320000x128xf32, #tpu.memory_space<hbm>>, %arg7: memref<400xi32, #tpu.memory_space<vmem>>, %arg8: memref<400xi32, #tpu.memory_space<vmem>>, %arg9: memref<400x128xf32, #tpu.memory_space<vmem>>, %arg10: memref<400x128xf32, #tpu.memory_space<vmem>>, %arg11: memref<!tpu.dma_semaphore, #tpu.memory_space<semaphore_mem>>) attributes {dimension_semantics = [#tpu.dimension_semantics<core_parallel>, #tpu.dimension_semantics<subcore_parallel>], iteration_bounds = array<i64: 2, 16>, scalar_prefetch = 0 : i64, scratch_operands = 5 : i64, tpu.core_type = #tpu.core_type<sc_vector_subcore>, window_params = [{transform_indices = #map}, {transform_indices = #map1}, {transform_indices = #map1}, {transform_indices = #map}, {transform_indices = #map}]} {
    %mul3A = arith.constant 2 : i32
    %mul3A_0 = arith.muli %arg1, %mul3A : i32
    %add3A = arith.addi %mul3A_0, %arg0 : i32
    %mul3A_1 = arith.constant 10000 : i32
    %mul3A_2 = arith.muli %add3A, %mul3A_1 : i32
    %scan3A = arith.constant 0 : i32
    %scan3A_3 = arith.constant 0 : i32
    %scan3A_4 = arith.constant 25 : i32
    %scan3A_5 = arith.addi %scan3A_3, %scan3A_4 : i32
    %scan3A_6 = arith.constant 1 : i32
    scf.for %scan3A_8 = %scan3A_3 to %scan3A_5 step %scan3A_6  : i32 {
      %mul3A_9 = arith.constant 400 : i32
      %mul3A_10 = arith.muli %scan3A_8, %mul3A_9 : i32
      %add3A_11 = arith.addi %mul3A_2, %mul3A_10 : i32
      "tpu.region"() ({
        %run_scoped3A = tpu.sem_alloc : memref<!tpu.dma_semaphore, #tpu.memory_space<semaphore_mem>>
        %dma_start3A_170 = tpu.memref_slice %arg3[%add3A_11] : memref<320000xi32, #tpu.memory_space<hbm>> -> memref<400xi32, #tpu.memory_space<hbm>>
        %dma_start3A_171 = tpu.memref_slice %arg3[%add3A_11] : memref<320000xi32, #tpu.memory_space<hbm>> -> memref<400xi32, #tpu.memory_space<hbm>>
        tpu.enqueue_dma source(%dma_start3A_171 : memref<400xi32, #tpu.memory_space<hbm>>) target(%arg7 : memref<400xi32, #tpu.memory_space<vmem>>) target_semaphore(%run_scoped3A : memref<!tpu.dma_semaphore, #tpu.memory_space<semaphore_mem>>)
        %dma_wait3A_172 = tpu.memref_slice %arg3[%add3A_11] : memref<320000xi32, #tpu.memory_space<hbm>> -> memref<400xi32, #tpu.memory_space<hbm>>
        %dma_wait3A_173 = tpu.memref_slice %arg3[%add3A_11] : memref<320000xi32, #tpu.memory_space<hbm>> -> memref<400xi32, #tpu.memory_space<hbm>>
        tpu.wait_dma2 semaphore(%run_scoped3A : memref<!tpu.dma_semaphore, #tpu.memory_space<semaphore_mem>>) src(%dma_wait3A_173 : memref<400xi32, #tpu.memory_space<hbm>>) dst(%arg7 : memref<400xi32, #tpu.memory_space<vmem>>)
        tpu.yield
      }) : () -> ()
      "tpu.region"() ({
        %run_scoped3A = tpu.sem_alloc : memref<!tpu.dma_semaphore, #tpu.memory_space<semaphore_mem>>
        %dma_start3A_170 = tpu.memref_slice %arg4[%add3A_11] : memref<320000xi32, #tpu.memory_space<hbm>> -> memref<400xi32, #tpu.memory_space<hbm>>
        %dma_start3A_171 = tpu.memref_slice %arg4[%add3A_11] : memref<320000xi32, #tpu.memory_space<hbm>> -> memref<400xi32, #tpu.memory_space<hbm>>
        tpu.enqueue_dma source(%dma_start3A_171 : memref<400xi32, #tpu.memory_space<hbm>>) target(%arg8 : memref<400xi32, #tpu.memory_space<vmem>>) target_semaphore(%run_scoped3A : memref<!tpu.dma_semaphore, #tpu.memory_space<semaphore_mem>>)
        %dma_wait3A_172 = tpu.memref_slice %arg4[%add3A_11] : memref<320000xi32, #tpu.memory_space<hbm>> -> memref<400xi32, #tpu.memory_space<hbm>>
        %dma_wait3A_173 = tpu.memref_slice %arg4[%add3A_11] : memref<320000xi32, #tpu.memory_space<hbm>> -> memref<400xi32, #tpu.memory_space<hbm>>
        tpu.wait_dma2 semaphore(%run_scoped3A : memref<!tpu.dma_semaphore, #tpu.memory_space<semaphore_mem>>) src(%dma_wait3A_173 : memref<400xi32, #tpu.memory_space<hbm>>) dst(%arg8 : memref<400xi32, #tpu.memory_space<vmem>>)
        tpu.yield
      }) : () -> ()
      %dma_start3A = arith.constant 0 : i32
      %dma_start3A_12 = arith.constant 0 : i32
      %dma_start3A_13 = tpu.memref_slice %arg9[%dma_start3A, %dma_start3A_12] : memref<400x128xf32, #tpu.memory_space<vmem>> -> memref<80x128xf32, #tpu.memory_space<vmem>>
      %dma_start3A_14 = arith.constant 0 : i32
      %dma_start3A_15 = tpu.memref_slice %arg7[%dma_start3A_14] : memref<400xi32, #tpu.memory_space<vmem>> -> memref<80xi32, #tpu.memory_space<vmem>>
      %dma_start3A_16 = arith.constant 0 : i32
      %dma_start3A_17 = arith.constant 0 : i32
      %dma_start3A_18 = tpu.memref_slice %arg2[%dma_start3A_16, %dma_start3A_17] : memref<10000x128xf32, #tpu.memory_space<hbm>> -> memref<10000x128xf32, #tpu.memory_space<hbm>>
      tpu.enqueue_indirect_dma source(%dma_start3A_18 : memref<10000x128xf32, #tpu.memory_space<hbm>>) target(%dma_start3A_13 : memref<80x128xf32, #tpu.memory_space<vmem>>) offsets(%dma_start3A_15 : memref<80xi32, #tpu.memory_space<vmem>>) semaphore(%arg11 : memref<!tpu.dma_semaphore, #tpu.memory_space<semaphore_mem>>)
      %dma_start3A_19 = arith.constant 0 : i32
      %dma_start3A_20 = arith.constant 0 : i32
      %dma_start3A_21 = tpu.memref_slice %arg10[%dma_start3A_19, %dma_start3A_20] : memref<400x128xf32, #tpu.memory_space<vmem>> -> memref<80x128xf32, #tpu.memory_space<vmem>>
      %dma_start3A_22 = arith.constant 0 : i32
      %dma_start3A_23 = tpu.memref_slice %arg8[%dma_start3A_22] : memref<400xi32, #tpu.memory_space<vmem>> -> memref<80xi32, #tpu.memory_space<vmem>>
      %dma_start3A_24 = arith.constant 0 : i32
      %dma_start3A_25 = arith.constant 0 : i32
      %dma_start3A_26 = tpu.memref_slice %arg2[%dma_start3A_24, %dma_start3A_25] : memref<10000x128xf32, #tpu.memory_space<hbm>> -> memref<10000x128xf32, #tpu.memory_space<hbm>>
      tpu.enqueue_indirect_dma source(%dma_start3A_26 : memref<10000x128xf32, #tpu.memory_space<hbm>>) target(%dma_start3A_21 : memref<80x128xf32, #tpu.memory_space<vmem>>) offsets(%dma_start3A_23 : memref<80xi32, #tpu.memory_space<vmem>>) semaphore(%arg11 : memref<!tpu.dma_semaphore, #tpu.memory_space<semaphore_mem>>)
      %dma_start3A_27 = arith.constant 80 : i32
      %dma_start3A_28 = arith.constant 0 : i32
      %dma_start3A_29 = tpu.memref_slice %arg9[%dma_start3A_27, %dma_start3A_28] : memref<400x128xf32, #tpu.memory_space<vmem>> -> memref<80x128xf32, #tpu.memory_space<vmem>>
      %dma_start3A_30 = arith.constant 80 : i32
      %dma_start3A_31 = tpu.memref_slice %arg7[%dma_start3A_30] : memref<400xi32, #tpu.memory_space<vmem>> -> memref<80xi32, #tpu.memory_space<vmem>>
      %dma_start3A_32 = arith.constant 0 : i32
      %dma_start3A_33 = arith.constant 0 : i32
      %dma_start3A_34 = tpu.memref_slice %arg2[%dma_start3A_32, %dma_start3A_33] : memref<10000x128xf32, #tpu.memory_space<hbm>> -> memref<10000x128xf32, #tpu.memory_space<hbm>>
      tpu.enqueue_indirect_dma source(%dma_start3A_34 : memref<10000x128xf32, #tpu.memory_space<hbm>>) target(%dma_start3A_29 : memref<80x128xf32, #tpu.memory_space<vmem>>) offsets(%dma_start3A_31 : memref<80xi32, #tpu.memory_space<vmem>>) semaphore(%arg11 : memref<!tpu.dma_semaphore, #tpu.memory_space<semaphore_mem>>)
      %dma_start3A_35 = arith.constant 80 : i32
      %dma_start3A_36 = arith.constant 0 : i32
      %dma_start3A_37 = tpu.memref_slice %arg10[%dma_start3A_35, %dma_start3A_36] : memref<400x128xf32, #tpu.memory_space<vmem>> -> memref<80x128xf32, #tpu.memory_space<vmem>>
      %dma_start3A_38 = arith.constant 80 : i32
      %dma_start3A_39 = tpu.memref_slice %arg8[%dma_start3A_38] : memref<400xi32, #tpu.memory_space<vmem>> -> memref<80xi32, #tpu.memory_space<vmem>>
      %dma_start3A_40 = arith.constant 0 : i32
      %dma_start3A_41 = arith.constant 0 : i32
      %dma_start3A_42 = tpu.memref_slice %arg2[%dma_start3A_40, %dma_start3A_41] : memref<10000x128xf32, #tpu.memory_space<hbm>> -> memref<10000x128xf32, #tpu.memory_space<hbm>>
      tpu.enqueue_indirect_dma source(%dma_start3A_42 : memref<10000x128xf32, #tpu.memory_space<hbm>>) target(%dma_start3A_37 : memref<80x128xf32, #tpu.memory_space<vmem>>) offsets(%dma_start3A_39 : memref<80xi32, #tpu.memory_space<vmem>>) semaphore(%arg11 : memref<!tpu.dma_semaphore, #tpu.memory_space<semaphore_mem>>)
      %dma_start3A_43 = arith.constant 160 : i32
      %dma_start3A_44 = arith.constant 0 : i32
      %dma_start3A_45 = tpu.memref_slice %arg9[%dma_start3A_43, %dma_start3A_44] : memref<400x128xf32, #tpu.memory_space<vmem>> -> memref<80x128xf32, #tpu.memory_space<vmem>>
      %dma_start3A_46 = arith.constant 160 : i32
      %dma_start3A_47 = tpu.memref_slice %arg7[%dma_start3A_46] : memref<400xi32, #tpu.memory_space<vmem>> -> memref<80xi32, #tpu.memory_space<vmem>>
      %dma_start3A_48 = arith.constant 0 : i32
      %dma_start3A_49 = arith.constant 0 : i32
      %dma_start3A_50 = tpu.memref_slice %arg2[%dma_start3A_48, %dma_start3A_49] : memref<10000x128xf32, #tpu.memory_space<hbm>> -> memref<10000x128xf32, #tpu.memory_space<hbm>>
      tpu.enqueue_indirect_dma source(%dma_start3A_50 : memref<10000x128xf32, #tpu.memory_space<hbm>>) target(%dma_start3A_45 : memref<80x128xf32, #tpu.memory_space<vmem>>) offsets(%dma_start3A_47 : memref<80xi32, #tpu.memory_space<vmem>>) semaphore(%arg11 : memref<!tpu.dma_semaphore, #tpu.memory_space<semaphore_mem>>)
      %dma_start3A_51 = arith.constant 160 : i32
      %dma_start3A_52 = arith.constant 0 : i32
      %dma_start3A_53 = tpu.memref_slice %arg10[%dma_start3A_51, %dma_start3A_52] : memref<400x128xf32, #tpu.memory_space<vmem>> -> memref<80x128xf32, #tpu.memory_space<vmem>>
      %dma_start3A_54 = arith.constant 160 : i32
      %dma_start3A_55 = tpu.memref_slice %arg8[%dma_start3A_54] : memref<400xi32, #tpu.memory_space<vmem>> -> memref<80xi32, #tpu.memory_space<vmem>>
      %dma_start3A_56 = arith.constant 0 : i32
      %dma_start3A_57 = arith.constant 0 : i32
      %dma_start3A_58 = tpu.memref_slice %arg2[%dma_start3A_56, %dma_start3A_57] : memref<10000x128xf32, #tpu.memory_space<hbm>> -> memref<10000x128xf32, #tpu.memory_space<hbm>>
      tpu.enqueue_indirect_dma source(%dma_start3A_58 : memref<10000x128xf32, #tpu.memory_space<hbm>>) target(%dma_start3A_53 : memref<80x128xf32, #tpu.memory_space<vmem>>) offsets(%dma_start3A_55 : memref<80xi32, #tpu.memory_space<vmem>>) semaphore(%arg11 : memref<!tpu.dma_semaphore, #tpu.memory_space<semaphore_mem>>)
      %dma_start3A_59 = arith.constant 240 : i32
      %dma_start3A_60 = arith.constant 0 : i32
      %dma_start3A_61 = tpu.memref_slice %arg9[%dma_start3A_59, %dma_start3A_60] : memref<400x128xf32, #tpu.memory_space<vmem>> -> memref<80x128xf32, #tpu.memory_space<vmem>>
      %dma_start3A_62 = arith.constant 240 : i32
      %dma_start3A_63 = tpu.memref_slice %arg7[%dma_start3A_62] : memref<400xi32, #tpu.memory_space<vmem>> -> memref<80xi32, #tpu.memory_space<vmem>>
      %dma_start3A_64 = arith.constant 0 : i32
      %dma_start3A_65 = arith.constant 0 : i32
      %dma_start3A_66 = tpu.memref_slice %arg2[%dma_start3A_64, %dma_start3A_65] : memref<10000x128xf32, #tpu.memory_space<hbm>> -> memref<10000x128xf32, #tpu.memory_space<hbm>>
      tpu.enqueue_indirect_dma source(%dma_start3A_66 : memref<10000x128xf32, #tpu.memory_space<hbm>>) target(%dma_start3A_61 : memref<80x128xf32, #tpu.memory_space<vmem>>) offsets(%dma_start3A_63 : memref<80xi32, #tpu.memory_space<vmem>>) semaphore(%arg11 : memref<!tpu.dma_semaphore, #tpu.memory_space<semaphore_mem>>)
      %dma_start3A_67 = arith.constant 240 : i32
      %dma_start3A_68 = arith.constant 0 : i32
      %dma_start3A_69 = tpu.memref_slice %arg10[%dma_start3A_67, %dma_start3A_68] : memref<400x128xf32, #tpu.memory_space<vmem>> -> memref<80x128xf32, #tpu.memory_space<vmem>>
      %dma_start3A_70 = arith.constant 240 : i32
      %dma_start3A_71 = tpu.memref_slice %arg8[%dma_start3A_70] : memref<400xi32, #tpu.memory_space<vmem>> -> memref<80xi32, #tpu.memory_space<vmem>>
      %dma_start3A_72 = arith.constant 0 : i32
      %dma_start3A_73 = arith.constant 0 : i32
      %dma_start3A_74 = tpu.memref_slice %arg2[%dma_start3A_72, %dma_start3A_73] : memref<10000x128xf32, #tpu.memory_space<hbm>> -> memref<10000x128xf32, #tpu.memory_space<hbm>>
      tpu.enqueue_indirect_dma source(%dma_start3A_74 : memref<10000x128xf32, #tpu.memory_space<hbm>>) target(%dma_start3A_69 : memref<80x128xf32, #tpu.memory_space<vmem>>) offsets(%dma_start3A_71 : memref<80xi32, #tpu.memory_space<vmem>>) semaphore(%arg11 : memref<!tpu.dma_semaphore, #tpu.memory_space<semaphore_mem>>)
      %dma_start3A_75 = arith.constant 320 : i32
      %dma_start3A_76 = arith.constant 0 : i32
      %dma_start3A_77 = tpu.memref_slice %arg9[%dma_start3A_75, %dma_start3A_76] : memref<400x128xf32, #tpu.memory_space<vmem>> -> memref<80x128xf32, #tpu.memory_space<vmem>>
      %dma_start3A_78 = arith.constant 320 : i32
      %dma_start3A_79 = tpu.memref_slice %arg7[%dma_start3A_78] : memref<400xi32, #tpu.memory_space<vmem>> -> memref<80xi32, #tpu.memory_space<vmem>>
      %dma_start3A_80 = arith.constant 0 : i32
      %dma_start3A_81 = arith.constant 0 : i32
      %dma_start3A_82 = tpu.memref_slice %arg2[%dma_start3A_80, %dma_start3A_81] : memref<10000x128xf32, #tpu.memory_space<hbm>> -> memref<10000x128xf32, #tpu.memory_space<hbm>>
      tpu.enqueue_indirect_dma source(%dma_start3A_82 : memref<10000x128xf32, #tpu.memory_space<hbm>>) target(%dma_start3A_77 : memref<80x128xf32, #tpu.memory_space<vmem>>) offsets(%dma_start3A_79 : memref<80xi32, #tpu.memory_space<vmem>>) semaphore(%arg11 : memref<!tpu.dma_semaphore, #tpu.memory_space<semaphore_mem>>)
      %dma_start3A_83 = arith.constant 320 : i32
      %dma_start3A_84 = arith.constant 0 : i32
      %dma_start3A_85 = tpu.memref_slice %arg10[%dma_start3A_83, %dma_start3A_84] : memref<400x128xf32, #tpu.memory_space<vmem>> -> memref<80x128xf32, #tpu.memory_space<vmem>>
      %dma_start3A_86 = arith.constant 320 : i32
      %dma_start3A_87 = tpu.memref_slice %arg8[%dma_start3A_86] : memref<400xi32, #tpu.memory_space<vmem>> -> memref<80xi32, #tpu.memory_space<vmem>>
      %dma_start3A_88 = arith.constant 0 : i32
      %dma_start3A_89 = arith.constant 0 : i32
      %dma_start3A_90 = tpu.memref_slice %arg2[%dma_start3A_88, %dma_start3A_89] : memref<10000x128xf32, #tpu.memory_space<hbm>> -> memref<10000x128xf32, #tpu.memory_space<hbm>>
      tpu.enqueue_indirect_dma source(%dma_start3A_90 : memref<10000x128xf32, #tpu.memory_space<hbm>>) target(%dma_start3A_85 : memref<80x128xf32, #tpu.memory_space<vmem>>) offsets(%dma_start3A_87 : memref<80xi32, #tpu.memory_space<vmem>>) semaphore(%arg11 : memref<!tpu.dma_semaphore, #tpu.memory_space<semaphore_mem>>)
      %dma_wait3A = arith.constant 0 : i32
      %dma_wait3A_91 = arith.constant 0 : i32
      %dma_wait3A_92 = tpu.memref_slice %arg9[%dma_wait3A, %dma_wait3A_91] : memref<400x128xf32, #tpu.memory_space<vmem>> -> memref<80x128xf32, #tpu.memory_space<vmem>>
      %dma_wait3A_93 = arith.constant 0 : i32
      %dma_wait3A_94 = tpu.memref_slice %arg7[%dma_wait3A_93] : memref<400xi32, #tpu.memory_space<vmem>> -> memref<80xi32, #tpu.memory_space<vmem>>
      %dma_wait3A_95 = arith.constant 0 : i32
      %dma_wait3A_96 = arith.constant 0 : i32
      %dma_wait3A_97 = tpu.memref_slice %arg2[%dma_wait3A_95, %dma_wait3A_96] : memref<10000x128xf32, #tpu.memory_space<hbm>> -> memref<10000x128xf32, #tpu.memory_space<hbm>>
      tpu.wait_indirect_dma semaphore(%arg11 : memref<!tpu.dma_semaphore, #tpu.memory_space<semaphore_mem>>) src(%dma_wait3A_97 : memref<10000x128xf32, #tpu.memory_space<hbm>>) dst(%dma_wait3A_92 : memref<80x128xf32, #tpu.memory_space<vmem>>)
      %dma_wait3A_98 = arith.constant 0 : i32
      %dma_wait3A_99 = arith.constant 0 : i32
      %dma_wait3A_100 = tpu.memref_slice %arg10[%dma_wait3A_98, %dma_wait3A_99] : memref<400x128xf32, #tpu.memory_space<vmem>> -> memref<80x128xf32, #tpu.memory_space<vmem>>
      %dma_wait3A_101 = arith.constant 0 : i32
      %dma_wait3A_102 = tpu.memref_slice %arg8[%dma_wait3A_101] : memref<400xi32, #tpu.memory_space<vmem>> -> memref<80xi32, #tpu.memory_space<vmem>>
      %dma_wait3A_103 = arith.constant 0 : i32
      %dma_wait3A_104 = arith.constant 0 : i32
      %dma_wait3A_105 = tpu.memref_slice %arg2[%dma_wait3A_103, %dma_wait3A_104] : memref<10000x128xf32, #tpu.memory_space<hbm>> -> memref<10000x128xf32, #tpu.memory_space<hbm>>
      tpu.wait_indirect_dma semaphore(%arg11 : memref<!tpu.dma_semaphore, #tpu.memory_space<semaphore_mem>>) src(%dma_wait3A_105 : memref<10000x128xf32, #tpu.memory_space<hbm>>) dst(%dma_wait3A_100 : memref<80x128xf32, #tpu.memory_space<vmem>>)
      %dma_wait3A_106 = arith.constant 80 : i32
      %dma_wait3A_107 = arith.constant 0 : i32
      %dma_wait3A_108 = tpu.memref_slice %arg9[%dma_wait3A_106, %dma_wait3A_107] : memref<400x128xf32, #tpu.memory_space<vmem>> -> memref<80x128xf32, #tpu.memory_space<vmem>>
      %dma_wait3A_109 = arith.constant 80 : i32
      %dma_wait3A_110 = tpu.memref_slice %arg7[%dma_wait3A_109] : memref<400xi32, #tpu.memory_space<vmem>> -> memref<80xi32, #tpu.memory_space<vmem>>
      %dma_wait3A_111 = arith.constant 0 : i32
      %dma_wait3A_112 = arith.constant 0 : i32
      %dma_wait3A_113 = tpu.memref_slice %arg2[%dma_wait3A_111, %dma_wait3A_112] : memref<10000x128xf32, #tpu.memory_space<hbm>> -> memref<10000x128xf32, #tpu.memory_space<hbm>>
      tpu.wait_indirect_dma semaphore(%arg11 : memref<!tpu.dma_semaphore, #tpu.memory_space<semaphore_mem>>) src(%dma_wait3A_113 : memref<10000x128xf32, #tpu.memory_space<hbm>>) dst(%dma_wait3A_108 : memref<80x128xf32, #tpu.memory_space<vmem>>)
      %dma_wait3A_114 = arith.constant 80 : i32
      %dma_wait3A_115 = arith.constant 0 : i32
      %dma_wait3A_116 = tpu.memref_slice %arg10[%dma_wait3A_114, %dma_wait3A_115] : memref<400x128xf32, #tpu.memory_space<vmem>> -> memref<80x128xf32, #tpu.memory_space<vmem>>
      %dma_wait3A_117 = arith.constant 80 : i32
      %dma_wait3A_118 = tpu.memref_slice %arg8[%dma_wait3A_117] : memref<400xi32, #tpu.memory_space<vmem>> -> memref<80xi32, #tpu.memory_space<vmem>>
      %dma_wait3A_119 = arith.constant 0 : i32
      %dma_wait3A_120 = arith.constant 0 : i32
      %dma_wait3A_121 = tpu.memref_slice %arg2[%dma_wait3A_119, %dma_wait3A_120] : memref<10000x128xf32, #tpu.memory_space<hbm>> -> memref<10000x128xf32, #tpu.memory_space<hbm>>
      tpu.wait_indirect_dma semaphore(%arg11 : memref<!tpu.dma_semaphore, #tpu.memory_space<semaphore_mem>>) src(%dma_wait3A_121 : memref<10000x128xf32, #tpu.memory_space<hbm>>) dst(%dma_wait3A_116 : memref<80x128xf32, #tpu.memory_space<vmem>>)
      %dma_wait3A_122 = arith.constant 160 : i32
      %dma_wait3A_123 = arith.constant 0 : i32
      %dma_wait3A_124 = tpu.memref_slice %arg9[%dma_wait3A_122, %dma_wait3A_123] : memref<400x128xf32, #tpu.memory_space<vmem>> -> memref<80x128xf32, #tpu.memory_space<vmem>>
      %dma_wait3A_125 = arith.constant 160 : i32
      %dma_wait3A_126 = tpu.memref_slice %arg7[%dma_wait3A_125] : memref<400xi32, #tpu.memory_space<vmem>> -> memref<80xi32, #tpu.memory_space<vmem>>
      %dma_wait3A_127 = arith.constant 0 : i32
      %dma_wait3A_128 = arith.constant 0 : i32
      %dma_wait3A_129 = tpu.memref_slice %arg2[%dma_wait3A_127, %dma_wait3A_128] : memref<10000x128xf32, #tpu.memory_space<hbm>> -> memref<10000x128xf32, #tpu.memory_space<hbm>>
      tpu.wait_indirect_dma semaphore(%arg11 : memref<!tpu.dma_semaphore, #tpu.memory_space<semaphore_mem>>) src(%dma_wait3A_129 : memref<10000x128xf32, #tpu.memory_space<hbm>>) dst(%dma_wait3A_124 : memref<80x128xf32, #tpu.memory_space<vmem>>)
      %dma_wait3A_130 = arith.constant 160 : i32
      %dma_wait3A_131 = arith.constant 0 : i32
      %dma_wait3A_132 = tpu.memref_slice %arg10[%dma_wait3A_130, %dma_wait3A_131] : memref<400x128xf32, #tpu.memory_space<vmem>> -> memref<80x128xf32, #tpu.memory_space<vmem>>
      %dma_wait3A_133 = arith.constant 160 : i32
      %dma_wait3A_134 = tpu.memref_slice %arg8[%dma_wait3A_133] : memref<400xi32, #tpu.memory_space<vmem>> -> memref<80xi32, #tpu.memory_space<vmem>>
      %dma_wait3A_135 = arith.constant 0 : i32
      %dma_wait3A_136 = arith.constant 0 : i32
      %dma_wait3A_137 = tpu.memref_slice %arg2[%dma_wait3A_135, %dma_wait3A_136] : memref<10000x128xf32, #tpu.memory_space<hbm>> -> memref<10000x128xf32, #tpu.memory_space<hbm>>
      tpu.wait_indirect_dma semaphore(%arg11 : memref<!tpu.dma_semaphore, #tpu.memory_space<semaphore_mem>>) src(%dma_wait3A_137 : memref<10000x128xf32, #tpu.memory_space<hbm>>) dst(%dma_wait3A_132 : memref<80x128xf32, #tpu.memory_space<vmem>>)
      %dma_wait3A_138 = arith.constant 240 : i32
      %dma_wait3A_139 = arith.constant 0 : i32
      %dma_wait3A_140 = tpu.memref_slice %arg9[%dma_wait3A_138, %dma_wait3A_139] : memref<400x128xf32, #tpu.memory_space<vmem>> -> memref<80x128xf32, #tpu.memory_space<vmem>>
      %dma_wait3A_141 = arith.constant 240 : i32
      %dma_wait3A_142 = tpu.memref_slice %arg7[%dma_wait3A_141] : memref<400xi32, #tpu.memory_space<vmem>> -> memref<80xi32, #tpu.memory_space<vmem>>
      %dma_wait3A_143 = arith.constant 0 : i32
      %dma_wait3A_144 = arith.constant 0 : i32
      %dma_wait3A_145 = tpu.memref_slice %arg2[%dma_wait3A_143, %dma_wait3A_144] : memref<10000x128xf32, #tpu.memory_space<hbm>> -> memref<10000x128xf32, #tpu.memory_space<hbm>>
      tpu.wait_indirect_dma semaphore(%arg11 : memref<!tpu.dma_semaphore, #tpu.memory_space<semaphore_mem>>) src(%dma_wait3A_145 : memref<10000x128xf32, #tpu.memory_space<hbm>>) dst(%dma_wait3A_140 : memref<80x128xf32, #tpu.memory_space<vmem>>)
      %dma_wait3A_146 = arith.constant 240 : i32
      %dma_wait3A_147 = arith.constant 0 : i32
      %dma_wait3A_148 = tpu.memref_slice %arg10[%dma_wait3A_146, %dma_wait3A_147] : memref<400x128xf32, #tpu.memory_space<vmem>> -> memref<80x128xf32, #tpu.memory_space<vmem>>
      %dma_wait3A_149 = arith.constant 240 : i32
      %dma_wait3A_150 = tpu.memref_slice %arg8[%dma_wait3A_149] : memref<400xi32, #tpu.memory_space<vmem>> -> memref<80xi32, #tpu.memory_space<vmem>>
      %dma_wait3A_151 = arith.constant 0 : i32
      %dma_wait3A_152 = arith.constant 0 : i32
      %dma_wait3A_153 = tpu.memref_slice %arg2[%dma_wait3A_151, %dma_wait3A_152] : memref<10000x128xf32, #tpu.memory_space<hbm>> -> memref<10000x128xf32, #tpu.memory_space<hbm>>
      tpu.wait_indirect_dma semaphore(%arg11 : memref<!tpu.dma_semaphore, #tpu.memory_space<semaphore_mem>>) src(%dma_wait3A_153 : memref<10000x128xf32, #tpu.memory_space<hbm>>) dst(%dma_wait3A_148 : memref<80x128xf32, #tpu.memory_space<vmem>>)
      %dma_wait3A_154 = arith.constant 320 : i32
      %dma_wait3A_155 = arith.constant 0 : i32
      %dma_wait3A_156 = tpu.memref_slice %arg9[%dma_wait3A_154, %dma_wait3A_155] : memref<400x128xf32, #tpu.memory_space<vmem>> -> memref<80x128xf32, #tpu.memory_space<vmem>>
      %dma_wait3A_157 = arith.constant 320 : i32
      %dma_wait3A_158 = tpu.memref_slice %arg7[%dma_wait3A_157] : memref<400xi32, #tpu.memory_space<vmem>> -> memref<80xi32, #tpu.memory_space<vmem>>
      %dma_wait3A_159 = arith.constant 0 : i32
      %dma_wait3A_160 = arith.constant 0 : i32
      %dma_wait3A_161 = tpu.memref_slice %arg2[%dma_wait3A_159, %dma_wait3A_160] : memref<10000x128xf32, #tpu.memory_space<hbm>> -> memref<10000x128xf32, #tpu.memory_space<hbm>>
      tpu.wait_indirect_dma semaphore(%arg11 : memref<!tpu.dma_semaphore, #tpu.memory_space<semaphore_mem>>) src(%dma_wait3A_161 : memref<10000x128xf32, #tpu.memory_space<hbm>>) dst(%dma_wait3A_156 : memref<80x128xf32, #tpu.memory_space<vmem>>)
      %dma_wait3A_162 = arith.constant 320 : i32
      %dma_wait3A_163 = arith.constant 0 : i32
      %dma_wait3A_164 = tpu.memref_slice %arg10[%dma_wait3A_162, %dma_wait3A_163] : memref<400x128xf32, #tpu.memory_space<vmem>> -> memref<80x128xf32, #tpu.memory_space<vmem>>
      %dma_wait3A_165 = arith.constant 320 : i32
      %dma_wait3A_166 = tpu.memref_slice %arg8[%dma_wait3A_165] : memref<400xi32, #tpu.memory_space<vmem>> -> memref<80xi32, #tpu.memory_space<vmem>>
      %dma_wait3A_167 = arith.constant 0 : i32
      %dma_wait3A_168 = arith.constant 0 : i32
      %dma_wait3A_169 = tpu.memref_slice %arg2[%dma_wait3A_167, %dma_wait3A_168] : memref<10000x128xf32, #tpu.memory_space<hbm>> -> memref<10000x128xf32, #tpu.memory_space<hbm>>
      tpu.wait_indirect_dma semaphore(%arg11 : memref<!tpu.dma_semaphore, #tpu.memory_space<semaphore_mem>>) src(%dma_wait3A_169 : memref<10000x128xf32, #tpu.memory_space<hbm>>) dst(%dma_wait3A_164 : memref<80x128xf32, #tpu.memory_space<vmem>>)
      "tpu.region"() ({
        %run_scoped3A = tpu.sem_alloc : memref<!tpu.dma_semaphore, #tpu.memory_space<semaphore_mem>>
        %dma_start3A_170 = arith.constant 0 : i32
        %dma_start3A_171 = tpu.memref_slice %arg5[%add3A_11, %dma_start3A_170] : memref<320000x128xf32, #tpu.memory_space<hbm>> -> memref<400x128xf32, #tpu.memory_space<hbm>>
        %dma_start3A_172 = arith.constant 0 : i32
        %dma_start3A_173 = tpu.memref_slice %arg5[%add3A_11, %dma_start3A_172] : memref<320000x128xf32, #tpu.memory_space<hbm>> -> memref<400x128xf32, #tpu.memory_space<hbm>>
        tpu.enqueue_dma source(%arg9 : memref<400x128xf32, #tpu.memory_space<vmem>>) target(%dma_start3A_173 : memref<400x128xf32, #tpu.memory_space<hbm>>) target_semaphore(%run_scoped3A : memref<!tpu.dma_semaphore, #tpu.memory_space<semaphore_mem>>)
        %dma_wait3A_174 = arith.constant 0 : i32
        %dma_wait3A_175 = tpu.memref_slice %arg5[%add3A_11, %dma_wait3A_174] : memref<320000x128xf32, #tpu.memory_space<hbm>> -> memref<400x128xf32, #tpu.memory_space<hbm>>
        %dma_wait3A_176 = arith.constant 0 : i32
        %dma_wait3A_177 = tpu.memref_slice %arg5[%add3A_11, %dma_wait3A_176] : memref<320000x128xf32, #tpu.memory_space<hbm>> -> memref<400x128xf32, #tpu.memory_space<hbm>>
        tpu.wait_dma2 semaphore(%run_scoped3A : memref<!tpu.dma_semaphore, #tpu.memory_space<semaphore_mem>>) src(%arg9 : memref<400x128xf32, #tpu.memory_space<vmem>>) dst(%dma_wait3A_177 : memref<400x128xf32, #tpu.memory_space<hbm>>)
        tpu.yield
      }) : () -> ()
      "tpu.region"() ({
        %run_scoped3A = tpu.sem_alloc : memref<!tpu.dma_semaphore, #tpu.memory_space<semaphore_mem>>
        %dma_start3A_170 = arith.constant 0 : i32
        %dma_start3A_171 = tpu.memref_slice %arg6[%add3A_11, %dma_start3A_170] : memref<320000x128xf32, #tpu.memory_space<hbm>> -> memref<400x128xf32, #tpu.memory_space<hbm>>
        %dma_start3A_172 = arith.constant 0 : i32
        %dma_start3A_173 = tpu.memref_slice %arg6[%add3A_11, %dma_start3A_172] : memref<320000x128xf32, #tpu.memory_space<hbm>> -> memref<400x128xf32, #tpu.memory_space<hbm>>
        tpu.enqueue_dma source(%arg10 : memref<400x128xf32, #tpu.memory_space<vmem>>) target(%dma_start3A_173 : memref<400x128xf32, #tpu.memory_space<hbm>>) target_semaphore(%run_scoped3A : memref<!tpu.dma_semaphore, #tpu.memory_space<semaphore_mem>>)
        %dma_wait3A_174 = arith.constant 0 : i32
        %dma_wait3A_175 = tpu.memref_slice %arg6[%add3A_11, %dma_wait3A_174] : memref<320000x128xf32, #tpu.memory_space<hbm>> -> memref<400x128xf32, #tpu.memory_space<hbm>>
        %dma_wait3A_176 = arith.constant 0 : i32
        %dma_wait3A_177 = tpu.memref_slice %arg6[%add3A_11, %dma_wait3A_176] : memref<320000x128xf32, #tpu.memory_space<hbm>> -> memref<400x128xf32, #tpu.memory_space<hbm>>
        tpu.wait_dma2 semaphore(%run_scoped3A : memref<!tpu.dma_semaphore, #tpu.memory_space<semaphore_mem>>) src(%arg10 : memref<400x128xf32, #tpu.memory_space<vmem>>) dst(%dma_wait3A_177 : memref<400x128xf32, #tpu.memory_space<hbm>>)
        tpu.yield
      }) : () -> ()
    }
    %scan3A_7 = arith.constant 25 : i32
    return
  }
}

module attributes {stable_mosaic.version = 14 : i64} {
  func.func @_edge_body(%arg0: i32, %arg1: memref<2560x128xf32, #tpu.memory_space<vmem>>, %arg2: memref<2560x128xf32, #tpu.memory_space<vmem>>, %arg3: memref<2560x16xf32, #tpu.memory_space<vmem>>, %arg4: memref<128x128xf32, #tpu.memory_space<vmem>>, %arg5: memref<128x128xf32, #tpu.memory_space<vmem>>, %arg6: memref<16x128xf32, #tpu.memory_space<vmem>>, %arg7: memref<1x128xf32, #tpu.memory_space<vmem>>, %arg8: memref<128x128xf32, #tpu.memory_space<vmem>>, %arg9: memref<1x128xf32, #tpu.memory_space<vmem>>, %arg10: memref<128x128xf32, #tpu.memory_space<vmem>>, %arg11: memref<1x128xf32, #tpu.memory_space<vmem>>, %arg12: memref<128x128xf32, #tpu.memory_space<vmem>>, %arg13: memref<1x128xf32, #tpu.memory_space<vmem>>, %arg14: memref<128x16xf32, #tpu.memory_space<vmem>>, %arg15: memref<1x16xf32, #tpu.memory_space<vmem>>, %arg16: memref<128x8xf32, #tpu.memory_space<vmem>>, %arg17: memref<1x8xf32, #tpu.memory_space<vmem>>, %arg18: memref<16x16xf32, #tpu.memory_space<vmem>>, %arg19: memref<2560x128xf32, #tpu.memory_space<vmem>>, %arg20: memref<2560x16xf32, #tpu.memory_space<vmem>>) attributes {dimension_semantics = [#tpu.dimension_semantics<arbitrary>], iteration_bounds = array<i64: 125>, scalar_prefetch = 0 : i64, scratch_operands = 0 : i64, tpu.core_type = #tpu.core_type<tc>, window_params = [{transform_indices = @transform_0, window_bounds = array<i64: 2560, 128>}, {transform_indices = @transform_1, window_bounds = array<i64: 2560, 128>}, {transform_indices = @transform_2, window_bounds = array<i64: 2560, 16>}, {pipeline_mode = #tpu.pipeline_mode<synchronous>, transform_indices = @transform_3, window_bounds = array<i64: 128, 128>}, {pipeline_mode = #tpu.pipeline_mode<synchronous>, transform_indices = @transform_4, window_bounds = array<i64: 128, 128>}, {pipeline_mode = #tpu.pipeline_mode<synchronous>, transform_indices = @transform_5, window_bounds = array<i64: 16, 128>}, {pipeline_mode = #tpu.pipeline_mode<synchronous>, transform_indices = @transform_6, window_bounds = array<i64: 1, 128>}, {pipeline_mode = #tpu.pipeline_mode<synchronous>, transform_indices = @transform_7, window_bounds = array<i64: 128, 128>}, {pipeline_mode = #tpu.pipeline_mode<synchronous>, transform_indices = @transform_8, window_bounds = array<i64: 1, 128>}, {pipeline_mode = #tpu.pipeline_mode<synchronous>, transform_indices = @transform_9, window_bounds = array<i64: 128, 128>}, {pipeline_mode = #tpu.pipeline_mode<synchronous>, transform_indices = @transform_10, window_bounds = array<i64: 1, 128>}, {pipeline_mode = #tpu.pipeline_mode<synchronous>, transform_indices = @transform_11, window_bounds = array<i64: 128, 128>}, {pipeline_mode = #tpu.pipeline_mode<synchronous>, transform_indices = @transform_12, window_bounds = array<i64: 1, 128>}, {pipeline_mode = #tpu.pipeline_mode<synchronous>, transform_indices = @transform_13, window_bounds = array<i64: 128, 16>}, {pipeline_mode = #tpu.pipeline_mode<synchronous>, transform_indices = @transform_14, window_bounds = array<i64: 1, 16>}, {pipeline_mode = #tpu.pipeline_mode<synchronous>, transform_indices = @transform_15, window_bounds = array<i64: 128, 8>}, {pipeline_mode = #tpu.pipeline_mode<synchronous>, transform_indices = @transform_16, window_bounds = array<i64: 1, 8>}, {pipeline_mode = #tpu.pipeline_mode<synchronous>, transform_indices = @transform_17, window_bounds = array<i64: 16, 16>}, {transform_indices = @transform_18, window_bounds = array<i64: 2560, 128>}, {transform_indices = @transform_19, window_bounds = array<i64: 2560, 16>}]} {
    %get3A = arith.constant 0 : index
    %get3A_0 = arith.constant 0 : index
    %get3A_1 = vector.load %arg3[%get3A, %get3A_0] : memref<2560x16xf32, #tpu.memory_space<vmem>>, vector<2560x16xf32>
    %get3A_2 = arith.constant 0 : index
    %get3A_3 = arith.constant 0 : index
    %get3A_4 = vector.load %arg1[%get3A_2, %get3A_3] : memref<2560x128xf32, #tpu.memory_space<vmem>>, vector<2560x128xf32>
    %get3A_5 = arith.constant 0 : index
    %get3A_6 = arith.constant 0 : index
    %get3A_7 = vector.load %arg4[%get3A_5, %get3A_6] : memref<128x128xf32, #tpu.memory_space<vmem>>, vector<128x128xf32>
    %convert_element_type3A = arith.truncf %get3A_4 : vector<2560x128xf32> to vector<2560x128xbf16>
    %convert_element_type3A_8 = arith.truncf %get3A_7 : vector<128x128xf32> to vector<128x128xbf16>
    %dot_general3A = arith.constant dense<0.000000e+00> : vector<2560x128xf32>
    %dot_general3A_9 = tpu.matmul %convert_element_type3A, %convert_element_type3A_8, %dot_general3A {dimension_numbers = #tpu.dot_dimension_numbers<[1], [0], [0], [1], [0, 0, 1, 1], [], []>, transpose_lhs_hint = false} : vector<2560x128xbf16>, vector<128x128xbf16>, vector<2560x128xf32> -> vector<2560x128xf32>
    %get3A_10 = arith.constant 0 : index
    %get3A_11 = arith.constant 0 : index
    %get3A_12 = vector.load %arg2[%get3A_10, %get3A_11] : memref<2560x128xf32, #tpu.memory_space<vmem>>, vector<2560x128xf32>
    %get3A_13 = arith.constant 0 : index
    %get3A_14 = arith.constant 0 : index
    %get3A_15 = vector.load %arg5[%get3A_13, %get3A_14] : memref<128x128xf32, #tpu.memory_space<vmem>>, vector<128x128xf32>
    %convert_element_type3A_16 = arith.truncf %get3A_12 : vector<2560x128xf32> to vector<2560x128xbf16>
    %convert_element_type3A_17 = arith.truncf %get3A_15 : vector<128x128xf32> to vector<128x128xbf16>
    %dot_general3A_18 = arith.constant dense<0.000000e+00> : vector<2560x128xf32>
    %dot_general3A_19 = tpu.matmul %convert_element_type3A_16, %convert_element_type3A_17, %dot_general3A_18 {dimension_numbers = #tpu.dot_dimension_numbers<[1], [0], [0], [1], [0, 0, 1, 1], [], []>, transpose_lhs_hint = false} : vector<2560x128xbf16>, vector<128x128xbf16>, vector<2560x128xf32> -> vector<2560x128xf32>
    %add3A = arith.addf %dot_general3A_9, %dot_general3A_19 : vector<2560x128xf32>
    %get3A_20 = arith.constant 0 : index
    %get3A_21 = arith.constant 0 : index
    %get3A_22 = vector.load %arg6[%get3A_20, %get3A_21] : memref<16x128xf32, #tpu.memory_space<vmem>>, vector<16x128xf32>
    %dot_general3A_23 = arith.constant dense<0.000000e+00> : vector<2560x128xf32>
    %dot_general3A_24 = tpu.matmul %get3A_1, %get3A_22, %dot_general3A_23 {dimension_numbers = #tpu.dot_dimension_numbers<[1], [0], [0], [1], [0, 0, 1, 1], [], []>, transpose_lhs_hint = false} : vector<2560x16xf32>, vector<16x128xf32>, vector<2560x128xf32> -> vector<2560x128xf32>
    %add3A_25 = arith.addf %add3A, %dot_general3A_24 : vector<2560x128xf32>
    %get3A_26 = arith.constant 0 : index
    %get3A_27 = arith.constant 0 : index
    %get3A_28 = vector.load %arg7[%get3A_26, %get3A_27] : memref<1x128xf32, #tpu.memory_space<vmem>>, vector<1x128xf32>
    %add3A_29 = vector.broadcast %get3A_28 : vector<1x128xf32> to vector<2560x128xf32>
    %add3A_30 = arith.addf %add3A_25, %add3A_29 : vector<2560x128xf32>
    %logistic3A = arith.negf %add3A_30 : vector<2560x128xf32>
    %logistic3A_31 = math.exp %logistic3A : vector<2560x128xf32>
    %logistic3A_32 = arith.constant 1.000000e+00 : f32
    %logistic3A_33 = vector.broadcast %logistic3A_32 : f32 to vector<2560x128xf32>
    %logistic3A_34 = arith.addf %logistic3A_33, %logistic3A_31 : vector<2560x128xf32>
    %logistic3A_35 = arith.divf %logistic3A_33, %logistic3A_34 : vector<2560x128xf32>
    %mul3A = arith.mulf %add3A_30, %logistic3A_35 : vector<2560x128xf32>
    %get3A_36 = arith.constant 0 : index
    %get3A_37 = arith.constant 0 : index
    %get3A_38 = vector.load %arg8[%get3A_36, %get3A_37] : memref<128x128xf32, #tpu.memory_space<vmem>>, vector<128x128xf32>
    %convert_element_type3A_39 = arith.truncf %mul3A : vector<2560x128xf32> to vector<2560x128xbf16>
    %convert_element_type3A_40 = arith.truncf %get3A_38 : vector<128x128xf32> to vector<128x128xbf16>
    %dot_general3A_41 = arith.constant dense<0.000000e+00> : vector<2560x128xf32>
    %dot_general3A_42 = tpu.matmul %convert_element_type3A_39, %convert_element_type3A_40, %dot_general3A_41 {dimension_numbers = #tpu.dot_dimension_numbers<[1], [0], [0], [1], [0, 0, 1, 1], [], []>, transpose_lhs_hint = false} : vector<2560x128xbf16>, vector<128x128xbf16>, vector<2560x128xf32> -> vector<2560x128xf32>
    %get3A_43 = arith.constant 0 : index
    %get3A_44 = arith.constant 0 : index
    %get3A_45 = vector.load %arg9[%get3A_43, %get3A_44] : memref<1x128xf32, #tpu.memory_space<vmem>>, vector<1x128xf32>
    %add3A_46 = vector.broadcast %get3A_45 : vector<1x128xf32> to vector<2560x128xf32>
    %add3A_47 = arith.addf %dot_general3A_42, %add3A_46 : vector<2560x128xf32>
    %logistic3A_48 = arith.negf %add3A_47 : vector<2560x128xf32>
    %logistic3A_49 = math.exp %logistic3A_48 : vector<2560x128xf32>
    %logistic3A_50 = arith.constant 1.000000e+00 : f32
    %logistic3A_51 = vector.broadcast %logistic3A_50 : f32 to vector<2560x128xf32>
    %logistic3A_52 = arith.addf %logistic3A_51, %logistic3A_49 : vector<2560x128xf32>
    %logistic3A_53 = arith.divf %logistic3A_51, %logistic3A_52 : vector<2560x128xf32>
    %mul3A_54 = arith.mulf %add3A_47, %logistic3A_53 : vector<2560x128xf32>
    %get3A_55 = arith.constant 0 : index
    %get3A_56 = arith.constant 0 : index
    %get3A_57 = vector.load %arg10[%get3A_55, %get3A_56] : memref<128x128xf32, #tpu.memory_space<vmem>>, vector<128x128xf32>
    %convert_element_type3A_58 = arith.truncf %mul3A_54 : vector<2560x128xf32> to vector<2560x128xbf16>
    %convert_element_type3A_59 = arith.truncf %get3A_57 : vector<128x128xf32> to vector<128x128xbf16>
    %dot_general3A_60 = arith.constant dense<0.000000e+00> : vector<2560x128xf32>
    %dot_general3A_61 = tpu.matmul %convert_element_type3A_58, %convert_element_type3A_59, %dot_general3A_60 {dimension_numbers = #tpu.dot_dimension_numbers<[1], [0], [0], [1], [0, 0, 1, 1], [], []>, transpose_lhs_hint = false} : vector<2560x128xbf16>, vector<128x128xbf16>, vector<2560x128xf32> -> vector<2560x128xf32>
    %get3A_62 = arith.constant 0 : index
    %get3A_63 = arith.constant 0 : index
    %get3A_64 = vector.load %arg11[%get3A_62, %get3A_63] : memref<1x128xf32, #tpu.memory_space<vmem>>, vector<1x128xf32>
    %add3A_65 = vector.broadcast %get3A_64 : vector<1x128xf32> to vector<2560x128xf32>
    %add3A_66 = arith.addf %dot_general3A_61, %add3A_65 : vector<2560x128xf32>
    %logistic3A_67 = arith.negf %add3A_66 : vector<2560x128xf32>
    %logistic3A_68 = math.exp %logistic3A_67 : vector<2560x128xf32>
    %logistic3A_69 = arith.constant 1.000000e+00 : f32
    %logistic3A_70 = vector.broadcast %logistic3A_69 : f32 to vector<2560x128xf32>
    %logistic3A_71 = arith.addf %logistic3A_70, %logistic3A_68 : vector<2560x128xf32>
    %logistic3A_72 = arith.divf %logistic3A_70, %logistic3A_71 : vector<2560x128xf32>
    %mul3A_73 = arith.mulf %add3A_66, %logistic3A_72 : vector<2560x128xf32>
    %get3A_74 = arith.constant 0 : index
    %get3A_75 = arith.constant 0 : index
    %get3A_76 = vector.load %arg12[%get3A_74, %get3A_75] : memref<128x128xf32, #tpu.memory_space<vmem>>, vector<128x128xf32>
    %convert_element_type3A_77 = arith.truncf %mul3A_73 : vector<2560x128xf32> to vector<2560x128xbf16>
    %convert_element_type3A_78 = arith.truncf %get3A_76 : vector<128x128xf32> to vector<128x128xbf16>
    %dot_general3A_79 = arith.constant dense<0.000000e+00> : vector<2560x128xf32>
    %dot_general3A_80 = tpu.matmul %convert_element_type3A_77, %convert_element_type3A_78, %dot_general3A_79 {dimension_numbers = #tpu.dot_dimension_numbers<[1], [0], [0], [1], [0, 0, 1, 1], [], []>, transpose_lhs_hint = false} : vector<2560x128xbf16>, vector<128x128xbf16>, vector<2560x128xf32> -> vector<2560x128xf32>
    %get3A_81 = arith.constant 0 : index
    %get3A_82 = arith.constant 0 : index
    %get3A_83 = vector.load %arg13[%get3A_81, %get3A_82] : memref<1x128xf32, #tpu.memory_space<vmem>>, vector<1x128xf32>
    %add3A_84 = vector.broadcast %get3A_83 : vector<1x128xf32> to vector<2560x128xf32>
    %add3A_85 = arith.addf %dot_general3A_80, %add3A_84 : vector<2560x128xf32>
    %logistic3A_86 = arith.negf %add3A_85 : vector<2560x128xf32>
    %logistic3A_87 = math.exp %logistic3A_86 : vector<2560x128xf32>
    %logistic3A_88 = arith.constant 1.000000e+00 : f32
    %logistic3A_89 = vector.broadcast %logistic3A_88 : f32 to vector<2560x128xf32>
    %logistic3A_90 = arith.addf %logistic3A_89, %logistic3A_87 : vector<2560x128xf32>
    %logistic3A_91 = arith.divf %logistic3A_89, %logistic3A_90 : vector<2560x128xf32>
    %mul3A_92 = arith.mulf %add3A_85, %logistic3A_91 : vector<2560x128xf32>
    %get3A_93 = arith.constant 0 : index
    %get3A_94 = arith.constant 0 : index
    %get3A_95 = vector.load %arg14[%get3A_93, %get3A_94] : memref<128x16xf32, #tpu.memory_space<vmem>>, vector<128x16xf32>
    %dot_general3A_96 = arith.constant dense<0.000000e+00> : vector<2560x16xf32>
    %dot_general3A_97 = tpu.matmul %mul3A_92, %get3A_95, %dot_general3A_96 {dimension_numbers = #tpu.dot_dimension_numbers<[1], [0], [0], [1], [0, 0, 1, 1], [], []>, transpose_lhs_hint = false} : vector<2560x128xf32>, vector<128x16xf32>, vector<2560x16xf32> -> vector<2560x16xf32>
    %get3A_98 = arith.constant 0 : index
    %get3A_99 = arith.constant 0 : index
    %get3A_100 = vector.load %arg15[%get3A_98, %get3A_99] : memref<1x16xf32, #tpu.memory_space<vmem>>, vector<1x16xf32>
    %add3A_101 = vector.broadcast %get3A_100 : vector<1x16xf32> to vector<2560x16xf32>
    %add3A_102 = arith.addf %dot_general3A_97, %add3A_101 : vector<2560x16xf32>
    %get3A_103 = arith.constant 0 : index
    %get3A_104 = arith.constant 0 : index
    %get3A_105 = vector.load %arg18[%get3A_103, %get3A_104] : memref<16x16xf32, #tpu.memory_space<vmem>>, vector<16x16xf32>
    %dot_general3A_106 = arith.constant dense<0.000000e+00> : vector<2560x16xf32>
    %dot_general3A_107 = tpu.matmul %get3A_1, %get3A_105, %dot_general3A_106 {dimension_numbers = #tpu.dot_dimension_numbers<[1], [0], [0], [1], [0, 0, 1, 1], [], []>, transpose_lhs_hint = false} : vector<2560x16xf32>, vector<16x16xf32>, vector<2560x16xf32> -> vector<2560x16xf32>
    %eq3A = arith.constant 0.000000e+00 : f32
    %eq3A_108 = vector.broadcast %eq3A : f32 to vector<2560x16xf32>
    %eq3A_109 = arith.cmpf oeq, %dot_general3A_107, %eq3A_108 : vector<2560x16xf32>
    %jit3A = arith.constant 9.99999968E-21 : f32
    %broadcast_in_dim3A = vector.broadcast %jit3A : f32 to vector<2560x16xf32>
    %select_n3A = arith.select %eq3A_109, %broadcast_in_dim3A, %dot_general3A_107 : vector<2560x16xi1>, vector<2560x16xf32>
    %sqrt3A = math.sqrt %select_n3A : vector<2560x16xf32>
    %get3A_110 = arith.constant 0 : index
    %get3A_111 = arith.constant 0 : index
    %get3A_112 = vector.load %arg16[%get3A_110, %get3A_111] : memref<128x8xf32, #tpu.memory_space<vmem>>, vector<128x8xf32>
    %dot_general3A_113 = arith.constant dense<0.000000e+00> : vector<2560x8xf32>
    %dot_general3A_114 = tpu.matmul %mul3A_54, %get3A_112, %dot_general3A_113 {dimension_numbers = #tpu.dot_dimension_numbers<[1], [0], [0], [1], [0, 0, 1, 1], [], []>, transpose_lhs_hint = false} : vector<2560x128xf32>, vector<128x8xf32>, vector<2560x8xf32> -> vector<2560x8xf32>
    %get3A_115 = arith.constant 0 : index
    %get3A_116 = arith.constant 0 : index
    %get3A_117 = vector.load %arg17[%get3A_115, %get3A_116] : memref<1x8xf32, #tpu.memory_space<vmem>>, vector<1x8xf32>
    %add3A_118 = vector.broadcast %get3A_117 : vector<1x8xf32> to vector<2560x8xf32>
    %add3A_119 = arith.addf %dot_general3A_114, %add3A_118 : vector<2560x8xf32>
    %logistic3A_120 = arith.negf %add3A_119 : vector<2560x8xf32>
    %logistic3A_121 = math.exp %logistic3A_120 : vector<2560x8xf32>
    %logistic3A_122 = arith.constant 1.000000e+00 : f32
    %logistic3A_123 = vector.broadcast %logistic3A_122 : f32 to vector<2560x8xf32>
    %logistic3A_124 = arith.addf %logistic3A_123, %logistic3A_121 : vector<2560x8xf32>
    %logistic3A_125 = arith.divf %logistic3A_123, %logistic3A_124 : vector<2560x8xf32>
    %slice3A = vector.extract_strided_slice %logistic3A_125 {offsets = [0, 0], sizes = [2560, 1], strides = [1, 1]} : vector<2560x8xf32> to vector<2560x1xf32>
    %mul3A_126 = vector.broadcast %slice3A : vector<2560x1xf32> to vector<2560x128xf32>
    %mul3A_127 = arith.mulf %mul3A_54, %mul3A_126 : vector<2560x128xf32>
    %swap3A = arith.constant 0 : index
    %swap3A_128 = arith.constant 0 : index
    %swap3A_129 = vector.load %arg19[%swap3A, %swap3A_128] : memref<2560x128xf32, #tpu.memory_space<vmem>>, vector<2560x128xf32>
    tpu.vector_store %arg19[%swap3A, %swap3A_128], %mul3A_127 {strides = array<i32>} : memref<2560x128xf32, #tpu.memory_space<vmem>>, vector<2560x128xf32>,
    %mul3A_130 = arith.mulf %add3A_102, %get3A_1 : vector<2560x16xf32>
    %add3A_131 = arith.constant 1.000000e+00 : f32
    %add3A_132 = vector.broadcast %add3A_131 : f32 to vector<2560x16xf32>
    %add3A_133 = arith.addf %add3A_132, %sqrt3A : vector<2560x16xf32>
    %div3A = arith.divf %mul3A_130, %add3A_133 : vector<2560x16xf32>
    %swap3A_134 = arith.constant 0 : index
    %swap3A_135 = arith.constant 0 : index
    %swap3A_136 = vector.load %arg20[%swap3A_134, %swap3A_135] : memref<2560x16xf32, #tpu.memory_space<vmem>>, vector<2560x16xf32>
    tpu.vector_store %arg20[%swap3A_134, %swap3A_135], %div3A {strides = array<i32>} : memref<2560x16xf32, #tpu.memory_space<vmem>>, vector<2560x16xf32>,
    return
  }
  func.func @transform_0(%arg0: i32) -> (i32, i32) {
    %c0_i32 = arith.constant 0 : i32
    %c0_i32_0 = arith.constant 0 : i32
    return %arg0, %c0_i32 : i32, i32
  }
  func.func @transform_1(%arg0: i32) -> (i32, i32) {
    %c0_i32 = arith.constant 0 : i32
    %c0_i32_0 = arith.constant 0 : i32
    return %arg0, %c0_i32 : i32, i32
  }
  func.func @transform_2(%arg0: i32) -> (i32, i32) {
    %c0_i32 = arith.constant 0 : i32
    %c0_i32_0 = arith.constant 0 : i32
    return %arg0, %c0_i32 : i32, i32
  }
  func.func @transform_3(%arg0: i32) -> (i32, i32) {
    %c0_i32 = arith.constant 0 : i32
    %c0_i32_0 = arith.constant 0 : i32
    %c0_i32_1 = arith.constant 0 : i32
    return %c0_i32, %c0_i32_0 : i32, i32
  }
  func.func @transform_4(%arg0: i32) -> (i32, i32) {
    %c0_i32 = arith.constant 0 : i32
    %c0_i32_0 = arith.constant 0 : i32
    %c0_i32_1 = arith.constant 0 : i32
    return %c0_i32, %c0_i32_0 : i32, i32
  }
  func.func @transform_5(%arg0: i32) -> (i32, i32) {
    %c0_i32 = arith.constant 0 : i32
    %c0_i32_0 = arith.constant 0 : i32
    %c0_i32_1 = arith.constant 0 : i32
    return %c0_i32, %c0_i32_0 : i32, i32
  }
  func.func @transform_6(%arg0: i32) -> (i32, i32) {
    %c0_i32 = arith.constant 0 : i32
    %c0_i32_0 = arith.constant 0 : i32
    %c0_i32_1 = arith.constant 0 : i32
    return %c0_i32, %c0_i32_0 : i32, i32
  }
  func.func @transform_7(%arg0: i32) -> (i32, i32) {
    %c0_i32 = arith.constant 0 : i32
    %c0_i32_0 = arith.constant 0 : i32
    %c0_i32_1 = arith.constant 0 : i32
    return %c0_i32, %c0_i32_0 : i32, i32
  }
  func.func @transform_8(%arg0: i32) -> (i32, i32) {
    %c0_i32 = arith.constant 0 : i32
    %c0_i32_0 = arith.constant 0 : i32
    %c0_i32_1 = arith.constant 0 : i32
    return %c0_i32, %c0_i32_0 : i32, i32
  }
  func.func @transform_9(%arg0: i32) -> (i32, i32) {
    %c0_i32 = arith.constant 0 : i32
    %c0_i32_0 = arith.constant 0 : i32
    %c0_i32_1 = arith.constant 0 : i32
    return %c0_i32, %c0_i32_0 : i32, i32
  }
  func.func @transform_10(%arg0: i32) -> (i32, i32) {
    %c0_i32 = arith.constant 0 : i32
    %c0_i32_0 = arith.constant 0 : i32
    %c0_i32_1 = arith.constant 0 : i32
    return %c0_i32, %c0_i32_0 : i32, i32
  }
  func.func @transform_11(%arg0: i32) -> (i32, i32) {
    %c0_i32 = arith.constant 0 : i32
    %c0_i32_0 = arith.constant 0 : i32
    %c0_i32_1 = arith.constant 0 : i32
    return %c0_i32, %c0_i32_0 : i32, i32
  }
  func.func @transform_12(%arg0: i32) -> (i32, i32) {
    %c0_i32 = arith.constant 0 : i32
    %c0_i32_0 = arith.constant 0 : i32
    %c0_i32_1 = arith.constant 0 : i32
    return %c0_i32, %c0_i32_0 : i32, i32
  }
  func.func @transform_13(%arg0: i32) -> (i32, i32) {
    %c0_i32 = arith.constant 0 : i32
    %c0_i32_0 = arith.constant 0 : i32
    %c0_i32_1 = arith.constant 0 : i32
    return %c0_i32, %c0_i32_0 : i32, i32
  }
  func.func @transform_14(%arg0: i32) -> (i32, i32) {
    %c0_i32 = arith.constant 0 : i32
    %c0_i32_0 = arith.constant 0 : i32
    %c0_i32_1 = arith.constant 0 : i32
    return %c0_i32, %c0_i32_0 : i32, i32
  }
  func.func @transform_15(%arg0: i32) -> (i32, i32) {
    %c0_i32 = arith.constant 0 : i32
    %c0_i32_0 = arith.constant 0 : i32
    %c0_i32_1 = arith.constant 0 : i32
    return %c0_i32, %c0_i32_0 : i32, i32
  }
  func.func @transform_16(%arg0: i32) -> (i32, i32) {
    %c0_i32 = arith.constant 0 : i32
    %c0_i32_0 = arith.constant 0 : i32
    %c0_i32_1 = arith.constant 0 : i32
    return %c0_i32, %c0_i32_0 : i32, i32
  }
  func.func @transform_17(%arg0: i32) -> (i32, i32) {
    %c0_i32 = arith.constant 0 : i32
    %c0_i32_0 = arith.constant 0 : i32
    %c0_i32_1 = arith.constant 0 : i32
    return %c0_i32, %c0_i32_0 : i32, i32
  }
  func.func @transform_18(%arg0: i32) -> (i32, i32) {
    %c0_i32 = arith.constant 0 : i32
    %c0_i32_0 = arith.constant 0 : i32
    return %arg0, %c0_i32 : i32, i32
  }
  func.func @transform_19(%arg0: i32) -> (i32, i32) {
    %c0_i32 = arith.constant 0 : i32
    %c0_i32_0 = arith.constant 0 : i32
    return %arg0, %c0_i32 : i32, i32
  }
}

module attributes {stable_mosaic.version = 14 : i64} {
  func.func @_node_body(%arg0: i32, %arg1: memref<2x1000x128xf32, #tpu.memory_space<vmem>>, %arg2: memref<2x1000x16xf32, #tpu.memory_space<vmem>>, %arg3: memref<1000x128xf32, #tpu.memory_space<vmem>>, %arg4: memref<1000x16xf32, #tpu.memory_space<vmem>>, %arg5: memref<128x128xf32, #tpu.memory_space<vmem>>, %arg6: memref<128x128xf32, #tpu.memory_space<vmem>>, %arg7: memref<1x128xf32, #tpu.memory_space<vmem>>, %arg8: memref<128x128xf32, #tpu.memory_space<vmem>>, %arg9: memref<1x128xf32, #tpu.memory_space<vmem>>, %arg10: memref<128x128xf32, #tpu.memory_space<vmem>>, %arg11: memref<1x128xf32, #tpu.memory_space<vmem>>, %arg12: memref<1000x128xf32, #tpu.memory_space<vmem>>, %arg13: memref<1000x16xf32, #tpu.memory_space<vmem>>) attributes {dimension_semantics = [#tpu.dimension_semantics<arbitrary>], iteration_bounds = array<i64: 10>, scalar_prefetch = 0 : i64, scratch_operands = 0 : i64, tpu.core_type = #tpu.core_type<tc>, window_params = [{transform_indices = @transform_0, window_bounds = array<i64: 2, 1000, 128>}, {transform_indices = @transform_1, window_bounds = array<i64: 2, 1000, 16>}, {transform_indices = @transform_2, window_bounds = array<i64: 1000, 128>}, {transform_indices = @transform_3, window_bounds = array<i64: 1000, 16>}, {pipeline_mode = #tpu.pipeline_mode<synchronous>, transform_indices = @transform_4, window_bounds = array<i64: 128, 128>}, {pipeline_mode = #tpu.pipeline_mode<synchronous>, transform_indices = @transform_5, window_bounds = array<i64: 128, 128>}, {pipeline_mode = #tpu.pipeline_mode<synchronous>, transform_indices = @transform_6, window_bounds = array<i64: 1, 128>}, {pipeline_mode = #tpu.pipeline_mode<synchronous>, transform_indices = @transform_7, window_bounds = array<i64: 128, 128>}, {pipeline_mode = #tpu.pipeline_mode<synchronous>, transform_indices = @transform_8, window_bounds = array<i64: 1, 128>}, {pipeline_mode = #tpu.pipeline_mode<synchronous>, transform_indices = @transform_9, window_bounds = array<i64: 128, 128>}, {pipeline_mode = #tpu.pipeline_mode<synchronous>, transform_indices = @transform_10, window_bounds = array<i64: 1, 128>}, {transform_indices = @transform_11, window_bounds = array<i64: 1000, 128>}, {transform_indices = @transform_12, window_bounds = array<i64: 1000, 16>}]} {
    %get3A = arith.constant 0 : index
    %get3A_0 = arith.constant 0 : index
    %get3A_1 = arith.constant 0 : index
    %get3A_2 = vector.load %arg1[%get3A, %get3A_0, %get3A_1] : memref<2x1000x128xf32, #tpu.memory_space<vmem>>, vector<2x1000x128xf32>
    %get3A_3 = arith.constant 0 : index
    %get3A_4 = arith.constant 0 : index
    %get3A_5 = arith.constant 0 : index
    %get3A_6 = vector.load %arg2[%get3A_3, %get3A_4, %get3A_5] : memref<2x1000x16xf32, #tpu.memory_space<vmem>>, vector<2x1000x16xf32>
    %slice3A = vector.extract_strided_slice %get3A_2 {offsets = [0, 0, 0], sizes = [1, 1000, 128], strides = [1, 1, 1]} : vector<2x1000x128xf32> to vector<1x1000x128xf32>
    %squeeze3A = vector.shape_cast %slice3A : vector<1x1000x128xf32> to vector<1000x128xf32>
    %slice3A_7 = vector.extract_strided_slice %get3A_2 {offsets = [1, 0, 0], sizes = [1, 1000, 128], strides = [1, 1, 1]} : vector<2x1000x128xf32> to vector<1x1000x128xf32>
    %squeeze3A_8 = vector.shape_cast %slice3A_7 : vector<1x1000x128xf32> to vector<1000x128xf32>
    %add3A = arith.addf %squeeze3A, %squeeze3A_8 : vector<1000x128xf32>
    %mul3A = arith.constant 1.000050e-02 : f32
    %mul3A_9 = vector.broadcast %mul3A : f32 to vector<1000x128xf32>
    %mul3A_10 = arith.mulf %add3A, %mul3A_9 : vector<1000x128xf32>
    %slice3A_11 = vector.extract_strided_slice %get3A_6 {offsets = [0, 0, 0], sizes = [1, 1000, 16], strides = [1, 1, 1]} : vector<2x1000x16xf32> to vector<1x1000x16xf32>
    %squeeze3A_12 = vector.shape_cast %slice3A_11 : vector<1x1000x16xf32> to vector<1000x16xf32>
    %slice3A_13 = vector.extract_strided_slice %get3A_6 {offsets = [1, 0, 0], sizes = [1, 1000, 16], strides = [1, 1, 1]} : vector<2x1000x16xf32> to vector<1x1000x16xf32>
    %squeeze3A_14 = vector.shape_cast %slice3A_13 : vector<1x1000x16xf32> to vector<1000x16xf32>
    %add3A_15 = arith.addf %squeeze3A_12, %squeeze3A_14 : vector<1000x16xf32>
    %mul3A_16 = arith.constant 1.000100e-04 : f32
    %mul3A_17 = vector.broadcast %mul3A_16 : f32 to vector<1000x16xf32>
    %mul3A_18 = arith.mulf %add3A_15, %mul3A_17 : vector<1000x16xf32>
    %get3A_19 = arith.constant 0 : index
    %get3A_20 = arith.constant 0 : index
    %get3A_21 = vector.load %arg3[%get3A_19, %get3A_20] : memref<1000x128xf32, #tpu.memory_space<vmem>>, vector<1000x128xf32>
    %get3A_22 = arith.constant 0 : index
    %get3A_23 = arith.constant 0 : index
    %get3A_24 = vector.load %arg5[%get3A_22, %get3A_23] : memref<128x128xf32, #tpu.memory_space<vmem>>, vector<128x128xf32>
    %convert_element_type3A = arith.truncf %mul3A_10 : vector<1000x128xf32> to vector<1000x128xbf16>
    %convert_element_type3A_25 = arith.truncf %get3A_24 : vector<128x128xf32> to vector<128x128xbf16>
    %dot_general3A = arith.constant dense<0.000000e+00> : vector<1000x128xf32>
    %dot_general3A_26 = tpu.matmul %convert_element_type3A, %convert_element_type3A_25, %dot_general3A {dimension_numbers = #tpu.dot_dimension_numbers<[1], [0], [0], [1], [0, 0, 1, 1], [], []>, transpose_lhs_hint = false} : vector<1000x128xbf16>, vector<128x128xbf16>, vector<1000x128xf32> -> vector<1000x128xf32>
    %get3A_27 = arith.constant 0 : index
    %get3A_28 = arith.constant 0 : index
    %get3A_29 = vector.load %arg6[%get3A_27, %get3A_28] : memref<128x128xf32, #tpu.memory_space<vmem>>, vector<128x128xf32>
    %convert_element_type3A_30 = arith.truncf %get3A_21 : vector<1000x128xf32> to vector<1000x128xbf16>
    %convert_element_type3A_31 = arith.truncf %get3A_29 : vector<128x128xf32> to vector<128x128xbf16>
    %dot_general3A_32 = arith.constant dense<0.000000e+00> : vector<1000x128xf32>
    %dot_general3A_33 = tpu.matmul %convert_element_type3A_30, %convert_element_type3A_31, %dot_general3A_32 {dimension_numbers = #tpu.dot_dimension_numbers<[1], [0], [0], [1], [0, 0, 1, 1], [], []>, transpose_lhs_hint = false} : vector<1000x128xbf16>, vector<128x128xbf16>, vector<1000x128xf32> -> vector<1000x128xf32>
    %add3A_34 = arith.addf %dot_general3A_26, %dot_general3A_33 : vector<1000x128xf32>
    %get3A_35 = arith.constant 0 : index
    %get3A_36 = arith.constant 0 : index
    %get3A_37 = vector.load %arg7[%get3A_35, %get3A_36] : memref<1x128xf32, #tpu.memory_space<vmem>>, vector<1x128xf32>
    %add3A_38 = vector.broadcast %get3A_37 : vector<1x128xf32> to vector<1000x128xf32>
    %add3A_39 = arith.addf %add3A_34, %add3A_38 : vector<1000x128xf32>
    %logistic3A = arith.negf %add3A_39 : vector<1000x128xf32>
    %logistic3A_40 = math.exp %logistic3A : vector<1000x128xf32>
    %logistic3A_41 = arith.constant 1.000000e+00 : f32
    %logistic3A_42 = vector.broadcast %logistic3A_41 : f32 to vector<1000x128xf32>
    %logistic3A_43 = arith.addf %logistic3A_42, %logistic3A_40 : vector<1000x128xf32>
    %logistic3A_44 = arith.divf %logistic3A_42, %logistic3A_43 : vector<1000x128xf32>
    %mul3A_45 = arith.mulf %add3A_39, %logistic3A_44 : vector<1000x128xf32>
    %get3A_46 = arith.constant 0 : index
    %get3A_47 = arith.constant 0 : index
    %get3A_48 = vector.load %arg8[%get3A_46, %get3A_47] : memref<128x128xf32, #tpu.memory_space<vmem>>, vector<128x128xf32>
    %convert_element_type3A_49 = arith.truncf %mul3A_45 : vector<1000x128xf32> to vector<1000x128xbf16>
    %convert_element_type3A_50 = arith.truncf %get3A_48 : vector<128x128xf32> to vector<128x128xbf16>
    %dot_general3A_51 = arith.constant dense<0.000000e+00> : vector<1000x128xf32>
    %dot_general3A_52 = tpu.matmul %convert_element_type3A_49, %convert_element_type3A_50, %dot_general3A_51 {dimension_numbers = #tpu.dot_dimension_numbers<[1], [0], [0], [1], [0, 0, 1, 1], [], []>, transpose_lhs_hint = false} : vector<1000x128xbf16>, vector<128x128xbf16>, vector<1000x128xf32> -> vector<1000x128xf32>
    %get3A_53 = arith.constant 0 : index
    %get3A_54 = arith.constant 0 : index
    %get3A_55 = vector.load %arg9[%get3A_53, %get3A_54] : memref<1x128xf32, #tpu.memory_space<vmem>>, vector<1x128xf32>
    %add3A_56 = vector.broadcast %get3A_55 : vector<1x128xf32> to vector<1000x128xf32>
    %add3A_57 = arith.addf %dot_general3A_52, %add3A_56 : vector<1000x128xf32>
    %logistic3A_58 = arith.negf %add3A_57 : vector<1000x128xf32>
    %logistic3A_59 = math.exp %logistic3A_58 : vector<1000x128xf32>
    %logistic3A_60 = arith.constant 1.000000e+00 : f32
    %logistic3A_61 = vector.broadcast %logistic3A_60 : f32 to vector<1000x128xf32>
    %logistic3A_62 = arith.addf %logistic3A_61, %logistic3A_59 : vector<1000x128xf32>
    %logistic3A_63 = arith.divf %logistic3A_61, %logistic3A_62 : vector<1000x128xf32>
    %mul3A_64 = arith.mulf %add3A_57, %logistic3A_63 : vector<1000x128xf32>
    %get3A_65 = arith.constant 0 : index
    %get3A_66 = arith.constant 0 : index
    %get3A_67 = vector.load %arg10[%get3A_65, %get3A_66] : memref<128x128xf32, #tpu.memory_space<vmem>>, vector<128x128xf32>
    %convert_element_type3A_68 = arith.truncf %mul3A_64 : vector<1000x128xf32> to vector<1000x128xbf16>
    %convert_element_type3A_69 = arith.truncf %get3A_67 : vector<128x128xf32> to vector<128x128xbf16>
    %dot_general3A_70 = arith.constant dense<0.000000e+00> : vector<1000x128xf32>
    %dot_general3A_71 = tpu.matmul %convert_element_type3A_68, %convert_element_type3A_69, %dot_general3A_70 {dimension_numbers = #tpu.dot_dimension_numbers<[1], [0], [0], [1], [0, 0, 1, 1], [], []>, transpose_lhs_hint = false} : vector<1000x128xbf16>, vector<128x128xbf16>, vector<1000x128xf32> -> vector<1000x128xf32>
    %get3A_72 = arith.constant 0 : index
    %get3A_73 = arith.constant 0 : index
    %get3A_74 = vector.load %arg11[%get3A_72, %get3A_73] : memref<1x128xf32, #tpu.memory_space<vmem>>, vector<1x128xf32>
    %add3A_75 = vector.broadcast %get3A_74 : vector<1x128xf32> to vector<1000x128xf32>
    %add3A_76 = arith.addf %dot_general3A_71, %add3A_75 : vector<1000x128xf32>
    %add3A_77 = arith.addf %add3A_76, %get3A_21 : vector<1000x128xf32>
    %swap3A = arith.constant 0 : index
    %swap3A_78 = arith.constant 0 : index
    %swap3A_79 = vector.load %arg12[%swap3A, %swap3A_78] : memref<1000x128xf32, #tpu.memory_space<vmem>>, vector<1000x128xf32>
    tpu.vector_store %arg12[%swap3A, %swap3A_78], %add3A_77 {strides = array<i32>} : memref<1000x128xf32, #tpu.memory_space<vmem>>, vector<1000x128xf32>,
    %get3A_80 = arith.constant 0 : index
    %get3A_81 = arith.constant 0 : index
    %get3A_82 = vector.load %arg4[%get3A_80, %get3A_81] : memref<1000x16xf32, #tpu.memory_space<vmem>>, vector<1000x16xf32>
    %add3A_83 = arith.addf %get3A_82, %mul3A_18 : vector<1000x16xf32>
    %swap3A_84 = arith.constant 0 : index
    %swap3A_85 = arith.constant 0 : index
    %swap3A_86 = vector.load %arg13[%swap3A_84, %swap3A_85] : memref<1000x16xf32, #tpu.memory_space<vmem>>, vector<1000x16xf32>
    tpu.vector_store %arg13[%swap3A_84, %swap3A_85], %add3A_83 {strides = array<i32>} : memref<1000x16xf32, #tpu.memory_space<vmem>>, vector<1000x16xf32>,
    return
  }
  func.func @transform_0(%arg0: i32) -> (i32, i32, i32) {
    %c0_i32 = arith.constant 0 : i32
    %c0_i32_0 = arith.constant 0 : i32
    %c0_i32_1 = arith.constant 0 : i32
    return %c0_i32, %arg0, %c0_i32_0 : i32, i32, i32
  }
  func.func @transform_1(%arg0: i32) -> (i32, i32, i32) {
    %c0_i32 = arith.constant 0 : i32
    %c0_i32_0 = arith.constant 0 : i32
    %c0_i32_1 = arith.constant 0 : i32
    return %c0_i32, %arg0, %c0_i32_0 : i32, i32, i32
  }
  func.func @transform_2(%arg0: i32) -> (i32, i32) {
    %c0_i32 = arith.constant 0 : i32
    %c0_i32_0 = arith.constant 0 : i32
    return %arg0, %c0_i32 : i32, i32
  }
  func.func @transform_3(%arg0: i32) -> (i32, i32) {
    %c0_i32 = arith.constant 0 : i32
    %c0_i32_0 = arith.constant 0 : i32
    return %arg0, %c0_i32 : i32, i32
  }
  func.func @transform_4(%arg0: i32) -> (i32, i32) {
    %c0_i32 = arith.constant 0 : i32
    %c0_i32_0 = arith.constant 0 : i32
    %c0_i32_1 = arith.constant 0 : i32
    return %c0_i32, %c0_i32_0 : i32, i32
  }
  func.func @transform_5(%arg0: i32) -> (i32, i32) {
    %c0_i32 = arith.constant 0 : i32
    %c0_i32_0 = arith.constant 0 : i32
    %c0_i32_1 = arith.constant 0 : i32
    return %c0_i32, %c0_i32_0 : i32, i32
  }
  func.func @transform_6(%arg0: i32) -> (i32, i32) {
    %c0_i32 = arith.constant 0 : i32
    %c0_i32_0 = arith.constant 0 : i32
    %c0_i32_1 = arith.constant 0 : i32
    return %c0_i32, %c0_i32_0 : i32, i32
  }
  func.func @transform_7(%arg0: i32) -> (i32, i32) {
    %c0_i32 = arith.constant 0 : i32
    %c0_i32_0 = arith.constant 0 : i32
    %c0_i32_1 = arith.constant 0 : i32
    return %c0_i32, %c0_i32_0 : i32, i32
  }
  func.func @transform_8(%arg0: i32) -> (i32, i32) {
    %c0_i32 = arith.constant 0 : i32
    %c0_i32_0 = arith.constant 0 : i32
    %c0_i32_1 = arith.constant 0 : i32
    return %c0_i32, %c0_i32_0 : i32, i32
  }
  func.func @transform_9(%arg0: i32) -> (i32, i32) {
    %c0_i32 = arith.constant 0 : i32
    %c0_i32_0 = arith.constant 0 : i32
    %c0_i32_1 = arith.constant 0 : i32
    return %c0_i32, %c0_i32_0 : i32, i32
  }
  func.func @transform_10(%arg0: i32) -> (i32, i32) {
    %c0_i32 = arith.constant 0 : i32
    %c0_i32_0 = arith.constant 0 : i32
    %c0_i32_1 = arith.constant 0 : i32
    return %c0_i32, %c0_i32_0 : i32, i32
  }
  func.func @transform_11(%arg0: i32) -> (i32, i32) {
    %c0_i32 = arith.constant 0 : i32
    %c0_i32_0 = arith.constant 0 : i32
    return %arg0, %c0_i32 : i32, i32
  }
  func.func @transform_12(%arg0: i32) -> (i32, i32) {
    %c0_i32 = arith.constant 0 : i32
    %c0_i32_0 = arith.constant 0 : i32
    return %arg0, %c0_i32 : i32, i32
  }
}

</mosaic_0001>

<sc_bundles>
// kernel: kernel.11.cloned.1.call-start
scs
__scs_entry_jumppad:
0x0: {  	(pc) =	sbr.rel $0x88, $3  }
0x1: {  	(tag) =	ssettag $0x0;
	lr =	simm.s32 $0x1  }
0x2: {  	[smem:$0x3F8B] =	sst lr;
	_ =	strace $0xD0000000  }
0x3: {  	_ = 	snop  }
0x4: {  	_ = 	snop  }
0x5: {  	_ = 	snop  }
0x6: {  	_ = 	snop  }
0x7: {  	_ = 	snop  }
__scs_overlays_trampoline_lowered:
0x8: {  	[smem:$0x3F9A] =	sst s0  }
0x9: {  	[smem:$0x3F9B] =	sst s1  }
0xa: {  	[smem:$0x3F9C] =	sst s2  }
0xb: {  	[smem:$0x3F9D] =	sst s3  }
0xc: {  	[smem:$0x3F9E] =	sst s4  }
0xd: {  	[smem:$0x3F9F] =	sst s5  }
0xe: {  	[smem:$0x3FA0] =	sst s6  }
0xf: {  	[smem:$0x3FA1] =	sst s7  }
0x10: {  	[smem:$0x3FA2] =	sst s8  }
0x11: {  	[smem:$0x3FA3] =	sst s9;
	s0 =	simm.s32 @!p0 $0x0  }
0x12: {  	s1 =	sld [smem:$0x3F89];
	s0 =	simm.s32 @p0 $0x1  }
0x13: {  	[smem:$0x3FA4] =	sst s0;
	s0 =	simm.s32 @!p1 $0x0  }
0x14: {  	s2 =	sld [smem:$0x3F88];
	s0 =	simm.s32 @p1 $0x1  }
0x15: {  	[smem:$0x3FA5] =	sst s0;
	s0 =	simm.s32 @!p2 $0x0  }
0x16: {  	s3 =	sld [smem:$0x3FDB];
	s0 =	simm.s32 @p2 $0x1  }
0x17: {  	s4 =	simm.s32 $0x1BF5;
	[smem:$0x3FA7] =	sst s0  }
0x18: {  	s0 =	sld [smem:$0x3F8A];
	_ =	swait.ge [sflag:s4], $0x0  }
0x19: {  	s7 =	sld [smem:$0x3F8B]  }
0x1a: {  	s8 =	sadd.s32 $0xFFFFE003, lr  }
0x1b: {  	s9 =	sadd.s32 $0xFFFFFEF7, lr;
	s5 =	simm.s32 $0xFFFFFFFF;
	p2 =	slt.u32 s8, $0xFFFFF086  }
0x1c: {  	p1 =	slt.u32 s9, $0xF7A;
	s5 =	simm.s32 @!p2 $0x0  }
0x1d: {  	s5 =	simm.s32 @p1 $0x1;
	p0 =	seq.s32 s7, s2  }
0x1e: {  	s7 =	smul.u32 @!p0 $0xF7A, s2;
	p2 =	seq.s32 @!p0 s5, $0x0  }
0x1f: {  	s9 =	smul.u32 $0xF7A, s1;
	s8 =	simm.s32 @!p0 $0x1BF5;
	p2 =	por !p2, p0  }
0x20: {  	[sflag:s8] =	ssyncset.s32 @!p0 $0xFFFFF086;
	s6 =	sadd.s32 @!p0 s3, s7;
	s7 =	simm.s32 @!p0 $0x108  }
0x21: {  	s3 =	sadd.s32 s3, s9;
	s6 =	sadd.s32 @!p0 $0x88, s6;
	s7 =	simm.s32 @p2 $0x1082  }
0x22: {  	[simem:s7], [sflag:s8] =	dma.local @!p0 [hbm:s6], $0xF7A  }
0x23: {  	s9 =	sor.u32 $0xD0000000, s2;
	s6 =	simm.s32 $0x108;
	_ =	swait.ge @!p0 [sflag:s8], $0x0  }
0x24: {  	s3 =	sadd.s32 $0x88, s3;
	s6 =	simm.s32 @!p1 $0x1082;
	[sflag:s4] =	ssyncset.s32 $0xFFFFF086  }
0x25: {  	[simem:s6], [sflag:s4] =	dma.local [hbm:s3], $0xF7A  }
0x26: {  	[smem:$0x3F8B] =	sst s1;
	(tag) =	ssettag s2;
	_ =	strace s9  }
0x27: {  	s1 =	sld [smem:$0x3F9B]  }
0x28: {  	s2 =	sld [smem:$0x3F9C]  }
0x29: {  	s4 =	sld [smem:$0x3F9E]  }
0x2a: {  	p0 =	seq.s32 s5, $0x0;
	s5 =	sld [smem:$0x3F9F]  }
0x2b: {  	s6 =	sld [smem:$0x3FA0]  }
0x2c: {  	s7 =	sld [smem:$0x3FA1]  }
0x2d: {  	s3 =	simm.s32 $0x108;
	s8 =	sld [smem:$0x3FA2]  }
0x2e: {  	s3 =	simm.s32 @!p0 $0x1082;
	s9 =	sld [smem:$0x3FA3]  }
0x2f: {  	lr =	sadd.s32 s0, s3;
	s0 =	sld [smem:$0x3F9A]  }
0x30: {  	s3 =	sld [smem:$0x3F9D]  }
0x31: {  	[smem:$0x3FA6] =	sst s10  }
0x32: {  	s10 =	sld [smem:$0x3FA4];
	_ =	sdelay $0x3  }
0x33: {  	p0 =	seq.s32 s10, $0x1;
	s10 =	sld [smem:$0x3FA6];
	_ =	sdelay $0x3  }
0x34: {  	[smem:$0x3FA6] =	sst s10  }
0x35: {  	s10 =	sld [smem:$0x3FA5];
	_ =	sdelay $0x3  }
0x36: {  	p1 =	seq.s32 s10, $0x1;
	s10 =	sld [smem:$0x3FA6];
	_ =	sdelay $0x3  }
0x37: {  	[smem:$0x3FA6] =	sst s10  }
0x38: {  	s10 =	sld [smem:$0x3FA7]  }
0x39: {  	_ = 	snop;
	(pc) =	sbr.ind lr, $3  }
0x3a: {  	_ = 	snop  }
0x3b: {  	_ = 	snop  }
0x3c: {  	p2 =	seq.s32 s10, $0x1;
	s10 =	sld [smem:$0x3FA6]  }
0x3d: {  	_ =	shalt  }
0x3e: {  	_ =	shalt  }
0x3f: {  	_ =	shalt  }
0x40: {  	_ =	shalt  }
0x41: {  	_ =	shalt  }
0x42: {  	_ =	shalt  }
0x43: {  	_ =	shalt  }
0x44: {  	_ =	shalt  }
0x45: {  	_ =	shalt  }
0x46: {  	_ =	shalt  }
0x47: {  	_ =	shalt  }
0x48: {  	_ =	shalt  }
0x49: {  	_ =	shalt  }
0x4a: {  	_ =	shalt  }
0x4b: {  	_ =	shalt  }
0x4c: {  	_ =	shalt  }
0x4d: {  	_ =	shalt  }
0x4e: {  	_ =	shalt  }
0x4f: {  	_ =	shalt  }
0x50: {  	_ =	shalt  }
0x51: {  	_ =	shalt  }
0x52: {  	_ =	shalt  }
0x53: {  	_ =	shalt  }
0x54: {  	_ =	shalt  }
0x55: {  	_ =	shalt  }
0x56: {  	_ =	shalt  }
0x57: {  	_ =	shalt  }
0x58: {  	_ =	shalt  }
0x59: {  	_ =	shalt  }
0x5a: {  	_ =	shalt  }
0x5b: {  	_ =	shalt  }
0x5c: {  	_ =	shalt  }
0x5d: {  	_ =	shalt  }
0x5e: {  	_ =	shalt  }
0x5f: {  	_ =	shalt  }
0x60: {  	_ =	shalt  }
0x61: {  	_ =	shalt  }
0x62: {  	_ =	shalt  }
0x63: {  	_ =	shalt  }
0x64: {  	_ =	shalt  }
0x65: {  	_ =	shalt  }
0x66: {  	_ =	shalt  }
0x67: {  	_ =	shalt  }
0x68: {  	_ =	shalt  }
0x69: {  	_ =	shalt  }
0x6a: {  	_ =	shalt  }
0x6b: {  	_ =	shalt  }
0x6c: {  	_ =	shalt  }
0x6d: {  	_ =	shalt  }
0x6e: {  	_ =	shalt  }
0x6f: {  	_ =	shalt  }
0x70: {  	_ =	shalt  }
0x71: {  	_ =	shalt  }
0x72: {  	_ =	shalt  }
0x73: {  	_ =	shalt  }
0x74: {  	_ =	shalt  }
0x75: {  	_ =	shalt  }
0x76: {  	_ =	shalt  }
0x77: {  	_ =	shalt  }
0x78: {  	_ =	shalt  }
0x79: {  	_ =	shalt  }
0x7a: {  	_ =	shalt  }
0x7b: {  	_ =	shalt  }
0x7c: {  	_ =	shalt  }
0x7d: {  	_ =	shalt  }
0x7e: {  	_ =	shalt  }
0x7f: {  	_ =	shalt  }
0x80: {  	_ =	shalt  }
0x81: {  	_ =	shalt  }
0x82: {  	_ =	shalt  }
0x83: {  	_ =	shalt  }
0x84: {  	_ =	shalt  }
0x85: {  	_ =	shalt  }
0x86: {  	_ =	shalt  }
0x87: {  	_ =	shalt  }
.Lfunc_end0:
.L_simem_size_0:
called_computation.1_lowered:
.L_overlay_start_0:
0x88: {  	s2 =	sld [smem:$0x3FD9]  }
0x89: {  	s3 =	sld [smem:$0x3FFE];
	_ =	sdelay $0x1  }
0x8a: {  	s1 =	srdreg.scid  }
0x8b: {  	s0 =	sand.u32 $0x1, s1  }
0x8c: {  	s17 =	sshll.u32 s0, $0xA;
	s2 =	sadd.s32 s3, s2  }
0x8d: {  	s2 =	sadd.s32 s2, s17  }
0x8e: {  	[smem:$0x3FB2] =	sst s2  }
0x8f: {  	_ = 	snop  }
0x90: {  	s2 =	sld [smem:$0x3FC7]  }
0x91: {  	s18 =	sld [smem:$0x3FC6];
	(tm) =	ssettm $0x1  }
0x92: {  	s4 =	sld [smem:$0x3FFB];
	_ =	sdelay $0x3  }
0x93: {  	_ =	strace s4  }
0x94: {  	s4 =	sld [smem:$0x3FFC];
	_ =	sdelay $0x3  }
0x95: {  	_ =	strace s4  }
0x96: {  	s4 =	sld [smem:$0x3FFD];
	_ =	sdelay $0x3  }
0x97: {  	_ =	strace s4  }
0x98: {  	_ =	strace $0x8FFFFFFF  }
0x99: {  	s19 =	sld [smem:$0x3FDB];
	_ =	sdelay $0x1  }
0x9a: {  	s5 =	simm.s32 $_scs_section_size  }
0x9b: {  	s6 =	simm.s32 $_size__tile_overlayer_lowered;
	s7 =	simm.s32 $_tile_overlayer_lowered  }
0x9c: {  	s22 =	simm.s32 $0x1BFF;
	s21 =	sshll.u32 s7, $0x1;
	s4 =	sadd.s32 s5, s19  }
0x9d: {  	s8 =	simm.s32 $0x0;
	s20 =	sshll.u32 s6, $0x1;
	s6 =	sadd.s32 s21, s4  }
0x9e: {  	[timem:s8], [sflag:s22] =	dma.local [hbm:s6], s20  }
0x9f: {  	_ =	swait.ge [sflag:s22], s20  }
0xa0: {  	s5 =	ssub.s32 $0x0, s20;
	[sflag:s22] =	ssyncset.done $0x0  }
0xa1: {  	[sflag:s22] =	ssyncadd.s32 s5;
	_ =	sdelay $0x1  }
0xa2: {  	s23 =	simm.s32 $0x1B8B  }
0xa3: {  	_ =	swait.ge [sflag:s23], $0x1  }
0xa4: {  	[sflag:s23] =	ssyncset.done $0x0  }
0xa5: {  	s25 =	simm.s32 $0x1B8E;
	s24 =	sld [smem:$0x3FFE];
	[sflag:s23] =	ssyncadd.s32 $0xFFFFFFFF  }
0xa6: {  	s26 =	simm.s32 $execute0_lowered;
	[smem:$0x3FD2] =	sst s25  }
0xa7: {  	s6 =	sshll.u32 s26, $0x1;
	_ =	strace $0x80000046;
	[dreg:$0x1] =	wrdreg $0xFFFFFFFF  }
0xa8: {  	s28 =	simm.s32 $_size_execute0_lowered;
	s4 =	sadd.s32 s4, s6;
	[dreg:$0x0] =	wrdreg $0x0  }
0xa9: {  	s6 =	sshll.u32 s28, $0x1;
	[dreg:$0x2] =	wrdreg s4  }
0xaa: {  	[dreg:$0x3] =	wrdreg s6  }
0xab: {  	[dreg:$0x4] =	wrdreg $0xC0  }
0xac: {  	_ =	task [dreg:s8], $0x5FFFF  }
0xad: {  	[dreg:$0x1] =	wrdreg $0xFFFFFFFF  }
0xae: {  	[dreg:$0x0] =	wrdreg $0x60  }
0xaf: {  	[dreg:$0x2] =	wrdreg s24  }
0xb0: {  	[dreg:$0x3] =	wrdreg s2  }
0xb1: {  	[dreg:$0x4] =	wrdreg s18  }
0xb2: {  	[dreg:$0x5] =	wrdreg $0xA  }
0xb3: {  	_ =	task.clear_ibuf [dreg:s8], $0x6FFFF;
	_ =	strace $0x90000046  }
0xb4: {  	s29 =	simm.s32 $0xA;
	_ =	strace $0x80000048  }
0xb5: {  	_ =	swait.ge [sflag:s29], $0x1  }
0xb6: {  	[sflag:s29] =	ssyncadd.s32 $0xFFFFFFFF  }
0xb7: {  	_ =	strace $0x90000048  }
0xb8: {  	_ =	sfence  }
0xb9: {  	s30 =	sld [smem:$0x0];
	_ =	sdelay $0x2  }
0xba: {  	s31 =	sshll.u32 s1, $0xD;
	s1 =	sshrl.u32 s1, $0x2  }
0xbb: {  	s3 =	sand.u32 $0x4000, s31;
	s1 =	sadd.s32 s1, s30  }
0xbc: {  	s0 =	sor.u32 s3, s0;
	s1 =	sshll.u32 s1, $0x11  }
0xbd: {  	s0 =	sor.u32 s1, s0  }
0xbe: {  	s0 =	sadd.s32 $0x8F2B, s0  }
0xbf: {  	[sflag:s0] =	ssyncadd.remote.s32 $0x1  }
0xc0: {  	_ =	sfence.sel $0xFFFF  }
0xc1: {  	[dreg:$0x0] =	wrdreg $0xFFFFFFFF;
	(pc) =	sbr.abs _section_cstart, $3  }
0xc2: {  	[dreg:$0x1] =	wrdreg $0xFFFFFFFF  }
0xc3: {  	_ =	task.clear_ibuf [dreg:s8], $0x2FFFF;
	_ =	strace $0x9FFFFFFF  }
0xc4: {  	(tm) =	ssettm $0x7FFFFFFF  }
0xc5: {  	_ =	shalt  }
tec
execute0_lowered:
.L_overlay_start_1:
0x0: {  	(tag) =	ssettag $0x1  }
0x1: {  	v0 =	vlaneseq.u32;
	s6 =	rddreg [dreg:$0x0]  }
0x2: {  	s1 =	rddreg [dreg:$0x1];
	v1 =	vand.u32 $0x7, v0;
	v0 =	vmul.u32 $0x10, v0  }
0x3: {  	s2 =	rddreg [dreg:$0x2];
	s4 =	srdreg.scid  }
0x4: {  	s0 =	rddreg [dreg:$0x3];
	s3 =	simm.s32 $0x0;
	v10 =	vimm.f32 $0.0e+00;
	s11 =	simm.s32 $0x0;
	v1 =	vmul.u32 $0x10, v1;
	v2 =	vor.u32 $0x1, v0  }
0x5: {  	s7 =	sand.u32 $0x1, s4;
	[smem:$0x7FF] =	sst s3;
	s4 =	stileid.u32;
	v3 =	vor.u32 $0x2, v0;
	v4 =	vor.u32 $0x3, v0;
	v5 =	vor.u32 $0x4, v0  }
0x6: {  	s5 =	sadd.s32 $0x4A00, s6;
	s6 =	sadd.s32 $0x7200, s6;
	s8 =	ssub.s32 $0x2, s7;
	v6 =	vor.u32 $0x5, v0;
	v7 =	vor.u32 $0x6, v0;
	v8 =	vor.u32 $0x7, v0  }
0x7: {  	_ =	strace $0x80000047;
	s10 =	sshll.u32 s4, $0x1;
	s9 =	sshrl.u32 s8, $0x1;
	v9 =	vor.u32 $0x8, v0;
	v11 =	vor.u32 $0x9, v0;
	v12 =	vor.u32 $0xA, v0  }
0x8: {  	s7 =	sor.u32 s7, s10;
	v13 =	vor.u32 $0xB, v0;
	v14 =	vor.u32 $0xC, v0;
	s10 =	simm.s32 $0x13C80;
	v15 =	vor.u32 $0xD, v0;
	s8 =	ssub.s32 s8, s9  }
0x9: {  	v16 =	vor.u32 $0xE, v0;
	v17 =	vor.u32 $0xF, v0;
	v1 =	vor.u32 $0xFFFFFF80, v1;
	s7 =	smul.u32 $0x2710, s7;
	s9 =	simm.s32 $0x1;
	s8 =	smax.u32 s8, $0x1  }
.LBB2_1:
0xa: {  	[tilespmem:s3], [sflag:$0x1] =	stream.linear.gather [hbm4b:s5+s3], $0x13880, $0x38;
	[tilespmem:$0x15580] =	vst v63  }
0xb: {  	_ =	swait.ge [sflag:s9], $0x13880  }
0xc: {  	[sflag:s9] =	ssyncset.done $0x0  }
0xd: {  	s12 =	simm.s32 $0x0;
	[sflag:s9] =	ssyncadd.s32 $0xFFFEC780  }
.LBB2_2:
0xe: {  	s13 =	smul.u32 $0x190, s12;
	_ =	sdelay $0x1  }
0xf: {  	s13 =	sadd.s32 s7, s13  }
0x10: {  	s15 =	sshrl.u32 s13, $0x3  }
0x11: {  	s17 =	simm.s32 $0x0;
	s14 =	simm.s32 $0x13880;
	s16 =	sadd.s32 s1, s15  }
0x12: {  	[tilespmem:s14], [sflag:$0x1] =	stream.linear.gather [hbm4b:s16+s17], $0x190, $0x38;
	[tilespmem:$0x15580] =	vst v63  }
0x13: {  	_ =	swait.ge [sflag:s9], $0x190  }
0x14: {  	[sflag:s9] =	ssyncset.done $0x0  }
0x15: {  	s31 =	sadd.s32 s2, s15;
	s15 =	simm.s32 $0x13A80;
	[sflag:s9] =	ssyncadd.s32 $0xFFFFFE70  }
0x16: {  	[tilespmem:s15], [sflag:$0x1] =	stream.linear.gather [hbm4b:s31+s17], $0x190, $0x38;
	[tilespmem:$0x15580] =	vst v63  }
0x17: {  	_ =	swait.ge [sflag:s9], $0x190  }
0x18: {  	[sflag:s9] =	ssyncset.done $0x0  }
0x19: {  	[sflag:s9] =	ssyncadd.s32 $0xFFFFFE70  }
0x1a: {  	v18 =	vld [tilespmem:s14+$0x0]  }
0x1b: {  	v19 =	vld [tilespmem:s15+$0x0];
	_ =	sdelay $0x3  }
0x1c: {  	v18 =	vshll.u32 v18, $0x3  }
0x1d: {  	v19 =	vshll.u32 v19, $0x3;
	_ =	sdelay $0x3  }
0x1e: {  	v20 =	vld.idx.msk [tilespmem:v18+s3+$0x0], $0xffff  }
0x1f: {  	v21 =	vld.idx.msk [tilespmem:v19+s3+$0x0], $0xffff  }
0x20: {  	v22 =	vor.u32 s17, v0  }
0x21: {  	v22 =	vand.u32 v1, v22  }
0x22: {  	v23 =	vor.u32 $0x1, v19  }
0x23: {  	v24 =	vor.u32 $0x1, v18  }
0x24: {  	v20 =	vsub.f32 v21, v20;
	_ =	sdelay $0x1  }
0x25: {  	[tilespmem:v22+s10+$0x0] =	vst.idx.msk $0xffff, v20  }
0x26: {  	v21 =	vld.idx.msk [tilespmem:v23+s3+$0x0], $0xffff  }
0x27: {  	v22 =	vld.idx.msk [tilespmem:v24+s3+$0x0], $0xffff;
	_ =	sdelay $0x1  }
0x28: {  	v23 =	vor.u32 s17, v2  }
0x29: {  	v53 =	vor.u32 $0x2, v18  }
0x2a: {  	v25 =	vor.u32 $0x2, v19  }
0x2b: {  	v21 =	vsub.f32 v21, v22;
	_ =	sdelay $0x1  }
0x2c: {  	[tilespmem:v23+s10+$0x0] =	vst.idx.msk $0xffff, v21  }
0x2d: {  	v22 =	vld.idx.msk [tilespmem:v53+s3+$0x0], $0xffff  }
0x2e: {  	v23 =	vld.idx.msk [tilespmem:v25+s3+$0x0], $0xffff;
	_ =	sdelay $0x1  }
0x2f: {  	v54 =	vor.u32 s17, v3  }
0x30: {  	v55 =	vor.u32 $0x3, v18  }
0x31: {  	v26 =	vor.u32 $0x3, v19  }
0x32: {  	v22 =	vsub.f32 v23, v22;
	_ =	sdelay $0x1  }
0x33: {  	[tilespmem:v54+s10+$0x0] =	vst.idx.msk $0xffff, v22  }
0x34: {  	v23 =	vld.idx.msk [tilespmem:v55+s3+$0x0], $0xffff  }
0x35: {  	v24 =	vld.idx.msk [tilespmem:v26+s3+$0x0], $0xffff;
	_ =	sdelay $0x1  }
0x36: {  	v56 =	vor.u32 s17, v4  }
0x37: {  	v57 =	vor.u32 $0x4, v18  }
0x38: {  	v27 =	vor.u32 $0x4, v19  }
0x39: {  	v23 =	vsub.f32 v24, v23;
	_ =	sdelay $0x1  }
0x3a: {  	[tilespmem:v56+s10+$0x0] =	vst.idx.msk $0xffff, v23  }
0x3b: {  	v58 =	vld.idx.msk [tilespmem:v57+s3+$0x0], $0xffff  }
0x3c: {  	v25 =	vld.idx.msk [tilespmem:v27+s3+$0x0], $0xffff;
	_ =	sdelay $0x1  }
0x3d: {  	v59 =	vor.u32 s17, v5  }
0x3e: {  	v18 =	vor.u32 $0x5, v18  }
0x3f: {  	v19 =	vor.u32 $0x5, v19  }
0x40: {  	v24 =	vsub.f32 v25, v58;
	_ =	sdelay $0x1  }
0x41: {  	[tilespmem:v59+s10+$0x0] =	vst.idx.msk $0xffff, v24  }
0x42: {  	v18 =	vld.idx.msk [tilespmem:v18+s3+$0x0], $0xffff  }
0x43: {  	v19 =	vld.idx.msk [tilespmem:v19+s3+$0x0], $0xffff;
	_ =	sdelay $0x2  }
0x44: {  	v60 =	vor.u32 s17, v6  }
0x45: {  	v61 =	vor.u32 s17, v7;
	v20 =	vmul.f32 v20, v20;
	v21 =	vmul.f32 v21, v21  }
0x46: {  	v23 =	vmul.f32 v23, v23;
	v24 =	vmul.f32 v24, v24;
	v18 =	vsub.f32 v19, v18  }
0x47: {  	v20 =	vadd.f32 v21, v20;
	v21 =	vor.u32 s17, v8;
	v19 =	vmul.f32 v22, v22  }
0x48: {  	v22 =	vadd.f32 v24, v23;
	v23 =	vor.u32 s17, v9;
	v62 =	vmul.f32 v18, v18  }
0x49: {  	v63 =	vor.u32 s17, v11;
	v19 =	vadd.f32 v19, v20  }
0x4a: {  	[tilespmem:v60+s10+$0x0] =	vst.idx.msk $0xffff, v18;
	v20 =	vor.u32 s17, v12;
	v18 =	vadd.f32 v62, v22  }
0x4b: {  	[tilespmem:v61+s10+$0x0] =	vst.idx.msk $0xffff, v19;
	v19 =	vor.u32 s17, v13  }
0x4c: {  	[tilespmem:v21+s10+$0x0] =	vst.idx.msk $0xffff, v18;
	v18 =	vor.u32 s17, v14  }
0x4d: {  	v21 =	vor.u32 s17, v15;
	[tilespmem:v23+s10+$0x0] =	vst.idx.msk $0xffff, v10  }
0x4e: {  	s16 =	simm.s32 $0x100;
	v22 =	vor.u32 s17, v16;
	v23 =	vor.u32 s17, v17;
	[tilespmem:v63+s10+$0x0] =	vst.idx.msk $0xffff, v10  }
.LBB2_3:
0x4f: {  	p0 =	sne.s32 s16, $0x1800;
	[tilespmem:v20+s10+$0x0] =	vst.idx.msk $0xffff, v10;
	s14 =	sadd.s32 $0x10, s14;
	s15 =	sadd.s32 $0x10, s15  }
0x50: {  	s17 =	smov.u32 s16;
	s16 =	sadd.s32 $0x100, s16;
	[tilespmem:v19+s10+$0x0] =	vst.idx.msk $0xffff, v10  }
0x51: {  	[tilespmem:v18+s10+$0x0] =	vst.idx.msk $0xffff, v10  }
0x52: {  	[tilespmem:v21+s10+$0x0] =	vst.idx.msk $0xffff, v10  }
0x53: {  	[tilespmem:v22+s10+$0x0] =	vst.idx.msk $0xffff, v10  }
0x54: {  	[tilespmem:v23+s10+$0x0] =	vst.idx.msk $0xffff, v10  }
0x55: {  	v18 =	vld [tilespmem:s14+$0x0]  }
0x56: {  	v19 =	vld [tilespmem:s15+$0x0];
	_ =	sdelay $0x3  }
0x57: {  	v18 =	vshll.u32 v18, $0x3  }
0x58: {  	v19 =	vshll.u32 v19, $0x3;
	_ =	sdelay $0x3  }
0x59: {  	v20 =	vld.idx.msk [tilespmem:v18+s3+$0x0], $0xffff  }
0x5a: {  	v21 =	vld.idx.msk [tilespmem:v19+s3+$0x0], $0xffff;
	_ =	sdelay $0x1  }
0x5b: {  	v22 =	vor.u32 s17, v0  }
0x5c: {  	v22 =	vand.u32 v1, v22  }
0x5d: {  	v23 =	vor.u32 $0x1, v18;
	v24 =	vor.u32 $0x1, v19;
	_ =	sdelay $0x1  }
0x5e: {  	v20 =	vsub.f32 v21, v20;
	_ =	sdelay $0x1  }
0x5f: {  	[tilespmem:v22+s10+$0x0] =	vst.idx.msk $0xffff, v20  }
0x60: {  	v21 =	vld.idx.msk [tilespmem:v24+s3+$0x0], $0xffff  }
0x61: {  	v22 =	vld.idx.msk [tilespmem:v23+s3+$0x0], $0xffff;
	_ =	sdelay $0x1  }
0x62: {  	v23 =	vor.u32 s17, v2;
	_ =	sdelay $0x1  }
0x63: {  	v25 =	vor.u32 $0x2, v19;
	v24 =	vor.u32 $0x2, v18;
	_ =	sdelay $0x1  }
0x64: {  	v21 =	vsub.f32 v21, v22;
	_ =	sdelay $0x1  }
0x65: {  	[tilespmem:v23+s10+$0x0] =	vst.idx.msk $0xffff, v21;
	v21 =	vmul.f32 v21, v21  }
0x66: {  	v22 =	vld.idx.msk [tilespmem:v24+s3+$0x0], $0xffff  }
0x67: {  	v23 =	vld.idx.msk [tilespmem:v25+s3+$0x0], $0xffff  }
0x68: {  	v24 =	vor.u32 s17, v3;
	_ =	sdelay $0x2  }
0x69: {  	v26 =	vor.u32 $0x3, v19;
	v25 =	vor.u32 $0x3, v18;
	_ =	sdelay $0x1  }
0x6a: {  	v22 =	vsub.f32 v23, v22;
	_ =	sdelay $0x1  }
0x6b: {  	[tilespmem:v24+s10+$0x0] =	vst.idx.msk $0xffff, v22;
	v22 =	vmul.f32 v22, v22  }
0x6c: {  	v23 =	vld.idx.msk [tilespmem:v25+s3+$0x0], $0xffff  }
0x6d: {  	v25 =	vor.u32 s17, v4;
	v24 =	vld.idx.msk [tilespmem:v26+s3+$0x0], $0xffff;
	_ =	sdelay $0x3  }
0x6e: {  	v27 =	vor.u32 $0x4, v19;
	v26 =	vor.u32 $0x4, v18;
	_ =	sdelay $0x1  }
0x6f: {  	v23 =	vsub.f32 v24, v23;
	_ =	sdelay $0x1  }
0x70: {  	[tilespmem:v25+s10+$0x0] =	vst.idx.msk $0xffff, v23  }
0x71: {  	v25 =	vor.u32 s17, v5;
	v24 =	vld.idx.msk [tilespmem:v26+s3+$0x0], $0xffff  }
0x72: {  	v26 =	vld.idx.msk [tilespmem:v27+s3+$0x0], $0xffff;
	_ =	sdelay $0x3  }
0x73: {  	v19 =	vor.u32 $0x5, v19;
	v18 =	vor.u32 $0x5, v18;
	_ =	sdelay $0x1  }
0x74: {  	v24 =	vsub.f32 v26, v24;
	_ =	sdelay $0x1  }
0x75: {  	[tilespmem:v25+s10+$0x0] =	vst.idx.msk $0xffff, v24;
	v24 =	vmul.f32 v24, v24  }
0x76: {  	v18 =	vld.idx.msk [tilespmem:v18+s3+$0x0], $0xffff  }
0x77: {  	v20 =	vmul.f32 v20, v20;
	v25 =	vor.u32 s17, v6;
	v19 =	vld.idx.msk [tilespmem:v19+s3+$0x0], $0xffff  }
0x78: {  	v23 =	vmul.f32 v23, v23;
	v26 =	vor.u32 s17, v7  }
0x79: {  	v20 =	vadd.f32 v21, v20;
	v27 =	vor.u32 s17, v8  }
0x7a: {  	v23 =	vadd.f32 v24, v23;
	v24 =	vor.u32 s17, v9  }
0x7b: {  	v28 =	vor.u32 s17, v11;
	v22 =	vadd.f32 v22, v20  }
0x7c: {  	v20 =	vor.u32 s17, v12  }
0x7d: {  	v21 =	vsub.f32 v19, v18;
	v19 =	vor.u32 s17, v13  }
0x7e: {  	v18 =	vor.u32 s17, v14  }
0x7f: {  	[tilespmem:v25+s10+$0x0] =	vst.idx.msk $0xffff, v21;
	v25 =	vmul.f32 v21, v21;
	v21 =	vor.u32 s17, v15  }
0x80: {  	[tilespmem:v26+s10+$0x0] =	vst.idx.msk $0xffff, v22;
	v22 =	vor.u32 s17, v16  }
.Ltmp0:
0x81: {  	v25 =	vadd.f32 v25, v23;
	v23 =	vor.u32 s17, v17;
	(pc) =	sbr.rel @p0 .LBB2_3-.Ltmp0, $4  }
0x82: {  	_ = 	snop  }
0x83: {  	[tilespmem:v27+s10+$0x0] =	vst.idx.msk $0xffff, v25  }
0x84: {  	[tilespmem:v24+s10+$0x0] =	vst.idx.msk $0xffff, v10  }
0x85: {  	[tilespmem:v28+s10+$0x0] =	vst.idx.msk $0xffff, v10  }
0x86: {  	_ =	sdelay $0x3  }
0x87: {  	[tilespmem:v20+s10+$0x0] =	vst.idx.msk $0xffff, v10  }
0x88: {  	[tilespmem:v19+s10+$0x0] =	vst.idx.msk $0xffff, v10  }
0x89: {  	[tilespmem:v18+s10+$0x0] =	vst.idx.msk $0xffff, v10  }
0x8a: {  	s12 =	sadd.s32 $0x1, s12;
	[tilespmem:v21+s10+$0x0] =	vst.idx.msk $0xffff, v10  }
0x8b: {  	s13 =	sshll.u32 s13, $0x1;
	p0 =	sne.s32 s12, $0x19;
	[tilespmem:v22+s10+$0x0] =	vst.idx.msk $0xffff, v10  }
.Ltmp1:
0x8c: {  	s13 =	sadd.s32 s6, s13;
	[tilespmem:v23+s10+$0x0] =	vst.idx.msk $0xffff, v10;
	(pc) =	sbr.rel @p0 .LBB2_2-.Ltmp1, $4  }
0x8d: {  	[hbm4b:s13+s3] =	stream.linear.scatter [tilespmem:s10], [sflag:$0x1], $0x1900, $0x38;
	[tilespmem:$0x15580] =	vst v63  }
0x8e: {  	_ =	swait.ge [sflag:s9], $0x1900  }
0x8f: {  	[sflag:s9] =	ssyncset.done $0x0  }
0x90: {  	[sflag:s9] =	ssyncadd.s32 $0xFFFFE700  }
0x91: {  	s11 =	sadd.s32 $0x1, s11  }
0x92: {  	p0 =	sne.s32 s11, s8  }
.Ltmp2:
0x93: {  	_ = 	snop;
	(pc) =	sbr.rel @p0 .LBB2_1-.Ltmp2, $1  }
0x94: {  	_ =	sdelay $0x3  }
0x95: {  	_ =	sfence.sel $0x180000  }
0x96: {  	[bflag:$0x0] =	sbarrier.arrive $0xFFFF  }
0x97: {  	p0 =	sne.s32 s4, $0x0;
	_ =	strace $0x90000047  }
0x98: {  	s0 =	sadd.s32 @!p0 $0x100000, s0;
	[bflag:$0x2] =	sbarrier.arrive $0xFFFF  }
0x99: {  	[sflag:s0] =	ssyncadd.tile.s32 @!p0 $0x1;
	_ =	shalt  }
.Lfunc_end2:
_tile_overlayer_lowered:
.L_overlay_start_2:
0x9a: {  	(tag) =	ssettag $0x2  }
0x9b: {  	s0 =	rddreg [dreg:$0x0];
	s2 =	stileid.u32  }
0x9c: {  	s1 =	rddreg [dreg:$0x1];
	p0 =	sne.s32 s2, $0x0  }
0x9d: {  	s3 =	rddreg [dreg:$0x2];
	[bflag:$0x3] =	sbarrier.arrive $0xFFFF;
	s2 =	simm.s32 @!p0 $0x1C01  }
0x9e: {  	[timem:s3], [sflag:s2] =	dma.local @!p0 [hbm:s0], s1  }
0x9f: {  	s0 =	simm.s32 @!p0 $0x1  }
0xa0: {  	_ =	swait.ge @!p0 [sflag:s0], s1  }
0xa1: {  	s1 =	ssub.s32 @!p0 $0x0, s1;
	[sflag:s0] =	ssyncset.done @!p0 $0x0  }
0xa2: {  	[sflag:s0] =	ssyncadd.s32 @!p0 s1  }
0xa3: {  	[bflag:$0x3] =	sbarrier.arrive $0xFFFF  }
0xa4: {  	_ =	shalt  }

// kernel: kernel.14.cloned.1.call-start
scs
__scs_entry_jumppad:
0x0: {  	(pc) =	sbr.rel $0x88, $3  }
0x1: {  	(tag) =	ssettag $0x0;
	lr =	simm.s32 $0x1  }
0x2: {  	[smem:$0x3F8B] =	sst lr;
	_ =	strace $0xD0000000  }
0x3: {  	_ = 	snop  }
0x4: {  	_ = 	snop  }
0x5: {  	_ = 	snop  }
0x6: {  	_ = 	snop  }
0x7: {  	_ = 	snop  }
__scs_overlays_trampoline_lowered:
0x8: {  	[smem:$0x3F9A] =	sst s0  }
0x9: {  	[smem:$0x3F9B] =	sst s1  }
0xa: {  	[smem:$0x3F9C] =	sst s2  }
0xb: {  	[smem:$0x3F9D] =	sst s3  }
0xc: {  	[smem:$0x3F9E] =	sst s4  }
0xd: {  	[smem:$0x3F9F] =	sst s5  }
0xe: {  	[smem:$0x3FA0] =	sst s6  }
0xf: {  	[smem:$0x3FA1] =	sst s7  }
0x10: {  	[smem:$0x3FA2] =	sst s8  }
0x11: {  	[smem:$0x3FA3] =	sst s9;
	s0 =	simm.s32 @!p0 $0x0  }
0x12: {  	s1 =	sld [smem:$0x3F89];
	s0 =	simm.s32 @p0 $0x1  }
0x13: {  	[smem:$0x3FA4] =	sst s0;
	s0 =	simm.s32 @!p1 $0x0  }
0x14: {  	s2 =	sld [smem:$0x3F88];
	s0 =	simm.s32 @p1 $0x1  }
0x15: {  	[smem:$0x3FA5] =	sst s0;
	s0 =	simm.s32 @!p2 $0x0  }
0x16: {  	s3 =	sld [smem:$0x3FDB];
	s0 =	simm.s32 @p2 $0x1  }
0x17: {  	s4 =	simm.s32 $0x1BF5;
	[smem:$0x3FA7] =	sst s0  }
0x18: {  	s0 =	sld [smem:$0x3F8A];
	_ =	swait.ge [sflag:s4], $0x0  }
0x19: {  	s7 =	sld [smem:$0x3F8B]  }
0x1a: {  	s8 =	sadd.s32 $0xFFFFE003, lr  }
0x1b: {  	s9 =	sadd.s32 $0xFFFFFEF7, lr;
	s5 =	simm.s32 $0xFFFFFFFF;
	p2 =	slt.u32 s8, $0xFFFFF086  }
0x1c: {  	p1 =	slt.u32 s9, $0xF7A;
	s5 =	simm.s32 @!p2 $0x0  }
0x1d: {  	s5 =	simm.s32 @p1 $0x1;
	p0 =	seq.s32 s7, s2  }
0x1e: {  	s7 =	smul.u32 @!p0 $0xF7A, s2;
	p2 =	seq.s32 @!p0 s5, $0x0  }
0x1f: {  	s9 =	smul.u32 $0xF7A, s1;
	s8 =	simm.s32 @!p0 $0x1BF5;
	p2 =	por !p2, p0  }
0x20: {  	[sflag:s8] =	ssyncset.s32 @!p0 $0xFFFFF086;
	s6 =	sadd.s32 @!p0 s3, s7;
	s7 =	simm.s32 @!p0 $0x108  }
0x21: {  	s3 =	sadd.s32 s3, s9;
	s6 =	sadd.s32 @!p0 $0x88, s6;
	s7 =	simm.s32 @p2 $0x1082  }
0x22: {  	[simem:s7], [sflag:s8] =	dma.local @!p0 [hbm:s6], $0xF7A  }
0x23: {  	s9 =	sor.u32 $0xD0000000, s2;
	s6 =	simm.s32 $0x108;
	_ =	swait.ge @!p0 [sflag:s8], $0x0  }
0x24: {  	s3 =	sadd.s32 $0x88, s3;
	s6 =	simm.s32 @!p1 $0x1082;
	[sflag:s4] =	ssyncset.s32 $0xFFFFF086  }
0x25: {  	[simem:s6], [sflag:s4] =	dma.local [hbm:s3], $0xF7A  }
0x26: {  	[smem:$0x3F8B] =	sst s1;
	(tag) =	ssettag s2;
	_ =	strace s9  }
0x27: {  	s1 =	sld [smem:$0x3F9B]  }
0x28: {  	s2 =	sld [smem:$0x3F9C]  }
0x29: {  	s4 =	sld [smem:$0x3F9E]  }
0x2a: {  	p0 =	seq.s32 s5, $0x0;
	s5 =	sld [smem:$0x3F9F]  }
0x2b: {  	s6 =	sld [smem:$0x3FA0]  }
0x2c: {  	s7 =	sld [smem:$0x3FA1]  }
0x2d: {  	s3 =	simm.s32 $0x108;
	s8 =	sld [smem:$0x3FA2]  }
0x2e: {  	s3 =	simm.s32 @!p0 $0x1082;
	s9 =	sld [smem:$0x3FA3]  }
0x2f: {  	lr =	sadd.s32 s0, s3;
	s0 =	sld [smem:$0x3F9A]  }
0x30: {  	s3 =	sld [smem:$0x3F9D]  }
0x31: {  	[smem:$0x3FA6] =	sst s10  }
0x32: {  	s10 =	sld [smem:$0x3FA4];
	_ =	sdelay $0x3  }
0x33: {  	p0 =	seq.s32 s10, $0x1;
	s10 =	sld [smem:$0x3FA6];
	_ =	sdelay $0x3  }
0x34: {  	[smem:$0x3FA6] =	sst s10  }
0x35: {  	s10 =	sld [smem:$0x3FA5];
	_ =	sdelay $0x3  }
0x36: {  	p1 =	seq.s32 s10, $0x1;
	s10 =	sld [smem:$0x3FA6];
	_ =	sdelay $0x3  }
0x37: {  	[smem:$0x3FA6] =	sst s10  }
0x38: {  	s10 =	sld [smem:$0x3FA7]  }
0x39: {  	_ = 	snop;
	(pc) =	sbr.ind lr, $3  }
0x3a: {  	_ = 	snop  }
0x3b: {  	_ = 	snop  }
0x3c: {  	p2 =	seq.s32 s10, $0x1;
	s10 =	sld [smem:$0x3FA6]  }
0x3d: {  	_ =	shalt  }
0x3e: {  	_ =	shalt  }
0x3f: {  	_ =	shalt  }
0x40: {  	_ =	shalt  }
0x41: {  	_ =	shalt  }
0x42: {  	_ =	shalt  }
0x43: {  	_ =	shalt  }
0x44: {  	_ =	shalt  }
0x45: {  	_ =	shalt  }
0x46: {  	_ =	shalt  }
0x47: {  	_ =	shalt  }
0x48: {  	_ =	shalt  }
0x49: {  	_ =	shalt  }
0x4a: {  	_ =	shalt  }
0x4b: {  	_ =	shalt  }
0x4c: {  	_ =	shalt  }
0x4d: {  	_ =	shalt  }
0x4e: {  	_ =	shalt  }
0x4f: {  	_ =	shalt  }
0x50: {  	_ =	shalt  }
0x51: {  	_ =	shalt  }
0x52: {  	_ =	shalt  }
0x53: {  	_ =	shalt  }
0x54: {  	_ =	shalt  }
0x55: {  	_ =	shalt  }
0x56: {  	_ =	shalt  }
0x57: {  	_ =	shalt  }
0x58: {  	_ =	shalt  }
0x59: {  	_ =	shalt  }
0x5a: {  	_ =	shalt  }
0x5b: {  	_ =	shalt  }
0x5c: {  	_ =	shalt  }
0x5d: {  	_ =	shalt  }
0x5e: {  	_ =	shalt  }
0x5f: {  	_ =	shalt  }
0x60: {  	_ =	shalt  }
0x61: {  	_ =	shalt  }
0x62: {  	_ =	shalt  }
0x63: {  	_ =	shalt  }
0x64: {  	_ =	shalt  }
0x65: {  	_ =	shalt  }
0x66: {  	_ =	shalt  }
0x67: {  	_ =	shalt  }
0x68: {  	_ =	shalt  }
0x69: {  	_ =	shalt  }
0x6a: {  	_ =	shalt  }
0x6b: {  	_ =	shalt  }
0x6c: {  	_ =	shalt  }
0x6d: {  	_ =	shalt  }
0x6e: {  	_ =	shalt  }
0x6f: {  	_ =	shalt  }
0x70: {  	_ =	shalt  }
0x71: {  	_ =	shalt  }
0x72: {  	_ =	shalt  }
0x73: {  	_ =	shalt  }
0x74: {  	_ =	shalt  }
0x75: {  	_ =	shalt  }
0x76: {  	_ =	shalt  }
0x77: {  	_ =	shalt  }
0x78: {  	_ =	shalt  }
0x79: {  	_ =	shalt  }
0x7a: {  	_ =	shalt  }
0x7b: {  	_ =	shalt  }
0x7c: {  	_ =	shalt  }
0x7d: {  	_ =	shalt  }
0x7e: {  	_ =	shalt  }
0x7f: {  	_ =	shalt  }
0x80: {  	_ =	shalt  }
0x81: {  	_ =	shalt  }
0x82: {  	_ =	shalt  }
0x83: {  	_ =	shalt  }
0x84: {  	_ =	shalt  }
0x85: {  	_ =	shalt  }
0x86: {  	_ =	shalt  }
0x87: {  	_ =	shalt  }
.Lfunc_end0:
.L_simem_size_0:
called_computation.2_lowered:
.L_overlay_start_0:
0x88: {  	s2 =	sld [smem:$0x3FD9]  }
0x89: {  	s3 =	sld [smem:$0x3FFE];
	_ =	sdelay $0x1  }
0x8a: {  	s1 =	srdreg.scid  }
0x8b: {  	s0 =	sand.u32 $0x1, s1  }
0x8c: {  	s16 =	sshll.u32 s0, $0xA;
	s2 =	sadd.s32 s3, s2  }
0x8d: {  	s2 =	sadd.s32 s2, s16  }
0x8e: {  	[smem:$0x3FB2] =	sst s2  }
0x8f: {  	_ = 	snop  }
0x90: {  	(tm) =	ssettm $0x1  }
0x91: {  	s17 =	sld [smem:$0x3FFB];
	_ =	sdelay $0x3  }
0x92: {  	_ =	strace s17  }
0x93: {  	s2 =	sld [smem:$0x3FFC];
	_ =	sdelay $0x3  }
0x94: {  	_ =	strace s2  }
0x95: {  	s2 =	sld [smem:$0x3FFD];
	_ =	sdelay $0x3  }
0x96: {  	_ =	strace s2  }
0x97: {  	_ =	strace $0x8FFFFFFF  }
0x98: {  	s18 =	sld [smem:$0x3FDB];
	_ =	sdelay $0x1  }
0x99: {  	s19 =	simm.s32 $_scs_section_size  }
0x9a: {  	s4 =	simm.s32 $_size__tile_overlayer_lowered;
	s5 =	simm.s32 $_tile_overlayer_lowered  }
0x9b: {  	s22 =	simm.s32 $0x1BFF;
	s21 =	sshll.u32 s5, $0x1;
	s2 =	sadd.s32 s19, s18  }
0x9c: {  	s6 =	simm.s32 $0x0;
	s20 =	sshll.u32 s4, $0x1;
	s4 =	sadd.s32 s21, s2  }
0x9d: {  	[timem:s6], [sflag:s22] =	dma.local [hbm:s4], s20  }
0x9e: {  	_ =	swait.ge [sflag:s22], s20  }
0x9f: {  	s3 =	ssub.s32 $0x0, s20;
	[sflag:s22] =	ssyncset.done $0x0  }
0xa0: {  	[sflag:s22] =	ssyncadd.s32 s3;
	_ =	sdelay $0x1  }
0xa1: {  	s23 =	simm.s32 $0x1B8B  }
0xa2: {  	_ =	swait.ge [sflag:s23], $0x1  }
0xa3: {  	[sflag:s23] =	ssyncset.done $0x0  }
0xa4: {  	s25 =	simm.s32 $0x1B8E;
	s24 =	sld [smem:$0x3FFE];
	[sflag:s23] =	ssyncadd.s32 $0xFFFFFFFF  }
0xa5: {  	s26 =	simm.s32 $execute0_lowered;
	[smem:$0x3FD2] =	sst s25  }
0xa6: {  	s4 =	sshll.u32 s26, $0x1;
	_ =	strace $0x8000004C;
	[dreg:$0x1] =	wrdreg $0xFFFFFFFF  }
0xa7: {  	s28 =	simm.s32 $_size_execute0_lowered;
	s2 =	sadd.s32 s2, s4;
	[dreg:$0x0] =	wrdreg $0x0  }
0xa8: {  	s4 =	sshll.u32 s28, $0x1;
	[dreg:$0x2] =	wrdreg s2  }
0xa9: {  	[dreg:$0x3] =	wrdreg s4  }
0xaa: {  	[dreg:$0x4] =	wrdreg $0xC0  }
0xab: {  	_ =	task [dreg:s6], $0x5FFFF  }
0xac: {  	[dreg:$0x1] =	wrdreg $0xFFFFFFFF  }
0xad: {  	[dreg:$0x0] =	wrdreg $0x60  }
0xae: {  	[dreg:$0x2] =	wrdreg s24  }
0xaf: {  	[dreg:$0x3] =	wrdreg $0x0  }
0xb0: {  	[dreg:$0x4] =	wrdreg $0x9  }
0xb1: {  	_ =	task.clear_ibuf [dreg:s6], $0x5FFFF;
	_ =	strace $0x9000004C  }
0xb2: {  	s29 =	simm.s32 $0x9;
	_ =	strace $0x8000004E  }
0xb3: {  	_ =	swait.ge [sflag:s29], $0x1  }
0xb4: {  	[sflag:s29] =	ssyncadd.s32 $0xFFFFFFFF  }
0xb5: {  	_ =	strace $0x9000004E  }
0xb6: {  	_ =	sfence  }
0xb7: {  	s30 =	sld [smem:$0x0];
	_ =	sdelay $0x2  }
0xb8: {  	s31 =	sshll.u32 s1, $0xD;
	s1 =	sshrl.u32 s1, $0x2  }
0xb9: {  	s3 =	sand.u32 $0x4000, s31;
	s1 =	sadd.s32 s1, s30  }
0xba: {  	s0 =	sor.u32 s3, s0;
	s1 =	sshll.u32 s1, $0x11  }
0xbb: {  	s0 =	sor.u32 s1, s0  }
0xbc: {  	s0 =	sadd.s32 $0x8F2B, s0  }
0xbd: {  	[sflag:s0] =	ssyncadd.remote.s32 $0x1  }
0xbe: {  	_ =	sfence.sel $0xFFFF  }
0xbf: {  	[dreg:$0x0] =	wrdreg $0xFFFFFFFF;
	(pc) =	sbr.abs _section_cstart, $3  }
0xc0: {  	[dreg:$0x1] =	wrdreg $0xFFFFFFFF  }
0xc1: {  	_ =	task.clear_ibuf [dreg:s6], $0x2FFFF;
	_ =	strace $0x9FFFFFFF  }
0xc2: {  	(tm) =	ssettm $0x7FFFFFFF  }
0xc3: {  	_ =	shalt  }
tec
execute0_lowered:
.L_overlay_start_1:
0x0: {  	(tag) =	ssettag $0x1  }
0x1: {  	s1 =	stileid.u32  }
0x2: {  	s5 =	rddreg [dreg:$0x0];
	s23 =	smul.u32 $0x2780, s1  }
0x3: {  	s2 =	rddreg [dreg:$0x1];
	s8 =	smul.u32 $0x4F000, s1  }
0x4: {  	s4 =	srdreg.scid;
	s26 =	smul.u32 $0x1F400, s1  }
0x5: {  	s3 =	simm.s32 $0x0;
	s11 =	sand.u32 $0x1, s4;
	s30 =	smul.u32 $0x4E200, s1  }
0x6: {  	[smem:$0x7FF] =	sst s3;
	s17 =	sshll.u32 s1, $0x1;
	s6 =	smul.u32 $0x27800, s11  }
0x7: {  	s13 =	sadd.s32 $0xF59000, s5;
	s7 =	sor.u32 s11, s17;
	s17 =	smul.u32 $0xFA, s1  }
0x8: {  	s4 =	sadd.s32 $0xA67600, s5;
	s21 =	sshll.u32 s1, $0x6;
	s28 =	smul.u32 $0xFA00, s11  }
0x9: {  	_ =	strace $0x8000004D;
	s18 =	ssub.s32 $0x2, s11;
	s31 =	smul.u32 $0x27100, s11  }
0xa: {  	s9 =	smul.u32 $0x7D, s7;
	s10 =	sadd.s32 s23, s5;
	s19 =	sshrl.u32 s18, $0x1  }
0xb: {  	s8 =	sshrl.u32 s8, $0x2;
	s16 =	smul.u32 $0x138800, s7;
	s12 =	sadd.s32 s6, s5  }
0xc: {  	s14 =	ssub.s32 s18, s19;
	s15 =	sadd.s32 s8, s2;
	s5 =	sadd.s32 $0xA77000, s10  }
0xd: {  	s6 =	sor.u32 $0x1C02, s21;
	s18 =	smul.u32 $0x7D, s11;
	s29 =	sadd.s32 s28, s26  }
0xe: {  	s19 =	simm.s32 $0x16C00;
	s21 =	simm.s32 $0x1BC00;
	s9 =	sadd.s32 $0x7C, s9  }
0xf: {  	s25 =	sshrl.u32 s16, $0x3;
	s10 =	smax.u32 s14, $0x1;
	s14 =	sshrl.u32 s15, $0x3  }
0x10: {  	s15 =	simm.s32 $0x2;
	s16 =	simm.s32 $0x13C00;
	s20 =	sand.u32 $0x1FF8, s9  }
0x11: {  	s8 =	sadd.s32 s13, s25;
	s11 =	sadd.s32 s18, s17;
	s13 =	sadd.s32 s30, s13  }
0x12: {  	s17 =	simm.s32 $0x14400;
	s18 =	simm.s32 $0x50;
	s22 =	smin.u32 s20, $0xF90  }
0x13: {  	s8 =	sadd.s32 $0x26C00, s8;
	s13 =	sadd.s32 s31, s13;
	s24 =	sshll.u32 s22, $0x4  }
0x14: {  	s20 =	simm.s32 $0x19400;
	s9 =	ssub.s32 s9, s22;
	s7 =	sadd.s32 s4, s24  }
0x15: {  	s9 =	sshll.u32 s9, $0x9;
	s24 =	sadd.s32 $0xA9E800, s12;
	s12 =	sshrl.u32 s29, $0x2  }
0x16: {  	s22 =	simm.s32 $0x1;
	s9 =	sshra.s32 s9, $0x2;
	s12 =	sadd.s32 $0x13C00, s12  }
0x17: {  	s23 =	sadd.s32 s23, s24;
	s24 =	simm.s32 $0x0;
	s9 =	sadd.s32 $0x13C00, s9  }
.LBB2_1:
0x18: {  	[spmem:s14], [sflag:s6] =	dma.local [hbm:s5], $0x2780  }
0x19: {  	s25 =	sand.u32 $0x1FF8, s11;
	_ =	swait.ge [sflag:s15], $0x2780  }
0x1a: {  	s25 =	smin.u32 s25, $0xF90;
	[sflag:s15] =	ssyncset.done $0x0  }
0x1b: {  	s25 =	sshll.u32 s25, $0x4;
	[sflag:s15] =	ssyncadd.s32 $0xFFFFD880  }
0x1c: {  	s26 =	sand.u32 $0xFFFFFFF8, s11;
	s25 =	sadd.s32 s4, s25;
	[bflag:$0x0] =	sbarrier.arrive $0xFFFF  }
0x1d: {  	[tilespmem:s16], [sflag:$0x2] =	stream.linear.gather [hbm4b:s25+s3], $0x800, $0x38;
	[tilespmem:$0x1E400] =	vst v63  }
0x1e: {  	s31 =	smin.u32 s26, $0xF90;
	_ =	swait.ge [sflag:s15], $0x800  }
0x1f: {  	s25 =	sshll.u32 s31, $0x9;
	[sflag:s15] =	ssyncset.done $0x0  }
0x20: {  	s25 =	ssub.s32 $0x0, s25;
	[sflag:s15] =	ssyncadd.s32 $0xFFFFF800  }
0x21: {  	[tilespmem:s17], [sflag:$0x2] =	stream.linear.gather [hbm4b:s13+s3], $0xA000, $0x38;
	[tilespmem:$0x1E400] =	vst v63  }
0x22: {  	s25 =	sshra.s32 s25, $0x2;
	_ =	swait.ge [sflag:s15], $0xA000  }
0x23: {  	s25 =	sadd.s32 s25, s12;
	[sflag:s15] =	ssyncset.done $0x0  }
0x24: {  	s25 =	sadd.s32 $0x0, s25;
	[sflag:s15] =	ssyncadd.s32 $0xFFFF6000  }
0x25: {  	[spmem:s2] =	stream.indirect.scatter.add.f32 [tilespmem:s17], [sflag:$0x1], $0x80, s25, s18, $0xb8;
	[tilespmem:$0x1E400] =	vst v63  }
0x26: {  	s0 =	sadd.s32 $0x80, s25  }
0x27: {  	[spmem:s2] =	stream.indirect.scatter.add.f32 [tilespmem:s19], [sflag:$0x1], $0x80, s0, s18, $0xb8;
	[tilespmem:$0x1E400] =	vst v63  }
0x28: {  	s31 =	sadd.s32 $0x100, s25  }
0x29: {  	[spmem:s2] =	stream.indirect.scatter.add.f32 [tilespmem:s20], [sflag:$0x1], $0x80, s31, s18, $0xb8;
	[tilespmem:$0x1E400] =	vst v63  }
0x2a: {  	s25 =	sadd.s32 $0x180, s25  }
0x2b: {  	[spmem:s2] =	stream.indirect.scatter.add.f32 [tilespmem:s21], [sflag:$0x1], $0x80, s25, s18, $0xb8;
	[tilespmem:$0x1E400] =	vst v63  }
0x2c: {  	_ =	swait.ge [sflag:s22], $0x2800  }
0x2d: {  	[sflag:s22] =	ssyncset.done $0x0  }
0x2e: {  	[sflag:s22] =	ssyncadd.s32 $0xFFFFD800  }
0x2f: {  	_ =	swait.ge [sflag:s22], $0x2800  }
0x30: {  	[sflag:s22] =	ssyncset.done $0x0  }
0x31: {  	s26 =	sadd.s32 $0x4, s11;
	[sflag:s22] =	ssyncadd.s32 $0xFFFFD800  }
0x32: {  	s28 =	sand.u32 $0x1FF8, s26;
	_ =	swait.ge [sflag:s22], $0x2800  }
0x33: {  	s28 =	smin.u32 s28, $0xF90;
	[sflag:s22] =	ssyncset.done $0x0  }
0x34: {  	s29 =	simm.s32 $0x1000;
	s30 =	sshll.u32 s28, $0x4;
	[sflag:s22] =	ssyncadd.s32 $0xFFFFD800  }
0x35: {  	s28 =	smov.u32 s13;
	s25 =	simm.s32 $0x800;
	_ =	swait.ge [sflag:s22], $0x2800  }
.LBB2_2:
0x36: {  	s30 =	sadd.s32 s4, s30  }
0x37: {  	[sflag:s22] =	ssyncset.done $0x0;
	s28 =	sadd.s32 $0x1400, s28;
	s31 =	smov.u32 s29  }
0x38: {  	p0 =	sne.s32 s29, $0xF000;
	s0 =	sand.u32 $0xFFFFFFF8, s26;
	[sflag:s22] =	ssyncadd.s32 $0xFFFFD800  }
0x39: {  	[tilespmem:s16], [sflag:$0x2] =	stream.linear.gather [hbm4b:s30+s3], $0x800, $0x38;
	[tilespmem:$0x1E400] =	vst v63  }
0x3a: {  	s29 =	sadd.s32 $0x800, s29;
	s0 =	smin.u32 s0, $0xF90;
	_ =	swait.ge [sflag:s15], $0x800  }
0x3b: {  	s0 =	sshll.u32 s0, $0x9;
	[sflag:s15] =	ssyncset.done $0x0  }
0x3c: {  	s0 =	ssub.s32 $0x0, s0;
	[sflag:s15] =	ssyncadd.s32 $0xFFFFF800  }
0x3d: {  	[tilespmem:s17], [sflag:$0x2] =	stream.linear.gather [hbm4b:s28+s3], $0xA000, $0x38;
	[tilespmem:$0x1E400] =	vst v63  }
0x3e: {  	s30 =	sshra.s32 s25, $0x2;
	s0 =	sshra.s32 s0, $0x2;
	_ =	swait.ge [sflag:s15], $0xA000  }
0x3f: {  	s25 =	smov.u32 s31;
	s0 =	sadd.s32 s0, s12;
	[sflag:s15] =	ssyncset.done $0x0  }
0x40: {  	s0 =	sadd.s32 s30, s0;
	[sflag:s15] =	ssyncadd.s32 $0xFFFF6000  }
0x41: {  	[spmem:s2] =	stream.indirect.scatter.add.f32 [tilespmem:s17], [sflag:$0x1], $0x80, s0, s18, $0xb8;
	[tilespmem:$0x1E400] =	vst v63  }
0x42: {  	s30 =	sadd.s32 $0x80, s0;
	s31 =	sadd.s32 $0x100, s0  }
0x43: {  	[spmem:s2] =	stream.indirect.scatter.add.f32 [tilespmem:s19], [sflag:$0x1], $0x80, s30, s18, $0xb8;
	[tilespmem:$0x1E400] =	vst v63  }
0x44: {  	s0 =	sadd.s32 $0x180, s0  }
0x45: {  	[spmem:s2] =	stream.indirect.scatter.add.f32 [tilespmem:s20], [sflag:$0x1], $0x80, s31, s18, $0xb8;
	[tilespmem:$0x1E400] =	vst v63  }
0x46: {  	_ = 	snop  }
0x47: {  	[spmem:s2] =	stream.indirect.scatter.add.f32 [tilespmem:s21], [sflag:$0x1], $0x80, s0, s18, $0xb8;
	[tilespmem:$0x1E400] =	vst v63  }
0x48: {  	_ =	swait.ge [sflag:s22], $0x2800  }
0x49: {  	[sflag:s22] =	ssyncset.done $0x0  }
0x4a: {  	[sflag:s22] =	ssyncadd.s32 $0xFFFFD800  }
0x4b: {  	_ =	swait.ge [sflag:s22], $0x2800  }
0x4c: {  	[sflag:s22] =	ssyncset.done $0x0  }
.Ltmp0:
0x4d: {  	[sflag:s22] =	ssyncadd.s32 $0xFFFFD800;
	(pc) =	sbr.rel @p0 .LBB2_2-.Ltmp0, $4  }
0x4e: {  	s26 =	sadd.s32 $0x4, s26;
	_ =	swait.ge [sflag:s22], $0x2800  }
0x4f: {  	s0 =	sand.u32 $0x1FF8, s26;
	[sflag:s22] =	ssyncset.done $0x0  }
0x50: {  	s0 =	smin.u32 s0, $0xF90;
	[sflag:s22] =	ssyncadd.s32 $0xFFFFD800  }
0x51: {  	s30 =	sshll.u32 s0, $0x4;
	_ =	swait.ge [sflag:s22], $0x2800  }
0x52: {  	[sflag:s22] =	ssyncset.done $0x0  }
0x53: {  	s0 =	sadd.s32 s4, s30;
	s26 =	sand.u32 $0xFFFFFFF8, s26;
	[sflag:s22] =	ssyncadd.s32 $0xFFFFD800  }
0x54: {  	[tilespmem:s16], [sflag:$0x2] =	stream.linear.gather [hbm4b:s0+s3], $0x800, $0x38;
	[tilespmem:$0x1E400] =	vst v63  }
0x55: {  	s29 =	smin.u32 s26, $0xF90;
	_ =	swait.ge [sflag:s15], $0x800  }
0x56: {  	s0 =	sshll.u32 s29, $0x9;
	[sflag:s15] =	ssyncset.done $0x0  }
0x57: {  	s30 =	sadd.s32 $0x1400, s28;
	s0 =	ssub.s32 $0x0, s0;
	[sflag:s15] =	ssyncadd.s32 $0xFFFFF800  }
0x58: {  	[tilespmem:s17], [sflag:$0x2] =	stream.linear.gather [hbm4b:s30+s3], $0xA000, $0x38;
	[tilespmem:$0x1E400] =	vst v63  }
0x59: {  	s0 =	sshra.s32 s0, $0x2;
	_ =	swait.ge [sflag:s15], $0xA000  }
0x5a: {  	s25 =	sshra.s32 s25, $0x2;
	s0 =	sadd.s32 s0, s12;
	[sflag:s15] =	ssyncset.done $0x0  }
0x5b: {  	s0 =	sadd.s32 s25, s0;
	[sflag:s15] =	ssyncadd.s32 $0xFFFF6000  }
0x5c: {  	[spmem:s2] =	stream.indirect.scatter.add.f32 [tilespmem:s17], [sflag:$0x1], $0x80, s0, s18, $0xb8;
	[tilespmem:$0x1E400] =	vst v63  }
0x5d: {  	s25 =	sadd.s32 $0x80, s0  }
0x5e: {  	[spmem:s2] =	stream.indirect.scatter.add.f32 [tilespmem:s19], [sflag:$0x1], $0x80, s25, s18, $0xb8;
	[tilespmem:$0x1E400] =	vst v63  }
0x5f: {  	s31 =	sadd.s32 $0x100, s0  }
0x60: {  	[spmem:s2] =	stream.indirect.scatter.add.f32 [tilespmem:s20], [sflag:$0x1], $0x80, s31, s18, $0xb8;
	[tilespmem:$0x1E400] =	vst v63  }
0x61: {  	s0 =	sadd.s32 $0x180, s0  }
0x62: {  	[spmem:s2] =	stream.indirect.scatter.add.f32 [tilespmem:s21], [sflag:$0x1], $0x80, s0, s18, $0xb8;
	[tilespmem:$0x1E400] =	vst v63  }
0x63: {  	_ =	swait.ge [sflag:s22], $0x2800  }
0x64: {  	[sflag:s22] =	ssyncset.done $0x0  }
0x65: {  	[sflag:s22] =	ssyncadd.s32 $0xFFFFD800  }
0x66: {  	_ =	swait.ge [sflag:s22], $0x2800  }
0x67: {  	[sflag:s22] =	ssyncset.done $0x0  }
0x68: {  	[sflag:s22] =	ssyncadd.s32 $0xFFFFD800  }
0x69: {  	_ =	swait.ge [sflag:s22], $0x2800  }
0x6a: {  	[sflag:s22] =	ssyncset.done $0x0  }
0x6b: {  	[sflag:s22] =	ssyncadd.s32 $0xFFFFD800  }
0x6c: {  	_ =	swait.ge [sflag:s22], $0x2800  }
0x6d: {  	[sflag:s22] =	ssyncset.done $0x0  }
0x6e: {  	[sflag:s22] =	ssyncadd.s32 $0xFFFFD800  }
0x6f: {  	[tilespmem:s16], [sflag:$0x2] =	stream.linear.gather [hbm4b:s7+s3], $0x800, $0x38;
	[tilespmem:$0x1E400] =	vst v63  }
0x70: {  	_ =	swait.ge [sflag:s15], $0x800  }
0x71: {  	[sflag:s15] =	ssyncset.done $0x0  }
0x72: {  	[sflag:s15] =	ssyncadd.s32 $0xFFFFF800  }
0x73: {  	[tilespmem:s17], [sflag:$0x2] =	stream.linear.gather [hbm4b:s8+s3], $0x2800, $0x38;
	[tilespmem:$0x1E400] =	vst v63  }
0x74: {  	_ =	swait.ge [sflag:s15], $0x2800  }
0x75: {  	[sflag:s15] =	ssyncset.done $0x0  }
0x76: {  	[sflag:s15] =	ssyncadd.s32 $0xFFFFD800  }
0x77: {  	[spmem:s2] =	stream.indirect.scatter.add.f32 [tilespmem:s17], [sflag:$0x1], $0x80, s9, s18, $0xb8;
	[tilespmem:$0x1E400] =	vst v63  }
0x78: {  	_ =	swait.ge [sflag:s22], $0x2800  }
0x79: {  	s24 =	sadd.s32 $0x1, s24;
	[sflag:s22] =	ssyncset.done $0x0  }
0x7a: {  	p0 =	sne.s32 s24, s10;
	[sflag:s22] =	ssyncadd.s32 $0xFFFFD800  }
.Ltmp1:
0x7b: {  	[bflag:$0x0] =	sbarrier.arrive $0xFFFF;
	(pc) =	sbr.rel @p0 .LBB2_1-.Ltmp1, $4  }
0x7c: {  	[hbm:s23], [sflag:s6] =	dma.local [spmem:s14], $0x2780  }
0x7d: {  	_ =	swait.ge [sflag:s15], $0x2780  }
0x7e: {  	[sflag:s15] =	ssyncset.done $0x0  }
0x7f: {  	[sflag:s15] =	ssyncadd.s32 $0xFFFFD880  }
0x80: {  	_ =	sfence.sel $0x180000  }
0x81: {  	[bflag:$0x0] =	sbarrier.arrive $0xFFFF  }
0x82: {  	_ =	strace $0x9000004D  }
0x83: {  	[bflag:$0x2] =	sbarrier.arrive $0xFFFF  }
0x84: {  	p0 =	sne.s32 s1, $0x0;
	s0 =	rddreg [dreg:$0x2]  }
0x85: {  	s0 =	sadd.s32 @!p0 $0x100000, s0  }
0x86: {  	[sflag:s0] =	ssyncadd.tile.s32 @!p0 $0x1;
	_ =	shalt  }
.Lfunc_end2:
_tile_overlayer_lowered:
.L_overlay_start_2:
0x87: {  	(tag) =	ssettag $0x2  }
0x88: {  	s0 =	rddreg [dreg:$0x0];
	s2 =	stileid.u32  }
0x89: {  	s1 =	rddreg [dreg:$0x1];
	p0 =	sne.s32 s2, $0x0  }
0x8a: {  	s3 =	rddreg [dreg:$0x2];
	[bflag:$0x3] =	sbarrier.arrive $0xFFFF;
	s2 =	simm.s32 @!p0 $0x1C02  }
0x8b: {  	[timem:s3], [sflag:s2] =	dma.local @!p0 [hbm:s0], s1  }
0x8c: {  	s0 =	simm.s32 @!p0 $0x2  }
0x8d: {  	_ =	swait.ge @!p0 [sflag:s0], s1  }
0x8e: {  	s1 =	ssub.s32 @!p0 $0x0, s1;
	[sflag:s0] =	ssyncset.done @!p0 $0x0  }
0x8f: {  	[sflag:s0] =	ssyncadd.s32 @!p0 s1  }
0x90: {  	[bflag:$0x3] =	sbarrier.arrive $0xFFFF  }
0x91: {  	_ =	shalt  }

// kernel: kernel.17.cloned.1.call-start
scs
__scs_entry_jumppad:
0x0: {  	(pc) =	sbr.rel $0x88, $3  }
0x1: {  	(tag) =	ssettag $0x0;
	lr =	simm.s32 $0x1  }
0x2: {  	[smem:$0x3F8B] =	sst lr;
	_ =	strace $0xD0000000  }
0x3: {  	_ = 	snop  }
0x4: {  	_ = 	snop  }
0x5: {  	_ = 	snop  }
0x6: {  	_ = 	snop  }
0x7: {  	_ = 	snop  }
__scs_overlays_trampoline_lowered:
0x8: {  	[smem:$0x3F9A] =	sst s0  }
0x9: {  	[smem:$0x3F9B] =	sst s1  }
0xa: {  	[smem:$0x3F9C] =	sst s2  }
0xb: {  	[smem:$0x3F9D] =	sst s3  }
0xc: {  	[smem:$0x3F9E] =	sst s4  }
0xd: {  	[smem:$0x3F9F] =	sst s5  }
0xe: {  	[smem:$0x3FA0] =	sst s6  }
0xf: {  	[smem:$0x3FA1] =	sst s7  }
0x10: {  	[smem:$0x3FA2] =	sst s8  }
0x11: {  	[smem:$0x3FA3] =	sst s9;
	s0 =	simm.s32 @!p0 $0x0  }
0x12: {  	s1 =	sld [smem:$0x3F89];
	s0 =	simm.s32 @p0 $0x1  }
0x13: {  	[smem:$0x3FA4] =	sst s0;
	s0 =	simm.s32 @!p1 $0x0  }
0x14: {  	s2 =	sld [smem:$0x3F88];
	s0 =	simm.s32 @p1 $0x1  }
0x15: {  	[smem:$0x3FA5] =	sst s0;
	s0 =	simm.s32 @!p2 $0x0  }
0x16: {  	s3 =	sld [smem:$0x3FDB];
	s0 =	simm.s32 @p2 $0x1  }
0x17: {  	s4 =	simm.s32 $0x1BF5;
	[smem:$0x3FA7] =	sst s0  }
0x18: {  	s0 =	sld [smem:$0x3F8A];
	_ =	swait.ge [sflag:s4], $0x0  }
0x19: {  	s7 =	sld [smem:$0x3F8B]  }
0x1a: {  	s8 =	sadd.s32 $0xFFFFE003, lr  }
0x1b: {  	s9 =	sadd.s32 $0xFFFFFEF7, lr;
	s5 =	simm.s32 $0xFFFFFFFF;
	p2 =	slt.u32 s8, $0xFFFFF086  }
0x1c: {  	p1 =	slt.u32 s9, $0xF7A;
	s5 =	simm.s32 @!p2 $0x0  }
0x1d: {  	s5 =	simm.s32 @p1 $0x1;
	p0 =	seq.s32 s7, s2  }
0x1e: {  	s7 =	smul.u32 @!p0 $0xF7A, s2;
	p2 =	seq.s32 @!p0 s5, $0x0  }
0x1f: {  	s9 =	smul.u32 $0xF7A, s1;
	s8 =	simm.s32 @!p0 $0x1BF5;
	p2 =	por !p2, p0  }
0x20: {  	[sflag:s8] =	ssyncset.s32 @!p0 $0xFFFFF086;
	s6 =	sadd.s32 @!p0 s3, s7;
	s7 =	simm.s32 @!p0 $0x108  }
0x21: {  	s3 =	sadd.s32 s3, s9;
	s6 =	sadd.s32 @!p0 $0x88, s6;
	s7 =	simm.s32 @p2 $0x1082  }
0x22: {  	[simem:s7], [sflag:s8] =	dma.local @!p0 [hbm:s6], $0xF7A  }
0x23: {  	s9 =	sor.u32 $0xD0000000, s2;
	s6 =	simm.s32 $0x108;
	_ =	swait.ge @!p0 [sflag:s8], $0x0  }
0x24: {  	s3 =	sadd.s32 $0x88, s3;
	s6 =	simm.s32 @!p1 $0x1082;
	[sflag:s4] =	ssyncset.s32 $0xFFFFF086  }
0x25: {  	[simem:s6], [sflag:s4] =	dma.local [hbm:s3], $0xF7A  }
0x26: {  	[smem:$0x3F8B] =	sst s1;
	(tag) =	ssettag s2;
	_ =	strace s9  }
0x27: {  	s1 =	sld [smem:$0x3F9B]  }
0x28: {  	s2 =	sld [smem:$0x3F9C]  }
0x29: {  	s4 =	sld [smem:$0x3F9E]  }
0x2a: {  	p0 =	seq.s32 s5, $0x0;
	s5 =	sld [smem:$0x3F9F]  }
0x2b: {  	s6 =	sld [smem:$0x3FA0]  }
0x2c: {  	s7 =	sld [smem:$0x3FA1]  }
0x2d: {  	s3 =	simm.s32 $0x108;
	s8 =	sld [smem:$0x3FA2]  }
0x2e: {  	s3 =	simm.s32 @!p0 $0x1082;
	s9 =	sld [smem:$0x3FA3]  }
0x2f: {  	lr =	sadd.s32 s0, s3;
	s0 =	sld [smem:$0x3F9A]  }
0x30: {  	s3 =	sld [smem:$0x3F9D]  }
0x31: {  	[smem:$0x3FA6] =	sst s10  }
0x32: {  	s10 =	sld [smem:$0x3FA4];
	_ =	sdelay $0x3  }
0x33: {  	p0 =	seq.s32 s10, $0x1;
	s10 =	sld [smem:$0x3FA6];
	_ =	sdelay $0x3  }
0x34: {  	[smem:$0x3FA6] =	sst s10  }
0x35: {  	s10 =	sld [smem:$0x3FA5];
	_ =	sdelay $0x3  }
0x36: {  	p1 =	seq.s32 s10, $0x1;
	s10 =	sld [smem:$0x3FA6];
	_ =	sdelay $0x3  }
0x37: {  	[smem:$0x3FA6] =	sst s10  }
0x38: {  	s10 =	sld [smem:$0x3FA7]  }
0x39: {  	_ = 	snop;
	(pc) =	sbr.ind lr, $3  }
0x3a: {  	_ = 	snop  }
0x3b: {  	_ = 	snop  }
0x3c: {  	p2 =	seq.s32 s10, $0x1;
	s10 =	sld [smem:$0x3FA6]  }
0x3d: {  	_ =	shalt  }
0x3e: {  	_ =	shalt  }
0x3f: {  	_ =	shalt  }
0x40: {  	_ =	shalt  }
0x41: {  	_ =	shalt  }
0x42: {  	_ =	shalt  }
0x43: {  	_ =	shalt  }
0x44: {  	_ =	shalt  }
0x45: {  	_ =	shalt  }
0x46: {  	_ =	shalt  }
0x47: {  	_ =	shalt  }
0x48: {  	_ =	shalt  }
0x49: {  	_ =	shalt  }
0x4a: {  	_ =	shalt  }
0x4b: {  	_ =	shalt  }
0x4c: {  	_ =	shalt  }
0x4d: {  	_ =	shalt  }
0x4e: {  	_ =	shalt  }
0x4f: {  	_ =	shalt  }
0x50: {  	_ =	shalt  }
0x51: {  	_ =	shalt  }
0x52: {  	_ =	shalt  }
0x53: {  	_ =	shalt  }
0x54: {  	_ =	shalt  }
0x55: {  	_ =	shalt  }
0x56: {  	_ =	shalt  }
0x57: {  	_ =	shalt  }
0x58: {  	_ =	shalt  }
0x59: {  	_ =	shalt  }
0x5a: {  	_ =	shalt  }
0x5b: {  	_ =	shalt  }
0x5c: {  	_ =	shalt  }
0x5d: {  	_ =	shalt  }
0x5e: {  	_ =	shalt  }
0x5f: {  	_ =	shalt  }
0x60: {  	_ =	shalt  }
0x61: {  	_ =	shalt  }
0x62: {  	_ =	shalt  }
0x63: {  	_ =	shalt  }
0x64: {  	_ =	shalt  }
0x65: {  	_ =	shalt  }
0x66: {  	_ =	shalt  }
0x67: {  	_ =	shalt  }
0x68: {  	_ =	shalt  }
0x69: {  	_ =	shalt  }
0x6a: {  	_ =	shalt  }
0x6b: {  	_ =	shalt  }
0x6c: {  	_ =	shalt  }
0x6d: {  	_ =	shalt  }
0x6e: {  	_ =	shalt  }
0x6f: {  	_ =	shalt  }
0x70: {  	_ =	shalt  }
0x71: {  	_ =	shalt  }
0x72: {  	_ =	shalt  }
0x73: {  	_ =	shalt  }
0x74: {  	_ =	shalt  }
0x75: {  	_ =	shalt  }
0x76: {  	_ =	shalt  }
0x77: {  	_ =	shalt  }
0x78: {  	_ =	shalt  }
0x79: {  	_ =	shalt  }
0x7a: {  	_ =	shalt  }
0x7b: {  	_ =	shalt  }
0x7c: {  	_ =	shalt  }
0x7d: {  	_ =	shalt  }
0x7e: {  	_ =	shalt  }
0x7f: {  	_ =	shalt  }
0x80: {  	_ =	shalt  }
0x81: {  	_ =	shalt  }
0x82: {  	_ =	shalt  }
0x83: {  	_ =	shalt  }
0x84: {  	_ =	shalt  }
0x85: {  	_ =	shalt  }
0x86: {  	_ =	shalt  }
0x87: {  	_ =	shalt  }
.Lfunc_end0:
.L_simem_size_0:
called_computation.3_lowered:
.L_overlay_start_0:
0x88: {  	s2 =	sld [smem:$0x3FD9]  }
0x89: {  	s3 =	sld [smem:$0x3FFE];
	_ =	sdelay $0x1  }
0x8a: {  	s1 =	srdreg.scid  }
0x8b: {  	s0 =	sand.u32 $0x1, s1  }
0x8c: {  	s17 =	sshll.u32 s0, $0xA;
	s2 =	sadd.s32 s3, s2  }
0x8d: {  	s2 =	sadd.s32 s2, s17  }
0x8e: {  	[smem:$0x3FB2] =	sst s2  }
0x8f: {  	_ = 	snop  }
0x90: {  	(tm) =	ssettm $0x1  }
0x91: {  	s18 =	sld [smem:$0x3FFB];
	_ =	sdelay $0x3  }
0x92: {  	_ =	strace s18  }
0x93: {  	s2 =	sld [smem:$0x3FFC];
	_ =	sdelay $0x3  }
0x94: {  	_ =	strace s2  }
0x95: {  	s2 =	sld [smem:$0x3FFD];
	_ =	sdelay $0x3  }
0x96: {  	_ =	strace s2  }
0x97: {  	_ =	strace $0x8FFFFFFF  }
0x98: {  	s19 =	sld [smem:$0x3FDB];
	_ =	sdelay $0x1  }
0x99: {  	s20 =	simm.s32 $_scs_section_size  }
0x9a: {  	s4 =	simm.s32 $_size__tile_overlayer_lowered;
	s5 =	simm.s32 $_tile_overlayer_lowered  }
0x9b: {  	s6 =	simm.s32 $0x1BFF;
	s21 =	sshll.u32 s5, $0x1;
	s3 =	sadd.s32 s20, s19  }
0x9c: {  	s22 =	simm.s32 $0x0;
	s4 =	sshll.u32 s4, $0x1;
	s5 =	sadd.s32 s21, s3  }
0x9d: {  	[timem:s22], [sflag:s6] =	dma.local [hbm:s5], s4  }
0x9e: {  	_ =	swait.ge [sflag:s6], s4  }
0x9f: {  	s4 =	ssub.s32 $0x0, s4;
	[sflag:s6] =	ssyncset.done $0x0  }
0xa0: {  	[sflag:s6] =	ssyncadd.s32 s4;
	_ =	sdelay $0x1  }
0xa1: {  	s23 =	simm.s32 $0x1B8B  }
0xa2: {  	_ =	swait.ge [sflag:s23], $0x1  }
0xa3: {  	[sflag:s23] =	ssyncset.done $0x0  }
0xa4: {  	[sflag:s23] =	ssyncadd.s32 $0xFFFFFFFF  }
0xa5: {  	s4 =	sld [smem:$0x0]  }
0xa6: {  	s5 =	sand.u32 $0xFFFFFFFE, s1  }
0xa7: {  	p0 =	sne.s32 s1, s5  }
0xa8: {  	s5 =	sshll.u32 @p0 s5, $0xE  }
0xa9: {  	s5 =	sadd.s32 @p0 $0x11B8D, s5;
	s6 =	sshll.u32 @p0 s4, $0x11  }
0xaa: {  	s5 =	sor.u32 @p0 s6, s5  }
0xab: {  	[sflag:s5] =	ssyncadd.remote.s32 @p0 $0x1;
	_ =	sdelay $0x1  }
0xac: {  	s5 =	simm.s32 @p0 $0x1B8D  }
0xad: {  	_ =	swait.eq @p0 [sflag:s5], $0x1  }
0xae: {  	[sflag:s5] =	ssyncadd.s32 @p0 $0xFFFFFFFF  }
0xaf: {  	s6 =	sshll.u32 @!p0 s1, $0xE  }
0xb0: {  	s6 =	sor.u32 @!p0 $0x4000, s6;
	s5 =	simm.s32 @!p0 $0x1B8D  }
0xb1: {  	s4 =	sshll.u32 @!p0 s4, $0x11;
	s6 =	sadd.s32 @!p0 $0x11B8D, s6;
	_ =	swait.eq @!p0 [sflag:s5], $0x1  }
0xb2: {  	s4 =	sor.u32 @!p0 s4, s6;
	[sflag:s5] =	ssyncadd.s32 @!p0 $0xFFFFFFFF  }
0xb3: {  	s25 =	simm.s32 $0x1B8E;
	s24 =	sld [smem:$0x3FFE];
	[sflag:s4] =	ssyncadd.remote.s32 @!p0 $0x1  }
0xb4: {  	s26 =	simm.s32 $execute0_lowered;
	[smem:$0x3FD2] =	sst s25  }
0xb5: {  	s5 =	sshll.u32 s26, $0x1;
	_ =	strace $0x8000004F;
	[dreg:$0x1] =	wrdreg $0xFFFFFFFF  }
0xb6: {  	s28 =	simm.s32 $_size_execute0_lowered;
	s3 =	sadd.s32 s3, s5;
	[dreg:$0x0] =	wrdreg $0x0  }
0xb7: {  	s5 =	sshll.u32 s28, $0x1;
	[dreg:$0x2] =	wrdreg s3  }
0xb8: {  	[dreg:$0x3] =	wrdreg s5  }
0xb9: {  	[dreg:$0x4] =	wrdreg $0xC0  }
0xba: {  	_ =	task [dreg:s22], $0x5FFFF  }
0xbb: {  	[dreg:$0x1] =	wrdreg $0xFFFFFFFF  }
0xbc: {  	[dreg:$0x0] =	wrdreg $0x60  }
0xbd: {  	[dreg:$0x2] =	wrdreg s24  }
0xbe: {  	[dreg:$0x3] =	wrdreg $0x0  }
0xbf: {  	[dreg:$0x4] =	wrdreg $0xA  }
0xc0: {  	_ =	task.clear_ibuf [dreg:s22], $0x5FFFF;
	_ =	strace $0x9000004F  }
0xc1: {  	s29 =	simm.s32 $0xA;
	_ =	strace $0x80000051  }
0xc2: {  	_ =	swait.ge [sflag:s29], $0x1  }
0xc3: {  	[sflag:s29] =	ssyncadd.s32 $0xFFFFFFFF  }
0xc4: {  	_ =	strace $0x90000051  }
0xc5: {  	_ =	sfence  }
0xc6: {  	s30 =	sld [smem:$0x0];
	_ =	sdelay $0x2  }
0xc7: {  	s31 =	sshll.u32 s1, $0xD;
	s1 =	sshrl.u32 s1, $0x2  }
0xc8: {  	s4 =	sand.u32 $0x4000, s31;
	s1 =	sadd.s32 s1, s30  }
0xc9: {  	s0 =	sor.u32 s4, s0;
	s1 =	sshll.u32 s1, $0x11  }
0xca: {  	s0 =	sor.u32 s1, s0  }
0xcb: {  	s0 =	sadd.s32 $0x8F2B, s0  }
0xcc: {  	[sflag:s0] =	ssyncadd.remote.s32 $0x1  }
0xcd: {  	_ =	sfence.sel $0xFFFF  }
0xce: {  	[dreg:$0x0] =	wrdreg $0xFFFFFFFF;
	(pc) =	sbr.abs _section_cstart, $3  }
0xcf: {  	[dreg:$0x1] =	wrdreg $0xFFFFFFFF  }
0xd0: {  	_ =	task.clear_ibuf [dreg:s22], $0x2FFFF;
	_ =	strace $0x9FFFFFFF  }
0xd1: {  	(tm) =	ssettm $0x7FFFFFFF  }
tec
execute0_lowered:
.L_overlay_start_1:
0x0: {  	(tag) =	ssettag $0x1  }
0x1: {  	s1 =	stileid.u32  }
0x2: {  	s5 =	rddreg [dreg:$0x0];
	s23 =	smul.u32 $0x2780, s1  }
0x3: {  	s2 =	rddreg [dreg:$0x1];
	s8 =	smul.u32 $0x4F000, s1  }
0x4: {  	s4 =	srdreg.scid;
	s26 =	smul.u32 $0x1F400, s1  }
0x5: {  	s3 =	simm.s32 $0x0;
	s11 =	sand.u32 $0x1, s4;
	s30 =	smul.u32 $0x4E200, s1  }
0x6: {  	[smem:$0x7FF] =	sst s3;
	s17 =	sshll.u32 s1, $0x1;
	s6 =	smul.u32 $0x27800, s11  }
0x7: {  	s13 =	sadd.s32 $0x143B000, s5;
	s7 =	sor.u32 s11, s17;
	s17 =	smul.u32 $0xFA, s1  }
0x8: {  	s4 =	sadd.s32 $0xA67600, s5;
	s21 =	sshll.u32 s1, $0x6;
	s28 =	smul.u32 $0xFA00, s11  }
0x9: {  	_ =	strace $0x80000050;
	s18 =	ssub.s32 $0x2, s11;
	s31 =	smul.u32 $0x27100, s11  }
0xa: {  	s9 =	smul.u32 $0x7D, s7;
	s10 =	sadd.s32 s23, s5;
	s19 =	sshrl.u32 s18, $0x1  }
0xb: {  	s8 =	sshrl.u32 s8, $0x2;
	s16 =	smul.u32 $0x138800, s7;
	s12 =	sadd.s32 s6, s5  }
0xc: {  	s14 =	ssub.s32 s18, s19;
	s15 =	sadd.s32 s8, s2;
	s5 =	sadd.s32 $0xAED800, s10  }
0xd: {  	s6 =	sor.u32 $0x1C02, s21;
	s18 =	smul.u32 $0x7D, s11;
	s29 =	sadd.s32 s28, s26  }
0xe: {  	s19 =	simm.s32 $0x5780;
	s21 =	simm.s32 $0xA780;
	s9 =	sadd.s32 $0x7C, s9  }
0xf: {  	s25 =	sshrl.u32 s16, $0x3;
	s10 =	smax.u32 s14, $0x1;
	s14 =	sshrl.u32 s15, $0x3  }
0x10: {  	s15 =	simm.s32 $0x2;
	s16 =	simm.s32 $0x2780;
	s20 =	sand.u32 $0x1FF8, s9  }
0x11: {  	s8 =	sadd.s32 s13, s25;
	s11 =	sadd.s32 s18, s17;
	s13 =	sadd.s32 s30, s13  }
0x12: {  	s17 =	simm.s32 $0x2F80;
	s18 =	simm.s32 $0x50;
	s22 =	smin.u32 s20, $0xF90  }
0x13: {  	s8 =	sadd.s32 $0x26C00, s8;
	s13 =	sadd.s32 s31, s13;
	s24 =	sshll.u32 s22, $0x4  }
0x14: {  	s20 =	simm.s32 $0x7F80;
	s9 =	ssub.s32 s9, s22;
	s7 =	sadd.s32 s4, s24  }
0x15: {  	s9 =	sshll.u32 s9, $0x9;
	s24 =	sadd.s32 $0xB15000, s12;
	s12 =	sshrl.u32 s29, $0x2  }
0x16: {  	s22 =	simm.s32 $0x1;
	s9 =	sshra.s32 s9, $0x2;
	s12 =	sadd.s32 $0x2780, s12  }
0x17: {  	s23 =	sadd.s32 s23, s24;
	s24 =	simm.s32 $0x0;
	s9 =	sadd.s32 $0x2780, s9  }
.LBB2_1:
0x18: {  	[spmem:s14], [sflag:s6] =	dma.local [hbm:s5], $0x2780  }
0x19: {  	s25 =	sand.u32 $0x1FF8, s11;
	_ =	swait.ge [sflag:s15], $0x2780  }
0x1a: {  	s25 =	smin.u32 s25, $0xF90;
	[sflag:s15] =	ssyncset.done $0x0  }
0x1b: {  	s25 =	sshll.u32 s25, $0x4;
	[sflag:s15] =	ssyncadd.s32 $0xFFFFD880  }
0x1c: {  	s26 =	sand.u32 $0xFFFFFFF8, s11;
	s25 =	sadd.s32 s4, s25;
	[bflag:$0x0] =	sbarrier.arrive $0xFFFF  }
0x1d: {  	[tilespmem:s16], [sflag:$0x2] =	stream.linear.gather [hbm4b:s25+s3], $0x800, $0x38;
	[tilespmem:$0xCF80] =	vst v63  }
0x1e: {  	s31 =	smin.u32 s26, $0xF90;
	_ =	swait.ge [sflag:s15], $0x800  }
0x1f: {  	s25 =	sshll.u32 s31, $0x9;
	[sflag:s15] =	ssyncset.done $0x0  }
0x20: {  	s25 =	ssub.s32 $0x0, s25;
	[sflag:s15] =	ssyncadd.s32 $0xFFFFF800  }
0x21: {  	[tilespmem:s17], [sflag:$0x2] =	stream.linear.gather [hbm4b:s13+s3], $0xA000, $0x38;
	[tilespmem:$0xCF80] =	vst v63  }
0x22: {  	s25 =	sshra.s32 s25, $0x2;
	_ =	swait.ge [sflag:s15], $0xA000  }
0x23: {  	s25 =	sadd.s32 s25, s12;
	[sflag:s15] =	ssyncset.done $0x0  }
0x24: {  	s25 =	sadd.s32 $0x0, s25;
	[sflag:s15] =	ssyncadd.s32 $0xFFFF6000  }
0x25: {  	[spmem:s2] =	stream.indirect.scatter.add.f32 [tilespmem:s17], [sflag:$0x1], $0x10, s25, s18, $0xb8;
	[tilespmem:$0xCF80] =	vst v63  }
0x26: {  	s0 =	sadd.s32 $0x80, s25  }
0x27: {  	[spmem:s2] =	stream.indirect.scatter.add.f32 [tilespmem:s19], [sflag:$0x1], $0x10, s0, s18, $0xb8;
	[tilespmem:$0xCF80] =	vst v63  }
0x28: {  	s31 =	sadd.s32 $0x100, s25  }
0x29: {  	[spmem:s2] =	stream.indirect.scatter.add.f32 [tilespmem:s20], [sflag:$0x1], $0x10, s31, s18, $0xb8;
	[tilespmem:$0xCF80] =	vst v63  }
0x2a: {  	s25 =	sadd.s32 $0x180, s25  }
0x2b: {  	[spmem:s2] =	stream.indirect.scatter.add.f32 [tilespmem:s21], [sflag:$0x1], $0x10, s25, s18, $0xb8;
	[tilespmem:$0xCF80] =	vst v63  }
0x2c: {  	_ =	swait.ge [sflag:s22], $0x500  }
0x2d: {  	[sflag:s22] =	ssyncset.done $0x0  }
0x2e: {  	[sflag:s22] =	ssyncadd.s32 $0xFFFFFB00  }
0x2f: {  	_ =	swait.ge [sflag:s22], $0x500  }
0x30: {  	[sflag:s22] =	ssyncset.done $0x0  }
0x31: {  	s26 =	sadd.s32 $0x4, s11;
	[sflag:s22] =	ssyncadd.s32 $0xFFFFFB00  }
0x32: {  	s28 =	sand.u32 $0x1FF8, s26;
	_ =	swait.ge [sflag:s22], $0x500  }
0x33: {  	s28 =	smin.u32 s28, $0xF90;
	[sflag:s22] =	ssyncset.done $0x0  }
0x34: {  	s29 =	simm.s32 $0x1000;
	s30 =	sshll.u32 s28, $0x4;
	[sflag:s22] =	ssyncadd.s32 $0xFFFFFB00  }
0x35: {  	s28 =	smov.u32 s13;
	s25 =	simm.s32 $0x800;
	_ =	swait.ge [sflag:s22], $0x500  }
.LBB2_2:
0x36: {  	s30 =	sadd.s32 s4, s30  }
0x37: {  	[sflag:s22] =	ssyncset.done $0x0;
	s28 =	sadd.s32 $0x1400, s28;
	s31 =	smov.u32 s29  }
0x38: {  	p0 =	sne.s32 s29, $0xF000;
	s0 =	sand.u32 $0xFFFFFFF8, s26;
	[sflag:s22] =	ssyncadd.s32 $0xFFFFFB00  }
0x39: {  	[tilespmem:s16], [sflag:$0x2] =	stream.linear.gather [hbm4b:s30+s3], $0x800, $0x38;
	[tilespmem:$0xCF80] =	vst v63  }
0x3a: {  	s29 =	sadd.s32 $0x800, s29;
	s0 =	smin.u32 s0, $0xF90;
	_ =	swait.ge [sflag:s15], $0x800  }
0x3b: {  	s0 =	sshll.u32 s0, $0x9;
	[sflag:s15] =	ssyncset.done $0x0  }
0x3c: {  	s0 =	ssub.s32 $0x0, s0;
	[sflag:s15] =	ssyncadd.s32 $0xFFFFF800  }
0x3d: {  	[tilespmem:s17], [sflag:$0x2] =	stream.linear.gather [hbm4b:s28+s3], $0xA000, $0x38;
	[tilespmem:$0xCF80] =	vst v63  }
0x3e: {  	s30 =	sshra.s32 s25, $0x2;
	s0 =	sshra.s32 s0, $0x2;
	_ =	swait.ge [sflag:s15], $0xA000  }
0x3f: {  	s25 =	smov.u32 s31;
	s0 =	sadd.s32 s0, s12;
	[sflag:s15] =	ssyncset.done $0x0  }
0x40: {  	s0 =	sadd.s32 s30, s0;
	[sflag:s15] =	ssyncadd.s32 $0xFFFF6000  }
0x41: {  	[spmem:s2] =	stream.indirect.scatter.add.f32 [tilespmem:s17], [sflag:$0x1], $0x10, s0, s18, $0xb8;
	[tilespmem:$0xCF80] =	vst v63  }
0x42: {  	s30 =	sadd.s32 $0x80, s0;
	s31 =	sadd.s32 $0x100, s0  }
0x43: {  	[spmem:s2] =	stream.indirect.scatter.add.f32 [tilespmem:s19], [sflag:$0x1], $0x10, s30, s18, $0xb8;
	[tilespmem:$0xCF80] =	vst v63  }
0x44: {  	s0 =	sadd.s32 $0x180, s0  }
0x45: {  	[spmem:s2] =	stream.indirect.scatter.add.f32 [tilespmem:s20], [sflag:$0x1], $0x10, s31, s18, $0xb8;
	[tilespmem:$0xCF80] =	vst v63  }
0x46: {  	_ = 	snop  }
0x47: {  	[spmem:s2] =	stream.indirect.scatter.add.f32 [tilespmem:s21], [sflag:$0x1], $0x10, s0, s18, $0xb8;
	[tilespmem:$0xCF80] =	vst v63  }
0x48: {  	_ =	swait.ge [sflag:s22], $0x500  }
0x49: {  	[sflag:s22] =	ssyncset.done $0x0  }
0x4a: {  	[sflag:s22] =	ssyncadd.s32 $0xFFFFFB00  }
0x4b: {  	_ =	swait.ge [sflag:s22], $0x500  }
0x4c: {  	[sflag:s22] =	ssyncset.done $0x0  }
.Ltmp0:
0x4d: {  	[sflag:s22] =	ssyncadd.s32 $0xFFFFFB00;
	(pc) =	sbr.rel @p0 .LBB2_2-.Ltmp0, $4  }
0x4e: {  	s26 =	sadd.s32 $0x4, s26;
	_ =	swait.ge [sflag:s22], $0x500  }
0x4f: {  	s0 =	sand.u32 $0x1FF8, s26;
	[sflag:s22] =	ssyncset.done $0x0  }
0x50: {  	s0 =	smin.u32 s0, $0xF90;
	[sflag:s22] =	ssyncadd.s32 $0xFFFFFB00  }
0x51: {  	s30 =	sshll.u32 s0, $0x4;
	_ =	swait.ge [sflag:s22], $0x500  }
0x52: {  	[sflag:s22] =	ssyncset.done $0x0  }
0x53: {  	s0 =	sadd.s32 s4, s30;
	s26 =	sand.u32 $0xFFFFFFF8, s26;
	[sflag:s22] =	ssyncadd.s32 $0xFFFFFB00  }
0x54: {  	[tilespmem:s16], [sflag:$0x2] =	stream.linear.gather [hbm4b:s0+s3], $0x800, $0x38;
	[tilespmem:$0xCF80] =	vst v63  }
0x55: {  	s29 =	smin.u32 s26, $0xF90;
	_ =	swait.ge [sflag:s15], $0x800  }
0x56: {  	s0 =	sshll.u32 s29, $0x9;
	[sflag:s15] =	ssyncset.done $0x0  }
0x57: {  	s30 =	sadd.s32 $0x1400, s28;
	s0 =	ssub.s32 $0x0, s0;
	[sflag:s15] =	ssyncadd.s32 $0xFFFFF800  }
0x58: {  	[tilespmem:s17], [sflag:$0x2] =	stream.linear.gather [hbm4b:s30+s3], $0xA000, $0x38;
	[tilespmem:$0xCF80] =	vst v63  }
0x59: {  	s0 =	sshra.s32 s0, $0x2;
	_ =	swait.ge [sflag:s15], $0xA000  }
0x5a: {  	s25 =	sshra.s32 s25, $0x2;
	s0 =	sadd.s32 s0, s12;
	[sflag:s15] =	ssyncset.done $0x0  }
0x5b: {  	s0 =	sadd.s32 s25, s0;
	[sflag:s15] =	ssyncadd.s32 $0xFFFF6000  }
0x5c: {  	[spmem:s2] =	stream.indirect.scatter.add.f32 [tilespmem:s17], [sflag:$0x1], $0x10, s0, s18, $0xb8;
	[tilespmem:$0xCF80] =	vst v63  }
0x5d: {  	s25 =	sadd.s32 $0x80, s0  }
0x5e: {  	[spmem:s2] =	stream.indirect.scatter.add.f32 [tilespmem:s19], [sflag:$0x1], $0x10, s25, s18, $0xb8;
	[tilespmem:$0xCF80] =	vst v63  }
0x5f: {  	s31 =	sadd.s32 $0x100, s0  }
0x60: {  	[spmem:s2] =	stream.indirect.scatter.add.f32 [tilespmem:s20], [sflag:$0x1], $0x10, s31, s18, $0xb8;
	[tilespmem:$0xCF80] =	vst v63  }
0x61: {  	s0 =	sadd.s32 $0x180, s0  }
0x62: {  	[spmem:s2] =	stream.indirect.scatter.add.f32 [tilespmem:s21], [sflag:$0x1], $0x10, s0, s18, $0xb8;
	[tilespmem:$0xCF80] =	vst v63  }
0x63: {  	_ =	swait.ge [sflag:s22], $0x500  }
0x64: {  	[sflag:s22] =	ssyncset.done $0x0  }
0x65: {  	[sflag:s22] =	ssyncadd.s32 $0xFFFFFB00  }
0x66: {  	_ =	swait.ge [sflag:s22], $0x500  }
0x67: {  	[sflag:s22] =	ssyncset.done $0x0  }
0x68: {  	[sflag:s22] =	ssyncadd.s32 $0xFFFFFB00  }
0x69: {  	_ =	swait.ge [sflag:s22], $0x500  }
0x6a: {  	[sflag:s22] =	ssyncset.done $0x0  }
0x6b: {  	[sflag:s22] =	ssyncadd.s32 $0xFFFFFB00  }
0x6c: {  	_ =	swait.ge [sflag:s22], $0x500  }
0x6d: {  	[sflag:s22] =	ssyncset.done $0x0  }
0x6e: {  	[sflag:s22] =	ssyncadd.s32 $0xFFFFFB00  }
0x6f: {  	[tilespmem:s16], [sflag:$0x2] =	stream.linear.gather [hbm4b:s7+s3], $0x800, $0x38;
	[tilespmem:$0xCF80] =	vst v63  }
0x70: {  	_ =	swait.ge [sflag:s15], $0x800  }
0x71: {  	[sflag:s15] =	ssyncset.done $0x0  }
0x72: {  	[sflag:s15] =	ssyncadd.s32 $0xFFFFF800  }
0x73: {  	[tilespmem:s17], [sflag:$0x2] =	stream.linear.gather [hbm4b:s8+s3], $0x2800, $0x38;
	[tilespmem:$0xCF80] =	vst v63  }
0x74: {  	_ =	swait.ge [sflag:s15], $0x2800  }
0x75: {  	[sflag:s15] =	ssyncset.done $0x0  }
0x76: {  	[sflag:s15] =	ssyncadd.s32 $0xFFFFD800  }
0x77: {  	[spmem:s2] =	stream.indirect.scatter.add.f32 [tilespmem:s17], [sflag:$0x1], $0x10, s9, s18, $0xb8;
	[tilespmem:$0xCF80] =	vst v63  }
0x78: {  	_ =	swait.ge [sflag:s22], $0x500  }
0x79: {  	s24 =	sadd.s32 $0x1, s24;
	[sflag:s22] =	ssyncset.done $0x0  }
0x7a: {  	p0 =	sne.s32 s24, s10;
	[sflag:s22] =	ssyncadd.s32 $0xFFFFFB00  }
.Ltmp1:
0x7b: {  	[bflag:$0x0] =	sbarrier.arrive $0xFFFF;
	(pc) =	sbr.rel @p0 .LBB2_1-.Ltmp1, $4  }
0x7c: {  	[hbm:s23], [sflag:s6] =	dma.local [spmem:s14], $0x2780  }
0x7d: {  	_ =	swait.ge [sflag:s15], $0x2780  }
0x7e: {  	[sflag:s15] =	ssyncset.done $0x0  }
0x7f: {  	[sflag:s15] =	ssyncadd.s32 $0xFFFFD880  }
0x80: {  	_ =	sfence.sel $0x180000  }
0x81: {  	[bflag:$0x0] =	sbarrier.arrive $0xFFFF  }
0x82: {  	_ =	strace $0x90000050  }
0x83: {  	[bflag:$0x2] =	sbarrier.arrive $0xFFFF  }
0x84: {  	p0 =	sne.s32 s1, $0x0;
	s0 =	rddreg [dreg:$0x2]  }
0x85: {  	s0 =	sadd.s32 @!p0 $0x100000, s0  }
0x86: {  	[sflag:s0] =	ssyncadd.tile.s32 @!p0 $0x1;
	_ =	shalt  }
.Lfunc_end2:
_tile_overlayer_lowered:
.L_overlay_start_2:
0x87: {  	(tag) =	ssettag $0x2  }
0x88: {  	s0 =	rddreg [dreg:$0x0];
	s2 =	stileid.u32  }
0x89: {  	s1 =	rddreg [dreg:$0x1];
	p0 =	sne.s32 s2, $0x0  }
0x8a: {  	s3 =	rddreg [dreg:$0x2];
	[bflag:$0x3] =	sbarrier.arrive $0xFFFF;
	s2 =	simm.s32 @!p0 $0x1C02  }
0x8b: {  	[timem:s3], [sflag:s2] =	dma.local @!p0 [hbm:s0], s1  }
0x8c: {  	s0 =	simm.s32 @!p0 $0x2  }
0x8d: {  	_ =	swait.ge @!p0 [sflag:s0], s1  }
0x8e: {  	s1 =	ssub.s32 @!p0 $0x0, s1;
	[sflag:s0] =	ssyncset.done @!p0 $0x0  }
0x8f: {  	[sflag:s0] =	ssyncadd.s32 @!p0 s1  }
0x90: {  	[bflag:$0x3] =	sbarrier.arrive $0xFFFF  }
0x91: {  	_ =	shalt  }

// kernel: kernel.8.cloned.1.call-start
scs
__scs_entry_jumppad:
0x0: {  	(pc) =	sbr.rel $0x88, $3  }
0x1: {  	(tag) =	ssettag $0x0;
	lr =	simm.s32 $0x1  }
0x2: {  	[smem:$0x3F8B] =	sst lr;
	_ =	strace $0xD0000000  }
0x3: {  	_ = 	snop  }
0x4: {  	_ = 	snop  }
0x5: {  	_ = 	snop  }
0x6: {  	_ = 	snop  }
0x7: {  	_ = 	snop  }
__scs_overlays_trampoline_lowered:
0x8: {  	[smem:$0x3F9A] =	sst s0  }
0x9: {  	[smem:$0x3F9B] =	sst s1  }
0xa: {  	[smem:$0x3F9C] =	sst s2  }
0xb: {  	[smem:$0x3F9D] =	sst s3  }
0xc: {  	[smem:$0x3F9E] =	sst s4  }
0xd: {  	[smem:$0x3F9F] =	sst s5  }
0xe: {  	[smem:$0x3FA0] =	sst s6  }
0xf: {  	[smem:$0x3FA1] =	sst s7  }
0x10: {  	[smem:$0x3FA2] =	sst s8  }
0x11: {  	[smem:$0x3FA3] =	sst s9;
	s0 =	simm.s32 @!p0 $0x0  }
0x12: {  	s1 =	sld [smem:$0x3F89];
	s0 =	simm.s32 @p0 $0x1  }
0x13: {  	[smem:$0x3FA4] =	sst s0;
	s0 =	simm.s32 @!p1 $0x0  }
0x14: {  	s2 =	sld [smem:$0x3F88];
	s0 =	simm.s32 @p1 $0x1  }
0x15: {  	[smem:$0x3FA5] =	sst s0;
	s0 =	simm.s32 @!p2 $0x0  }
0x16: {  	s3 =	sld [smem:$0x3FDB];
	s0 =	simm.s32 @p2 $0x1  }
0x17: {  	s4 =	simm.s32 $0x1BF5;
	[smem:$0x3FA7] =	sst s0  }
0x18: {  	s0 =	sld [smem:$0x3F8A];
	_ =	swait.ge [sflag:s4], $0x0  }
0x19: {  	s7 =	sld [smem:$0x3F8B]  }
0x1a: {  	s8 =	sadd.s32 $0xFFFFE003, lr  }
0x1b: {  	s9 =	sadd.s32 $0xFFFFFEF7, lr;
	s5 =	simm.s32 $0xFFFFFFFF;
	p2 =	slt.u32 s8, $0xFFFFF086  }
0x1c: {  	p1 =	slt.u32 s9, $0xF7A;
	s5 =	simm.s32 @!p2 $0x0  }
0x1d: {  	s5 =	simm.s32 @p1 $0x1;
	p0 =	seq.s32 s7, s2  }
0x1e: {  	s7 =	smul.u32 @!p0 $0xF7A, s2;
	p2 =	seq.s32 @!p0 s5, $0x0  }
0x1f: {  	s9 =	smul.u32 $0xF7A, s1;
	s8 =	simm.s32 @!p0 $0x1BF5;
	p2 =	por !p2, p0  }
0x20: {  	[sflag:s8] =	ssyncset.s32 @!p0 $0xFFFFF086;
	s6 =	sadd.s32 @!p0 s3, s7;
	s7 =	simm.s32 @!p0 $0x108  }
0x21: {  	s3 =	sadd.s32 s3, s9;
	s6 =	sadd.s32 @!p0 $0x88, s6;
	s7 =	simm.s32 @p2 $0x1082  }
0x22: {  	[simem:s7], [sflag:s8] =	dma.local @!p0 [hbm:s6], $0xF7A  }
0x23: {  	s9 =	sor.u32 $0xD0000000, s2;
	s6 =	simm.s32 $0x108;
	_ =	swait.ge @!p0 [sflag:s8], $0x0  }
0x24: {  	s3 =	sadd.s32 $0x88, s3;
	s6 =	simm.s32 @!p1 $0x1082;
	[sflag:s4] =	ssyncset.s32 $0xFFFFF086  }
0x25: {  	[simem:s6], [sflag:s4] =	dma.local [hbm:s3], $0xF7A  }
0x26: {  	[smem:$0x3F8B] =	sst s1;
	(tag) =	ssettag s2;
	_ =	strace s9  }
0x27: {  	s1 =	sld [smem:$0x3F9B]  }
0x28: {  	s2 =	sld [smem:$0x3F9C]  }
0x29: {  	s4 =	sld [smem:$0x3F9E]  }
0x2a: {  	p0 =	seq.s32 s5, $0x0;
	s5 =	sld [smem:$0x3F9F]  }
0x2b: {  	s6 =	sld [smem:$0x3FA0]  }
0x2c: {  	s7 =	sld [smem:$0x3FA1]  }
0x2d: {  	s3 =	simm.s32 $0x108;
	s8 =	sld [smem:$0x3FA2]  }
0x2e: {  	s3 =	simm.s32 @!p0 $0x1082;
	s9 =	sld [smem:$0x3FA3]  }
0x2f: {  	lr =	sadd.s32 s0, s3;
	s0 =	sld [smem:$0x3F9A]  }
0x30: {  	s3 =	sld [smem:$0x3F9D]  }
0x31: {  	[smem:$0x3FA6] =	sst s10  }
0x32: {  	s10 =	sld [smem:$0x3FA4];
	_ =	sdelay $0x3  }
0x33: {  	p0 =	seq.s32 s10, $0x1;
	s10 =	sld [smem:$0x3FA6];
	_ =	sdelay $0x3  }
0x34: {  	[smem:$0x3FA6] =	sst s10  }
0x35: {  	s10 =	sld [smem:$0x3FA5];
	_ =	sdelay $0x3  }
0x36: {  	p1 =	seq.s32 s10, $0x1;
	s10 =	sld [smem:$0x3FA6];
	_ =	sdelay $0x3  }
0x37: {  	[smem:$0x3FA6] =	sst s10  }
0x38: {  	s10 =	sld [smem:$0x3FA7]  }
0x39: {  	_ = 	snop;
	(pc) =	sbr.ind lr, $3  }
0x3a: {  	_ = 	snop  }
0x3b: {  	_ = 	snop  }
0x3c: {  	p2 =	seq.s32 s10, $0x1;
	s10 =	sld [smem:$0x3FA6]  }
0x3d: {  	_ =	shalt  }
0x3e: {  	_ =	shalt  }
0x3f: {  	_ =	shalt  }
0x40: {  	_ =	shalt  }
0x41: {  	_ =	shalt  }
0x42: {  	_ =	shalt  }
0x43: {  	_ =	shalt  }
0x44: {  	_ =	shalt  }
0x45: {  	_ =	shalt  }
0x46: {  	_ =	shalt  }
0x47: {  	_ =	shalt  }
0x48: {  	_ =	shalt  }
0x49: {  	_ =	shalt  }
0x4a: {  	_ =	shalt  }
0x4b: {  	_ =	shalt  }
0x4c: {  	_ =	shalt  }
0x4d: {  	_ =	shalt  }
0x4e: {  	_ =	shalt  }
0x4f: {  	_ =	shalt  }
0x50: {  	_ =	shalt  }
0x51: {  	_ =	shalt  }
0x52: {  	_ =	shalt  }
0x53: {  	_ =	shalt  }
0x54: {  	_ =	shalt  }
0x55: {  	_ =	shalt  }
0x56: {  	_ =	shalt  }
0x57: {  	_ =	shalt  }
0x58: {  	_ =	shalt  }
0x59: {  	_ =	shalt  }
0x5a: {  	_ =	shalt  }
0x5b: {  	_ =	shalt  }
0x5c: {  	_ =	shalt  }
0x5d: {  	_ =	shalt  }
0x5e: {  	_ =	shalt  }
0x5f: {  	_ =	shalt  }
0x60: {  	_ =	shalt  }
0x61: {  	_ =	shalt  }
0x62: {  	_ =	shalt  }
0x63: {  	_ =	shalt  }
0x64: {  	_ =	shalt  }
0x65: {  	_ =	shalt  }
0x66: {  	_ =	shalt  }
0x67: {  	_ =	shalt  }
0x68: {  	_ =	shalt  }
0x69: {  	_ =	shalt  }
0x6a: {  	_ =	shalt  }
0x6b: {  	_ =	shalt  }
0x6c: {  	_ =	shalt  }
0x6d: {  	_ =	shalt  }
0x6e: {  	_ =	shalt  }
0x6f: {  	_ =	shalt  }
0x70: {  	_ =	shalt  }
0x71: {  	_ =	shalt  }
0x72: {  	_ =	shalt  }
0x73: {  	_ =	shalt  }
0x74: {  	_ =	shalt  }
0x75: {  	_ =	shalt  }
0x76: {  	_ =	shalt  }
0x77: {  	_ =	shalt  }
0x78: {  	_ =	shalt  }
0x79: {  	_ =	shalt  }
0x7a: {  	_ =	shalt  }
0x7b: {  	_ =	shalt  }
0x7c: {  	_ =	shalt  }
0x7d: {  	_ =	shalt  }
0x7e: {  	_ =	shalt  }
0x7f: {  	_ =	shalt  }
0x80: {  	_ =	shalt  }
0x81: {  	_ =	shalt  }
0x82: {  	_ =	shalt  }
0x83: {  	_ =	shalt  }
0x84: {  	_ =	shalt  }
0x85: {  	_ =	shalt  }
0x86: {  	_ =	shalt  }
0x87: {  	_ =	shalt  }
.Lfunc_end0:
.L_simem_size_0:
called_computation_lowered:
.L_overlay_start_0:
0x88: {  	s2 =	sld [smem:$0x3FD9]  }
0x89: {  	s3 =	sld [smem:$0x3FFE];
	_ =	sdelay $0x1  }
0x8a: {  	s1 =	srdreg.scid  }
0x8b: {  	s0 =	sand.u32 $0x1, s1  }
0x8c: {  	s17 =	sshll.u32 s0, $0xA;
	s2 =	sadd.s32 s3, s2  }
0x8d: {  	s2 =	sadd.s32 s2, s17  }
0x8e: {  	[smem:$0x3FB2] =	sst s2  }
0x8f: {  	_ = 	snop  }
0x90: {  	s18 =	sld [smem:$0x3FC8]  }
0x91: {  	s4 =	sld [smem:$0x3FC7]  }
0x92: {  	s5 =	sld [smem:$0x3FC6];
	(tm) =	ssettm $0x1  }
0x93: {  	s19 =	sld [smem:$0x3FFB];
	_ =	sdelay $0x3  }
0x94: {  	_ =	strace s19  }
0x95: {  	s2 =	sld [smem:$0x3FFC];
	_ =	sdelay $0x3  }
0x96: {  	_ =	strace s2  }
0x97: {  	s2 =	sld [smem:$0x3FFD];
	_ =	sdelay $0x3  }
0x98: {  	_ =	strace s2  }
0x99: {  	_ =	strace $0x8FFFFFFF  }
0x9a: {  	s20 =	sld [smem:$0x3FDB];
	_ =	sdelay $0x1  }
0x9b: {  	s6 =	simm.s32 $_scs_section_size  }
0x9c: {  	s7 =	simm.s32 $_size__tile_overlayer_lowered;
	s8 =	simm.s32 $_tile_overlayer_lowered  }
0x9d: {  	s9 =	simm.s32 $0x1BFF;
	s21 =	sshll.u32 s8, $0x1;
	s6 =	sadd.s32 s6, s20  }
0x9e: {  	s22 =	simm.s32 $0x0;
	s7 =	sshll.u32 s7, $0x1;
	s8 =	sadd.s32 s21, s6  }
0x9f: {  	[timem:s22], [sflag:s9] =	dma.local [hbm:s8], s7  }
0xa0: {  	_ =	swait.ge [sflag:s9], s7  }
0xa1: {  	s7 =	ssub.s32 $0x0, s7;
	[sflag:s9] =	ssyncset.done $0x0  }
0xa2: {  	[sflag:s9] =	ssyncadd.s32 s7;
	_ =	sdelay $0x1  }
0xa3: {  	s23 =	simm.s32 $0x1B8B  }
0xa4: {  	_ =	swait.ge [sflag:s23], $0x1  }
0xa5: {  	[sflag:s23] =	ssyncset.done $0x0  }
0xa6: {  	[sflag:s23] =	ssyncadd.s32 $0xFFFFFFFF  }
0xa7: {  	s7 =	sld [smem:$0x0]  }
0xa8: {  	s8 =	sand.u32 $0xFFFFFFFE, s1  }
0xa9: {  	p0 =	sne.s32 s1, s8  }
0xaa: {  	s8 =	sshll.u32 @p0 s8, $0xE  }
0xab: {  	s8 =	sadd.s32 @p0 $0x11B8D, s8;
	s9 =	sshll.u32 @p0 s7, $0x11  }
0xac: {  	s8 =	sor.u32 @p0 s9, s8  }
0xad: {  	[sflag:s8] =	ssyncadd.remote.s32 @p0 $0x1;
	_ =	sdelay $0x1  }
0xae: {  	s8 =	simm.s32 @p0 $0x1B8D  }
0xaf: {  	_ =	swait.eq @p0 [sflag:s8], $0x1  }
0xb0: {  	[sflag:s8] =	ssyncadd.s32 @p0 $0xFFFFFFFF  }
0xb1: {  	s9 =	sshll.u32 @!p0 s1, $0xE  }
0xb2: {  	s9 =	sor.u32 @!p0 $0x4000, s9;
	s8 =	simm.s32 @!p0 $0x1B8D  }
0xb3: {  	s7 =	sshll.u32 @!p0 s7, $0x11;
	s9 =	sadd.s32 @!p0 $0x11B8D, s9;
	_ =	swait.eq @!p0 [sflag:s8], $0x1  }
0xb4: {  	s7 =	sor.u32 @!p0 s7, s9;
	[sflag:s8] =	ssyncadd.s32 @!p0 $0xFFFFFFFF  }
0xb5: {  	s25 =	simm.s32 $0x1B8E;
	s24 =	sld [smem:$0x3FFE];
	[sflag:s7] =	ssyncadd.remote.s32 @!p0 $0x1  }
0xb6: {  	s26 =	simm.s32 $execute0_lowered;
	[smem:$0x3FD2] =	sst s25  }
0xb7: {  	s8 =	sshll.u32 s26, $0x1;
	_ =	strace $0x80000049;
	[dreg:$0x1] =	wrdreg $0xFFFFFFFF  }
0xb8: {  	s28 =	simm.s32 $_size_execute0_lowered;
	s6 =	sadd.s32 s6, s8;
	[dreg:$0x0] =	wrdreg $0x0  }
0xb9: {  	s8 =	sshll.u32 s28, $0x1;
	[dreg:$0x2] =	wrdreg s6  }
0xba: {  	[dreg:$0x3] =	wrdreg s8  }
0xbb: {  	[dreg:$0x4] =	wrdreg $0xC0  }
0xbc: {  	_ =	task [dreg:s22], $0x5FFFF  }
0xbd: {  	[dreg:$0x1] =	wrdreg $0xFFFFFFFF  }
0xbe: {  	[dreg:$0x0] =	wrdreg $0x60  }
0xbf: {  	[dreg:$0x2] =	wrdreg s18  }
0xc0: {  	[dreg:$0x3] =	wrdreg s4  }
0xc1: {  	[dreg:$0x4] =	wrdreg s5  }
0xc2: {  	[dreg:$0x5] =	wrdreg s24  }
0xc3: {  	[dreg:$0x6] =	wrdreg $0x9  }
0xc4: {  	_ =	task.clear_ibuf [dreg:s22], $0x7FFFF;
	_ =	strace $0x90000049  }
0xc5: {  	s29 =	simm.s32 $0x9;
	_ =	strace $0x8000004B  }
0xc6: {  	_ =	swait.ge [sflag:s29], $0x1  }
0xc7: {  	[sflag:s29] =	ssyncadd.s32 $0xFFFFFFFF  }
0xc8: {  	_ =	strace $0x9000004B  }
0xc9: {  	_ =	sfence  }
0xca: {  	s30 =	sld [smem:$0x0];
	_ =	sdelay $0x2  }
0xcb: {  	s31 =	sshll.u32 s1, $0xD;
	s1 =	sshrl.u32 s1, $0x2  }
0xcc: {  	s4 =	sand.u32 $0x4000, s31;
	s1 =	sadd.s32 s1, s30  }
0xcd: {  	s0 =	sor.u32 s4, s0;
	s1 =	sshll.u32 s1, $0x11  }
0xce: {  	s0 =	sor.u32 s1, s0  }
0xcf: {  	s0 =	sadd.s32 $0x8F2B, s0  }
0xd0: {  	[sflag:s0] =	ssyncadd.remote.s32 $0x1  }
0xd1: {  	_ =	sfence.sel $0xFFFF  }
0xd2: {  	[dreg:$0x0] =	wrdreg $0xFFFFFFFF;
	(pc) =	sbr.abs _section_cstart, $3  }
0xd3: {  	[dreg:$0x1] =	wrdreg $0xFFFFFFFF  }
0xd4: {  	_ =	task.clear_ibuf [dreg:s22], $0x2FFFF;
	_ =	strace $0x9FFFFFFF  }
0xd5: {  	(tm) =	ssettm $0x7FFFFFFF  }
tec
execute0_lowered:
.L_overlay_start_1:
0x0: {  	(tag) =	ssettag $0x1  }
0x1: {  	s1 =	rddreg [dreg:$0x0]  }
0x2: {  	s0 =	rddreg [dreg:$0x1]  }
0x3: {  	s2 =	rddreg [dreg:$0x2]  }
0x4: {  	s4 =	rddreg [dreg:$0x3]  }
0x5: {  	s8 =	stileid.u32;
	s5 =	srdreg.scid;
	s3 =	simm.s32 $0x0  }
0x6: {  	s11 =	simm.s32 $0xCC00;
	s12 =	simm.s32 $0x2C00;
	s13 =	simm.s32 $0x250  }
0x7: {  	s14 =	simm.s32 $0xF400;
	s15 =	simm.s32 $0xA0;
	s16 =	simm.s32 $0x5400  }
0x8: {  	s17 =	simm.s32 $0x2A0;
	s18 =	simm.s32 $0x11C00;
	s19 =	simm.s32 $0xF0  }
0x9: {  	s20 =	simm.s32 $0x7C00;
	s21 =	simm.s32 $0x2F0;
	s22 =	simm.s32 $0x14400  }
0xa: {  	s23 =	simm.s32 $0x140;
	s24 =	simm.s32 $0xA400;
	s25 =	simm.s32 $0x340  }
0xb: {  	s26 =	simm.s32 $0x16C00;
	s28 =	simm.s32 $0x1;
	s6 =	smul.u32 $0x4E20, s8  }
0xc: {  	s29 =	simm.s32 $0x0;
	s5 =	sand.u32 $0x1, s5;
	s8 =	smul.u32 $0x4E200, s8  }
0xd: {  	[smem:$0x7FF] =	sst s3;
	s7 =	smul.u32 $0x2710, s5;
	s9 =	ssub.s32 $0x2, s5  }
0xe: {  	_ =	strace $0x8000004A;
	s5 =	smul.u32 $0x27100, s5;
	s10 =	sshrl.u32 s9, $0x1  }
0xf: {  	s4 =	sadd.s32 s8, s4;
	s8 =	simm.s32 $0x200;
	s31 =	ssub.s32 s9, s10  }
0x10: {  	s6 =	sadd.s32 s7, s6;
	s4 =	sadd.s32 s5, s4;
	s7 =	smax.u32 s31, $0x1  }
0x11: {  	s6 =	sshrl.u32 s6, $0x3;
	s5 =	sadd.s32 $0xA3600, s4;
	[dreg:$0x7] =	wrdreg s7  }
0x12: {  	s9 =	simm.s32 $0x50;
	s2 =	sadd.s32 s6, s2;
	[dreg:$0x8] =	wrdreg s5  }
0x13: {  	s10 =	simm.s32 $0x400;
	s0 =	sadd.s32 s6, s0;
	[dreg:$0x5] =	wrdreg s2  }
0x14: {  	s6 =	sadd.s32 $0x585600, s4;
	s7 =	simm.s32 $0x2;
	[dreg:$0x6] =	wrdreg s0  }
.LBB2_1:
0x15: {  	s0 =	rddreg [dreg:$0x6]  }
0x16: {  	s0 =	sadd.s32 $0x0, s0  }
0x17: {  	[tilespmem:s3], [sflag:$0x2] =	stream.linear.gather [hbm4b:s0+s3], $0x190, $0x38;
	[tilespmem:$0x19400] =	vst v63  }
0x18: {  	_ =	swait.ge [sflag:s7], $0x190  }
0x19: {  	s5 =	rddreg [dreg:$0x5];
	[sflag:s7] =	ssyncset.done $0x0  }
0x1a: {  	[sflag:s7] =	ssyncadd.s32 $0xFFFFFE70;
	s0 =	sadd.s32 $0x0, s5  }
0x1b: {  	[tilespmem:s8], [sflag:$0x2] =	stream.linear.gather [hbm4b:s0+s3], $0x190, $0x38;
	[tilespmem:$0x19400] =	vst v63  }
0x1c: {  	_ =	swait.ge [sflag:s7], $0x190  }
0x1d: {  	[sflag:s7] =	ssyncset.done $0x0  }
0x1e: {  	[sflag:s7] =	ssyncadd.s32 $0xFFFFFE70  }
0x1f: {  	[tilespmem:s10], [sflag:$0x1] =	stream.indirect.gather [hbm4b:s1+s9], $0x80, s3, s9, $0xb8;
	[tilespmem:$0x19400] =	vst v63  }
0x20: {  	_ = 	snop  }
0x21: {  	[tilespmem:s11], [sflag:$0x1] =	stream.indirect.gather [hbm4b:s1+s9], $0x80, s8, s9, $0xb8;
	[tilespmem:$0x19400] =	vst v63  }
0x22: {  	_ = 	snop  }
0x23: {  	[tilespmem:s12], [sflag:$0x1] =	stream.indirect.gather [hbm4b:s1+s9], $0x80, s9, s9, $0xb8;
	[tilespmem:$0x19400] =	vst v63  }
0x24: {  	_ = 	snop  }
0x25: {  	[tilespmem:s14], [sflag:$0x1] =	stream.indirect.gather [hbm4b:s1+s9], $0x80, s13, s9, $0xb8;
	[tilespmem:$0x19400] =	vst v63  }
0x26: {  	_ = 	snop  }
0x27: {  	[tilespmem:s16], [sflag:$0x1] =	stream.indirect.gather [hbm4b:s1+s9], $0x80, s15, s9, $0xb8;
	[tilespmem:$0x19400] =	vst v63  }
0x28: {  	_ = 	snop  }
0x29: {  	[tilespmem:s18], [sflag:$0x1] =	stream.indirect.gather [hbm4b:s1+s9], $0x80, s17, s9, $0xb8;
	[tilespmem:$0x19400] =	vst v63  }
0x2a: {  	_ = 	snop  }
0x2b: {  	[tilespmem:s20], [sflag:$0x1] =	stream.indirect.gather [hbm4b:s1+s9], $0x80, s19, s9, $0xb8;
	[tilespmem:$0x19400] =	vst v63  }
0x2c: {  	_ = 	snop  }
0x2d: {  	[tilespmem:s22], [sflag:$0x1] =	stream.indirect.gather [hbm4b:s1+s9], $0x80, s21, s9, $0xb8;
	[tilespmem:$0x19400] =	vst v63  }
0x2e: {  	_ = 	snop  }
0x2f: {  	[tilespmem:s24], [sflag:$0x1] =	stream.indirect.gather [hbm4b:s1+s9], $0x80, s23, s9, $0xb8;
	[tilespmem:$0x19400] =	vst v63  }
0x30: {  	_ = 	snop  }
0x31: {  	[tilespmem:s26], [sflag:$0x1] =	stream.indirect.gather [hbm4b:s1+s9], $0x80, s25, s9, $0xb8;
	[tilespmem:$0x19400] =	vst v63  }
0x32: {  	_ =	swait.ge [sflag:s28], $0x2800  }
0x33: {  	[sflag:s28] =	ssyncset.done $0x0  }
0x34: {  	[sflag:s28] =	ssyncadd.s32 $0xFFFFD800  }
0x35: {  	_ =	swait.ge [sflag:s28], $0x2800  }
0x36: {  	[sflag:s28] =	ssyncset.done $0x0  }
0x37: {  	[sflag:s28] =	ssyncadd.s32 $0xFFFFD800  }
0x38: {  	_ =	swait.ge [sflag:s28], $0x2800  }
0x39: {  	[sflag:s28] =	ssyncset.done $0x0  }
0x3a: {  	[sflag:s28] =	ssyncadd.s32 $0xFFFFD800  }
0x3b: {  	_ =	swait.ge [sflag:s28], $0x2800  }
0x3c: {  	[sflag:s28] =	ssyncset.done $0x0  }
0x3d: {  	[sflag:s28] =	ssyncadd.s32 $0xFFFFD800  }
0x3e: {  	_ =	swait.ge [sflag:s28], $0x2800  }
0x3f: {  	[sflag:s28] =	ssyncset.done $0x0  }
0x40: {  	[sflag:s28] =	ssyncadd.s32 $0xFFFFD800  }
0x41: {  	_ =	swait.ge [sflag:s28], $0x2800  }
0x42: {  	[sflag:s28] =	ssyncset.done $0x0  }
0x43: {  	[sflag:s28] =	ssyncadd.s32 $0xFFFFD800  }
0x44: {  	_ =	swait.ge [sflag:s28], $0x2800  }
0x45: {  	[sflag:s28] =	ssyncset.done $0x0  }
0x46: {  	[sflag:s28] =	ssyncadd.s32 $0xFFFFD800  }
0x47: {  	_ =	swait.ge [sflag:s28], $0x2800  }
0x48: {  	[sflag:s28] =	ssyncset.done $0x0  }
0x49: {  	[sflag:s28] =	ssyncadd.s32 $0xFFFFD800  }
0x4a: {  	_ =	swait.ge [sflag:s28], $0x2800  }
0x4b: {  	[sflag:s28] =	ssyncset.done $0x0  }
0x4c: {  	[sflag:s28] =	ssyncadd.s32 $0xFFFFD800  }
0x4d: {  	_ =	swait.ge [sflag:s28], $0x2800  }
0x4e: {  	[sflag:s28] =	ssyncset.done $0x0  }
0x4f: {  	s31 =	rddreg [dreg:$0x8];
	[sflag:s28] =	ssyncadd.s32 $0xFFFFD800  }
0x50: {  	[hbm4b:s31+s3] =	stream.linear.scatter [tilespmem:s10], [sflag:$0x2], $0xC800, $0x38;
	[tilespmem:$0x19400] =	vst v63  }
0x51: {  	_ =	swait.ge [sflag:s7], $0xC800  }
0x52: {  	[sflag:s7] =	ssyncset.done $0x0  }
0x53: {  	[sflag:s7] =	ssyncadd.s32 $0xFFFF3800  }
0x54: {  	[hbm4b:s6+s3] =	stream.linear.scatter [tilespmem:s11], [sflag:$0x2], $0xC800, $0x38;
	[tilespmem:$0x19400] =	vst v63  }
0x55: {  	s2 =	simm.s32 $0x64;
	s30 =	smov.u32 s6;
	_ =	swait.ge [sflag:s7], $0xC800  }
0x56: {  	s0 =	simm.s32 $0x32;
	s4 =	rddreg [dreg:$0x6];
	[sflag:s7] =	ssyncset.done $0x0  }
.LBB2_2:
0x57: {  	[sflag:s7] =	ssyncadd.s32 $0xFFFF3800;
	s4 =	sadd.s32 s0, s4  }
0x58: {  	[tilespmem:s3], [sflag:$0x2] =	stream.linear.gather [hbm4b:s4+s3], $0x190, $0x38;
	[tilespmem:$0x19400] =	vst v63  }
0x59: {  	_ =	swait.ge [sflag:s7], $0x190  }
0x5a: {  	s4 =	rddreg [dreg:$0x5];
	[sflag:s7] =	ssyncset.done $0x0  }
0x5b: {  	[sflag:s7] =	ssyncadd.s32 $0xFFFFFE70;
	s4 =	sadd.s32 s0, s4  }
0x5c: {  	[tilespmem:s8], [sflag:$0x2] =	stream.linear.gather [hbm4b:s4+s3], $0x190, $0x38;
	[tilespmem:$0x19400] =	vst v63  }
0x5d: {  	_ =	swait.ge [sflag:s7], $0x190  }
0x5e: {  	[sflag:s7] =	ssyncset.done $0x0  }
0x5f: {  	[sflag:s7] =	ssyncadd.s32 $0xFFFFFE70  }
0x60: {  	[tilespmem:s10], [sflag:$0x1] =	stream.indirect.gather [hbm4b:s1+s9], $0x80, s3, s9, $0xb8;
	[tilespmem:$0x19400] =	vst v63  }
0x61: {  	_ = 	snop  }
0x62: {  	[tilespmem:s11], [sflag:$0x1] =	stream.indirect.gather [hbm4b:s1+s9], $0x80, s8, s9, $0xb8;
	[tilespmem:$0x19400] =	vst v63  }
0x63: {  	_ = 	snop  }
0x64: {  	[tilespmem:s12], [sflag:$0x1] =	stream.indirect.gather [hbm4b:s1+s9], $0x80, s9, s9, $0xb8;
	[tilespmem:$0x19400] =	vst v63  }
0x65: {  	_ = 	snop  }
0x66: {  	[tilespmem:s14], [sflag:$0x1] =	stream.indirect.gather [hbm4b:s1+s9], $0x80, s13, s9, $0xb8;
	[tilespmem:$0x19400] =	vst v63  }
0x67: {  	_ = 	snop  }
0x68: {  	[tilespmem:s16], [sflag:$0x1] =	stream.indirect.gather [hbm4b:s1+s9], $0x80, s15, s9, $0xb8;
	[tilespmem:$0x19400] =	vst v63  }
0x69: {  	_ = 	snop  }
0x6a: {  	[tilespmem:s18], [sflag:$0x1] =	stream.indirect.gather [hbm4b:s1+s9], $0x80, s17, s9, $0xb8;
	[tilespmem:$0x19400] =	vst v63  }
0x6b: {  	_ = 	snop  }
0x6c: {  	[tilespmem:s20], [sflag:$0x1] =	stream.indirect.gather [hbm4b:s1+s9], $0x80, s19, s9, $0xb8;
	[tilespmem:$0x19400] =	vst v63  }
0x6d: {  	_ = 	snop  }
0x6e: {  	[tilespmem:s22], [sflag:$0x1] =	stream.indirect.gather [hbm4b:s1+s9], $0x80, s21, s9, $0xb8;
	[tilespmem:$0x19400] =	vst v63  }
0x6f: {  	_ = 	snop  }
0x70: {  	[tilespmem:s24], [sflag:$0x1] =	stream.indirect.gather [hbm4b:s1+s9], $0x80, s23, s9, $0xb8;
	[tilespmem:$0x19400] =	vst v63  }
0x71: {  	_ = 	snop  }
0x72: {  	[tilespmem:s26], [sflag:$0x1] =	stream.indirect.gather [hbm4b:s1+s9], $0x80, s25, s9, $0xb8;
	[tilespmem:$0x19400] =	vst v63  }
0x73: {  	_ =	swait.ge [sflag:s28], $0x2800  }
0x74: {  	[sflag:s28] =	ssyncset.done $0x0  }
0x75: {  	[sflag:s28] =	ssyncadd.s32 $0xFFFFD800  }
0x76: {  	_ =	swait.ge [sflag:s28], $0x2800  }
0x77: {  	[sflag:s28] =	ssyncset.done $0x0  }
0x78: {  	[sflag:s28] =	ssyncadd.s32 $0xFFFFD800  }
0x79: {  	_ =	swait.ge [sflag:s28], $0x2800  }
0x7a: {  	[sflag:s28] =	ssyncset.done $0x0  }
0x7b: {  	[sflag:s28] =	ssyncadd.s32 $0xFFFFD800  }
0x7c: {  	_ =	swait.ge [sflag:s28], $0x2800  }
0x7d: {  	[sflag:s28] =	ssyncset.done $0x0  }
0x7e: {  	[sflag:s28] =	ssyncadd.s32 $0xFFFFD800  }
0x7f: {  	_ =	swait.ge [sflag:s28], $0x2800  }
0x80: {  	[sflag:s28] =	ssyncset.done $0x0  }
0x81: {  	[sflag:s28] =	ssyncadd.s32 $0xFFFFD800  }
0x82: {  	_ =	swait.ge [sflag:s28], $0x2800  }
0x83: {  	[sflag:s28] =	ssyncset.done $0x0  }
0x84: {  	[sflag:s28] =	ssyncadd.s32 $0xFFFFD800  }
0x85: {  	_ =	swait.ge [sflag:s28], $0x2800  }
0x86: {  	[sflag:s28] =	ssyncset.done $0x0  }
0x87: {  	[sflag:s28] =	ssyncadd.s32 $0xFFFFD800  }
0x88: {  	_ =	swait.ge [sflag:s28], $0x2800  }
0x89: {  	[sflag:s28] =	ssyncset.done $0x0  }
0x8a: {  	[sflag:s28] =	ssyncadd.s32 $0xFFFFD800  }
0x8b: {  	_ =	swait.ge [sflag:s28], $0x2800  }
0x8c: {  	[sflag:s28] =	ssyncset.done $0x0  }
0x8d: {  	[sflag:s28] =	ssyncadd.s32 $0xFFFFD800  }
0x8e: {  	_ =	swait.ge [sflag:s28], $0x2800  }
0x8f: {  	[sflag:s28] =	ssyncset.done $0x0  }
0x90: {  	s31 =	sadd.s32 $0x1900, s31;
	[sflag:s28] =	ssyncadd.s32 $0xFFFFD800  }
0x91: {  	[hbm4b:s31+s3] =	stream.linear.scatter [tilespmem:s10], [sflag:$0x2], $0xC800, $0x38;
	[tilespmem:$0x19400] =	vst v63  }
0x92: {  	p0 =	sne.s32 s2, $0x4B0;
	_ =	swait.ge [sflag:s7], $0xC800  }
.Ltmp0:
0x93: {  	[sflag:s7] =	ssyncset.done $0x0;
	(pc) =	sbr.rel @p0 .LBB2_2-.Ltmp0, $4  }
0x94: {  	s30 =	sadd.s32 $0x1900, s30;
	[sflag:s7] =	ssyncadd.s32 $0xFFFF3800  }
0x95: {  	[hbm4b:s30+s3] =	stream.linear.scatter [tilespmem:s11], [sflag:$0x2], $0xC800, $0x38;
	[tilespmem:$0x19400] =	vst v63  }
0x96: {  	s5 =	smov.u32 s2;
	s2 =	sadd.s32 $0x32, s2;
	_ =	swait.ge [sflag:s7], $0xC800  }
0x97: {  	s0 =	smov.u32 s5;
	s4 =	rddreg [dreg:$0x6];
	[sflag:s7] =	ssyncset.done $0x0  }
0x98: {  	[sflag:s7] =	ssyncadd.s32 $0xFFFF3800;
	s2 =	sadd.s32 s0, s4  }
0x99: {  	[tilespmem:s3], [sflag:$0x2] =	stream.linear.gather [hbm4b:s2+s3], $0x190, $0x38;
	[tilespmem:$0x19400] =	vst v63  }
0x9a: {  	_ =	swait.ge [sflag:s7], $0x190  }
0x9b: {  	s5 =	rddreg [dreg:$0x5];
	[sflag:s7] =	ssyncset.done $0x0  }
0x9c: {  	s4 =	sadd.s32 s0, s5;
	[sflag:s7] =	ssyncadd.s32 $0xFFFFFE70  }
0x9d: {  	[tilespmem:s8], [sflag:$0x2] =	stream.linear.gather [hbm4b:s4+s3], $0x190, $0x38;
	[tilespmem:$0x19400] =	vst v63  }
0x9e: {  	_ =	swait.ge [sflag:s7], $0x190  }
0x9f: {  	[sflag:s7] =	ssyncset.done $0x0  }
0xa0: {  	[sflag:s7] =	ssyncadd.s32 $0xFFFFFE70  }
0xa1: {  	[tilespmem:s10], [sflag:$0x1] =	stream.indirect.gather [hbm4b:s1+s9], $0x80, s3, s9, $0xb8;
	[tilespmem:$0x19400] =	vst v63  }
0xa2: {  	_ = 	snop  }
0xa3: {  	[tilespmem:s11], [sflag:$0x1] =	stream.indirect.gather [hbm4b:s1+s9], $0x80, s8, s9, $0xb8;
	[tilespmem:$0x19400] =	vst v63  }
0xa4: {  	_ = 	snop  }
0xa5: {  	[tilespmem:s12], [sflag:$0x1] =	stream.indirect.gather [hbm4b:s1+s9], $0x80, s9, s9, $0xb8;
	[tilespmem:$0x19400] =	vst v63  }
0xa6: {  	_ = 	snop  }
0xa7: {  	[tilespmem:s14], [sflag:$0x1] =	stream.indirect.gather [hbm4b:s1+s9], $0x80, s13, s9, $0xb8;
	[tilespmem:$0x19400] =	vst v63  }
0xa8: {  	_ = 	snop  }
0xa9: {  	[tilespmem:s16], [sflag:$0x1] =	stream.indirect.gather [hbm4b:s1+s9], $0x80, s15, s9, $0xb8;
	[tilespmem:$0x19400] =	vst v63  }
0xaa: {  	_ = 	snop  }
0xab: {  	[tilespmem:s18], [sflag:$0x1] =	stream.indirect.gather [hbm4b:s1+s9], $0x80, s17, s9, $0xb8;
	[tilespmem:$0x19400] =	vst v63  }
0xac: {  	_ = 	snop  }
0xad: {  	[tilespmem:s20], [sflag:$0x1] =	stream.indirect.gather [hbm4b:s1+s9], $0x80, s19, s9, $0xb8;
	[tilespmem:$0x19400] =	vst v63  }
0xae: {  	_ = 	snop  }
0xaf: {  	[tilespmem:s22], [sflag:$0x1] =	stream.indirect.gather [hbm4b:s1+s9], $0x80, s21, s9, $0xb8;
	[tilespmem:$0x19400] =	vst v63  }
0xb0: {  	_ = 	snop  }
0xb1: {  	[tilespmem:s24], [sflag:$0x1] =	stream.indirect.gather [hbm4b:s1+s9], $0x80, s23, s9, $0xb8;
	[tilespmem:$0x19400] =	vst v63  }
0xb2: {  	_ = 	snop  }
0xb3: {  	[tilespmem:s26], [sflag:$0x1] =	stream.indirect.gather [hbm4b:s1+s9], $0x80, s25, s9, $0xb8;
	[tilespmem:$0x19400] =	vst v63  }
0xb4: {  	_ =	swait.ge [sflag:s28], $0x2800  }
0xb5: {  	[sflag:s28] =	ssyncset.done $0x0  }
0xb6: {  	[sflag:s28] =	ssyncadd.s32 $0xFFFFD800  }
0xb7: {  	_ =	swait.ge [sflag:s28], $0x2800  }
0xb8: {  	[sflag:s28] =	ssyncset.done $0x0  }
0xb9: {  	[sflag:s28] =	ssyncadd.s32 $0xFFFFD800  }
0xba: {  	_ =	swait.ge [sflag:s28], $0x2800  }
0xbb: {  	[sflag:s28] =	ssyncset.done $0x0  }
0xbc: {  	[sflag:s28] =	ssyncadd.s32 $0xFFFFD800  }
0xbd: {  	_ =	swait.ge [sflag:s28], $0x2800  }
0xbe: {  	[sflag:s28] =	ssyncset.done $0x0  }
0xbf: {  	[sflag:s28] =	ssyncadd.s32 $0xFFFFD800  }
0xc0: {  	_ =	swait.ge [sflag:s28], $0x2800  }
0xc1: {  	[sflag:s28] =	ssyncset.done $0x0  }
0xc2: {  	[sflag:s28] =	ssyncadd.s32 $0xFFFFD800  }
0xc3: {  	_ =	swait.ge [sflag:s28], $0x2800  }
0xc4: {  	[sflag:s28] =	ssyncset.done $0x0  }
0xc5: {  	[sflag:s28] =	ssyncadd.s32 $0xFFFFD800  }
0xc6: {  	_ =	swait.ge [sflag:s28], $0x2800  }
0xc7: {  	[sflag:s28] =	ssyncset.done $0x0  }
0xc8: {  	[sflag:s28] =	ssyncadd.s32 $0xFFFFD800  }
0xc9: {  	_ =	swait.ge [sflag:s28], $0x2800  }
0xca: {  	[sflag:s28] =	ssyncset.done $0x0  }
0xcb: {  	[sflag:s28] =	ssyncadd.s32 $0xFFFFD800  }
0xcc: {  	_ =	swait.ge [sflag:s28], $0x2800  }
0xcd: {  	[sflag:s28] =	ssyncset.done $0x0  }
0xce: {  	[sflag:s28] =	ssyncadd.s32 $0xFFFFD800  }
0xcf: {  	_ =	swait.ge [sflag:s28], $0x2800  }
0xd0: {  	[sflag:s28] =	ssyncset.done $0x0  }
0xd1: {  	s5 =	sadd.s32 $0x1900, s31;
	[sflag:s28] =	ssyncadd.s32 $0xFFFFD800  }
0xd2: {  	[hbm4b:s5+s3] =	stream.linear.scatter [tilespmem:s10], [sflag:$0x2], $0xC800, $0x38;
	[tilespmem:$0x19400] =	vst v63  }
0xd3: {  	_ =	swait.ge [sflag:s7], $0xC800  }
0xd4: {  	[sflag:s7] =	ssyncset.done $0x0  }
0xd5: {  	s30 =	sadd.s32 $0x1900, s30;
	[sflag:s7] =	ssyncadd.s32 $0xFFFF3800  }
0xd6: {  	[hbm4b:s30+s3] =	stream.linear.scatter [tilespmem:s11], [sflag:$0x2], $0xC800, $0x38;
	[tilespmem:$0x19400] =	vst v63  }
0xd7: {  	_ =	swait.ge [sflag:s7], $0xC800  }
0xd8: {  	s29 =	sadd.s32 $0x1, s29;
	s31 =	rddreg [dreg:$0x7]  }
0xd9: {  	p0 =	sne.s32 s29, s31  }
.Ltmp1:
0xda: {  	_ = 	snop;
	(pc) =	sbr.rel @p0 .LBB2_1-.Ltmp1, $3  }
0xdb: {  	_ =	sdelay $0x1  }
0xdc: {  	[sflag:s7] =	ssyncset.done $0x0  }
0xdd: {  	[sflag:s7] =	ssyncadd.s32 $0xFFFF3800  }
0xde: {  	_ =	sfence.sel $0x180000  }
0xdf: {  	[bflag:$0x0] =	sbarrier.arrive $0xFFFF  }
0xe0: {  	_ =	strace $0x9000004A  }
0xe1: {  	s0 =	stileid.u32;
	[bflag:$0x2] =	sbarrier.arrive $0xFFFF  }
0xe2: {  	p0 =	sne.s32 s0, $0x0;
	s0 =	rddreg [dreg:$0x4]  }
0xe3: {  	s0 =	sadd.s32 @!p0 $0x100000, s0  }
0xe4: {  	[sflag:s0] =	ssyncadd.tile.s32 @!p0 $0x1;
	_ =	shalt  }
.Lfunc_end2:
_tile_overlayer_lowered:
.L_overlay_start_2:
0xe5: {  	(tag) =	ssettag $0x2  }
0xe6: {  	s0 =	rddreg [dreg:$0x0];
	s2 =	stileid.u32  }
0xe7: {  	s1 =	rddreg [dreg:$0x1];
	p0 =	sne.s32 s2, $0x0  }
0xe8: {  	s3 =	rddreg [dreg:$0x2];
	[bflag:$0x3] =	sbarrier.arrive $0xFFFF;
	s2 =	simm.s32 @!p0 $0x1C02  }
0xe9: {  	[timem:s3], [sflag:s2] =	dma.local @!p0 [hbm:s0], s1  }
0xea: {  	s0 =	simm.s32 @!p0 $0x2  }
0xeb: {  	_ =	swait.ge @!p0 [sflag:s0], s1  }
0xec: {  	s1 =	ssub.s32 @!p0 $0x0, s1;
	[sflag:s0] =	ssyncset.done @!p0 $0x0  }
0xed: {  	[sflag:s0] =	ssyncadd.s32 @!p0 s1  }
0xee: {  	[bflag:$0x3] =	sbarrier.arrive $0xFFFF  }
0xef: {  	_ =	shalt  }

</sc_bundles>
